<compile_context>
chip_gen: v7x
topology: tpu7x:2x2x1
jax: 0.10.2.dev20260603
libtpu: 0.0.44.dev20260713+nightly
codegen_flags: <defaults>
</compile_context>

<pallas_src>
import jax
import jax.numpy as jnp
from jax import lax
from jax.experimental import pallas as pl
from jax.experimental.pallas import tpu as pltpu
from jax.experimental.pallas import tpu_sc as plsc

BATCH = 16384
EMBED_DIM = 32
NUM_CORES = 2
NUM_SUBCORES = 16
NUM_WORKERS = NUM_CORES * NUM_SUBCORES
B_PER_W = BATCH // NUM_WORKERS
LANES = 16
ROUNDS = B_PER_W // LANES
SLAB = 8
PASSES = EMBED_DIM // SLAB
STEPS = ROUNDS * PASSES


def _sc_body(u_ids_hbm, i_ids_hbm, ue_t_hbm, ie_t_hbm, ub_hbm, ib_hbm,
             bias_hbm, out_hbm,
             uidx_v, iidx_v, ubufs_v, ibufs_v, ub_v, ib_v,
             bias_v, acc_v, sem0, sem1, semb):
    wid = lax.axis_index("s") * NUM_CORES + lax.axis_index("c")
    base = wid * B_PER_W

    pltpu.sync_copy(u_ids_hbm.at[pl.ds(base, B_PER_W)], uidx_v)
    pltpu.sync_copy(i_ids_hbm.at[pl.ds(base, B_PER_W)], iidx_v)
    pltpu.sync_copy(bias_hbm, bias_v)

    cb = pltpu.make_async_copy(ub_hbm.at[uidx_v], ub_v, semb)
    ci = pltpu.make_async_copy(ib_hbm.at[iidx_v], ib_v, semb)
    cb.start()
    ci.start()
    svec = lax.iota(jnp.int32, LANES)
    sems = (sem0, sem1)

    def fire(step, buf_id):
        r = step // PASSES
        p = step % PASSES
        off = r * LANES
        uvec = uidx_v[pl.ds(off, LANES)]
        ivec = iidx_v[pl.ds(off, LANES)]
        ublk = jnp.bitwise_and(uvec, -128)
        iblk = jnp.bitwise_and(ivec, -128)
        drow = p * SLAB
        sem = sems[0] if buf_id == 0 else sems[1]
        for s in range(LANES):
            uo = pl.multiple_of(ublk[s], 128)
            io = pl.multiple_of(iblk[s], 128)
            pltpu.make_async_copy(
                ue_t_hbm.at[pl.ds(drow, SLAB), pl.ds(uo, 128)],
                ubufs_v.at[buf_id, s], sem).start()
            pltpu.make_async_copy(
                ie_t_hbm.at[pl.ds(drow, SLAB), pl.ds(io, 128)],
                ibufs_v.at[buf_id, s], sem).start()

    def drain(buf_id):
        sem = sems[0] if buf_id == 0 else sems[1]
        def w(s, c2):
            pltpu.make_async_copy(
                ue_t_hbm.at[pl.ds(0, SLAB), pl.ds(0, 128)],
                ubufs_v.at[buf_id, s], sem).wait()
            pltpu.make_async_copy(
                ie_t_hbm.at[pl.ds(0, SLAB), pl.ds(0, 128)],
                ibufs_v.at[buf_id, s], sem).wait()
            return c2
        lax.fori_loop(0, LANES, w, 0)

    def compute(step, buf_id):
        r = step // PASSES
        p = step % PASSES
        off = r * LANES
        ulan = jnp.bitwise_and(uidx_v[pl.ds(off, LANES)], 127)
        ilan = jnp.bitwise_and(iidx_v[pl.ds(off, LANES)], 127)
        acc = acc_v[pl.ds(off, LANES)]
        bvec = jnp.full((LANES,), buf_id, jnp.int32)
        for d in range(SLAB):
            dv = jnp.full((LANES,), d, jnp.int32)
            gu = plsc.load_gather(ubufs_v, [bvec, svec, dv, ulan])
            gi = plsc.load_gather(ibufs_v, [bvec, svec, dv, ilan])
            acc = acc + gu * gi
        acc_v[pl.ds(off, LANES)] = acc

    zeros = jnp.zeros((LANES,), jnp.float32)

    def init(r, carry):
        acc_v[pl.ds(r * LANES, LANES)] = zeros
        return carry
    lax.fori_loop(0, ROUNDS, init, 0)

    fire(0, 0)

    def step_body(k, carry):
        cur = lax.rem(k, 2)

        @pl.when(k + 1 < STEPS)
        def _():
            @pl.when(cur == 0)
            def _():
                fire(k + 1, 1)

            @pl.when(cur == 1)
            def _():
                fire(k + 1, 0)

        @pl.when(cur == 0)
        def _():
            drain(0)
            compute(k, 0)

        @pl.when(cur == 1)
        def _():
            drain(1)
            compute(k, 1)

        return carry

    lax.fori_loop(0, STEPS, step_body, 0)

    cb.wait()
    ci.wait()
    bias_vec = bias_v[...]

    def add_bias(r, carry):
        off = r * LANES
        acc_v[pl.ds(off, LANES)] = (acc_v[pl.ds(off, LANES)] + bias_vec
                                    + ub_v[pl.ds(off, LANES)]
                                    + ib_v[pl.ds(off, LANES)])
        return carry
    lax.fori_loop(0, ROUNDS, add_bias, 0)

    pltpu.sync_copy(acc_v, out_hbm.at[pl.ds(base, B_PER_W)])


@jax.jit
def kernel(u_ids, i_ids, user_embeddings, item_embeddings, user_bias,
           item_bias, bias):
    bias16 = jnp.broadcast_to(bias.astype(jnp.float32), (LANES,))
    mesh = plsc.VectorSubcoreMesh(core_axis_name="c", subcore_axis_name="s",
                                  num_cores=NUM_CORES)
    f = pl.kernel(
        _sc_body,
        out_type=jax.ShapeDtypeStruct((BATCH,), jnp.float32),
        mesh=mesh,
        compiler_params=pltpu.CompilerParams(needs_layout_passes=False),
        scratch_types=[
            pltpu.VMEM((B_PER_W,), jnp.int32),
            pltpu.VMEM((B_PER_W,), jnp.int32),
            pltpu.VMEM((2, LANES, SLAB, 128), jnp.float32),
            pltpu.VMEM((2, LANES, SLAB, 128), jnp.float32),
            pltpu.VMEM((B_PER_W,), jnp.float32),
            pltpu.VMEM((B_PER_W,), jnp.float32),
            pltpu.VMEM((LANES,), jnp.float32),
            pltpu.VMEM((B_PER_W,), jnp.float32),
            pltpu.SemaphoreType.DMA,
            pltpu.SemaphoreType.DMA,
            pltpu.SemaphoreType.DMA,
        ],
    )
    return f(u_ids, i_ids, user_embeddings.T, item_embeddings.T, user_bias,
             item_bias, bias16)

# --- scband reference (transcript-rebuilt; emitter-appended) ---
"""Pipeline reference for scband-conv-mf-31653908972333 (READ-ONLY COPY).

The authoritative reference and input builder live on the scoring server;
editing this copy changes nothing except your own understanding.
"""

import jax, jax.numpy as jnp
import numpy as np

USER_TOTAL = 1000000
ITEM_TOTAL = 1000000
EMBED_DIM = 32
BATCH = 16384


def setup_inputs(seed: int = 0) -> dict:
    key = jax.random.key(seed)
    k1, k2, k3, k4, k5, k6, k7 = jax.random.split(key, 7)
    u_ids = jax.random.randint(k1, (BATCH,), 0, USER_TOTAL, dtype=jnp.int32)
    i_ids = jax.random.randint(k2, (BATCH,), 0, ITEM_TOTAL, dtype=jnp.int32)
    # Glorot-normal-ish init for embedding tables (per keras GlorotNormal in __init__)
    std_e = (2.0 / (USER_TOTAL + EMBED_DIM)) ** 0.5
    user_embeddings = jax.random.normal(k3, (USER_TOTAL, EMBED_DIM), dtype=jnp.float32) * std_e
    item_embeddings = jax.random.normal(k4, (ITEM_TOTAL, EMBED_DIM), dtype=jnp.float32) * std_e
    user_bias = jax.random.normal(k5, (USER_TOTAL,), dtype=jnp.float32) * 0.01
    item_bias = jax.random.normal(k6, (ITEM_TOTAL,), dtype=jnp.float32) * 0.01
    bias = jax.random.normal(k7, (), dtype=jnp.float32) * 0.01
    return {
        'u_ids': u_ids,
        'i_ids': i_ids,
        'user_embeddings': user_embeddings,
        'item_embeddings': item_embeddings,
        'user_bias': user_bias,
        'item_bias': item_bias,
        'bias': bias,
    }


def reference(u_ids, i_ids, user_embeddings, item_embeddings, user_bias, item_bias, bias):
    # Faithful translation of convMF.call: gather user/item embeddings and
    # biases, then score = bias + u_b + i_b + <u_e, i_e>.
    u_e = jnp.take(user_embeddings, u_ids, axis=0)   # [B, D] gather
    i_e = jnp.take(item_embeddings, i_ids, axis=0)   # [B, D] gather
    u_b = jnp.take(user_bias, u_ids, axis=0)         # [B]
    i_b = jnp.take(item_bias, i_ids, axis=0)         # [B]
    # tf.matmul(expand_dims(u_e,1), expand_dims(i_e,2)) -> [B,1,1]; squeezed dot
    dot = jnp.sum(u_e * i_e, axis=-1)                # [B]
    score = bias + u_b + i_b + dot
    return score

if __name__ == "__main__":
    import jax
    _d = setup_inputs()
    print(jax.jit(kernel)(*tuple(_d.values())))

</pallas_src>

<mosaic_0001>
#map = affine_map<(d0, d1) -> (0)>
#map1 = affine_map<(d0, d1) -> (0, 0)>
module attributes {stable_mosaic.version = 14 : i64} {
  func.func @_sc_body(%arg0: i32, %arg1: i32, %arg2: memref<16384xi32, #tpu.memory_space<hbm>>, %arg3: memref<16384xi32, #tpu.memory_space<hbm>>, %arg4: memref<32x1000000xf32, #tpu.memory_space<hbm>>, %arg5: memref<32x1000000xf32, #tpu.memory_space<hbm>>, %arg6: memref<1000000xf32, #tpu.memory_space<hbm>>, %arg7: memref<1000000xf32, #tpu.memory_space<hbm>>, %arg8: memref<16xf32, #tpu.memory_space<hbm>>, %arg9: memref<16384xf32, #tpu.memory_space<hbm>>, %arg10: memref<512xi32, #tpu.memory_space<vmem>>, %arg11: memref<512xi32, #tpu.memory_space<vmem>>, %arg12: memref<2x16x8x128xf32, #tpu.memory_space<vmem>>, %arg13: memref<2x16x8x128xf32, #tpu.memory_space<vmem>>, %arg14: memref<512xf32, #tpu.memory_space<vmem>>, %arg15: memref<512xf32, #tpu.memory_space<vmem>>, %arg16: memref<16xf32, #tpu.memory_space<vmem>>, %arg17: memref<512xf32, #tpu.memory_space<vmem>>, %arg18: memref<!tpu.dma_semaphore, #tpu.memory_space<semaphore_mem>>, %arg19: memref<!tpu.dma_semaphore, #tpu.memory_space<semaphore_mem>>, %arg20: memref<!tpu.dma_semaphore, #tpu.memory_space<semaphore_mem>>) attributes {dimension_semantics = [#tpu.dimension_semantics<core_parallel>, #tpu.dimension_semantics<subcore_parallel>], iteration_bounds = array<i64: 2, 16>, scalar_prefetch = 0 : i64, scratch_operands = 11 : i64, tpu.core_type = #tpu.core_type<sc_vector_subcore>, window_params = [{transform_indices = #map}, {transform_indices = #map}, {transform_indices = #map1}, {transform_indices = #map1}, {transform_indices = #map}, {transform_indices = #map}, {transform_indices = #map}, {transform_indices = #map}]} {
    %mul3A = arith.constant 2 : i32
    %mul3A_0 = arith.muli %arg1, %mul3A : i32
    %add3A = arith.addi %mul3A_0, %arg0 : i32
    %mul3A_1 = arith.constant 512 : i32
    %mul3A_2 = arith.muli %add3A, %mul3A_1 : i32
    "tpu.region"() ({
      %run_scoped3A = tpu.sem_alloc : memref<!tpu.dma_semaphore, #tpu.memory_space<semaphore_mem>>
      %dma_start3A_578 = tpu.memref_slice %arg2[%mul3A_2] : memref<16384xi32, #tpu.memory_space<hbm>> -> memref<512xi32, #tpu.memory_space<hbm>>
      %dma_start3A_579 = tpu.memref_slice %arg2[%mul3A_2] : memref<16384xi32, #tpu.memory_space<hbm>> -> memref<512xi32, #tpu.memory_space<hbm>>
      tpu.enqueue_dma source(%dma_start3A_579 : memref<512xi32, #tpu.memory_space<hbm>>) target(%arg10 : memref<512xi32, #tpu.memory_space<vmem>>) target_semaphore(%run_scoped3A : memref<!tpu.dma_semaphore, #tpu.memory_space<semaphore_mem>>)
      %dma_wait3A_580 = tpu.memref_slice %arg2[%mul3A_2] : memref<16384xi32, #tpu.memory_space<hbm>> -> memref<512xi32, #tpu.memory_space<hbm>>
      %dma_wait3A_581 = tpu.memref_slice %arg2[%mul3A_2] : memref<16384xi32, #tpu.memory_space<hbm>> -> memref<512xi32, #tpu.memory_space<hbm>>
      tpu.wait_dma2 semaphore(%run_scoped3A : memref<!tpu.dma_semaphore, #tpu.memory_space<semaphore_mem>>) src(%dma_wait3A_581 : memref<512xi32, #tpu.memory_space<hbm>>) dst(%arg10 : memref<512xi32, #tpu.memory_space<vmem>>)
      tpu.yield
    }) : () -> ()
    "tpu.region"() ({
      %run_scoped3A = tpu.sem_alloc : memref<!tpu.dma_semaphore, #tpu.memory_space<semaphore_mem>>
      %dma_start3A_578 = tpu.memref_slice %arg3[%mul3A_2] : memref<16384xi32, #tpu.memory_space<hbm>> -> memref<512xi32, #tpu.memory_space<hbm>>
      %dma_start3A_579 = tpu.memref_slice %arg3[%mul3A_2] : memref<16384xi32, #tpu.memory_space<hbm>> -> memref<512xi32, #tpu.memory_space<hbm>>
      tpu.enqueue_dma source(%dma_start3A_579 : memref<512xi32, #tpu.memory_space<hbm>>) target(%arg11 : memref<512xi32, #tpu.memory_space<vmem>>) target_semaphore(%run_scoped3A : memref<!tpu.dma_semaphore, #tpu.memory_space<semaphore_mem>>)
      %dma_wait3A_580 = tpu.memref_slice %arg3[%mul3A_2] : memref<16384xi32, #tpu.memory_space<hbm>> -> memref<512xi32, #tpu.memory_space<hbm>>
      %dma_wait3A_581 = tpu.memref_slice %arg3[%mul3A_2] : memref<16384xi32, #tpu.memory_space<hbm>> -> memref<512xi32, #tpu.memory_space<hbm>>
      tpu.wait_dma2 semaphore(%run_scoped3A : memref<!tpu.dma_semaphore, #tpu.memory_space<semaphore_mem>>) src(%dma_wait3A_581 : memref<512xi32, #tpu.memory_space<hbm>>) dst(%arg11 : memref<512xi32, #tpu.memory_space<vmem>>)
      tpu.yield
    }) : () -> ()
    "tpu.region"() ({
      %run_scoped3A = tpu.sem_alloc : memref<!tpu.dma_semaphore, #tpu.memory_space<semaphore_mem>>
      tpu.enqueue_dma source(%arg8 : memref<16xf32, #tpu.memory_space<hbm>>) target(%arg16 : memref<16xf32, #tpu.memory_space<vmem>>) target_semaphore(%run_scoped3A : memref<!tpu.dma_semaphore, #tpu.memory_space<semaphore_mem>>)
      tpu.wait_dma2 semaphore(%run_scoped3A : memref<!tpu.dma_semaphore, #tpu.memory_space<semaphore_mem>>) src(%arg8 : memref<16xf32, #tpu.memory_space<hbm>>) dst(%arg16 : memref<16xf32, #tpu.memory_space<vmem>>)
      tpu.yield
    }) : () -> ()
    %dma_start3A = arith.constant 0 : i32
    %dma_start3A_3 = tpu.memref_slice %arg6[%dma_start3A] : memref<1000000xf32, #tpu.memory_space<hbm>> -> memref<1000000xf32, #tpu.memory_space<hbm>>
    tpu.enqueue_indirect_dma source(%dma_start3A_3 : memref<1000000xf32, #tpu.memory_space<hbm>>) target(%arg14 : memref<512xf32, #tpu.memory_space<vmem>>) offsets(%arg10 : memref<512xi32, #tpu.memory_space<vmem>>) semaphore(%arg20 : memref<!tpu.dma_semaphore, #tpu.memory_space<semaphore_mem>>)
    %dma_start3A_4 = arith.constant 0 : i32
    %dma_start3A_5 = tpu.memref_slice %arg7[%dma_start3A_4] : memref<1000000xf32, #tpu.memory_space<hbm>> -> memref<1000000xf32, #tpu.memory_space<hbm>>
    tpu.enqueue_indirect_dma source(%dma_start3A_5 : memref<1000000xf32, #tpu.memory_space<hbm>>) target(%arg15 : memref<512xf32, #tpu.memory_space<vmem>>) offsets(%arg11 : memref<512xi32, #tpu.memory_space<vmem>>) semaphore(%arg20 : memref<!tpu.dma_semaphore, #tpu.memory_space<semaphore_mem>>)
    %iota3A = tpu.iota {dimensions = array<i32: 0>} : vector<16xi32>
    %broadcast_in_dim3A = arith.constant 0.000000e+00 : f32
    %broadcast_in_dim3A_6 = vector.broadcast %broadcast_in_dim3A : f32 to vector<16xf32>
    %scan3A = arith.constant 0 : i32
    %scan3A_7 = arith.constant 0 : i32
    %scan3A_8 = arith.constant 32 : i32
    %scan3A_9 = arith.addi %scan3A_7, %scan3A_8 : i32
    %scan3A_10 = arith.constant 1 : i32
    scf.for %scan3A_578 = %scan3A_7 to %scan3A_9 step %scan3A_10  : i32 {
      %mul3A_579 = arith.constant 16 : i32
      %mul3A_580 = arith.muli %scan3A_578, %mul3A_579 : i32
      %swap3A = arith.index_cast %mul3A_580 : i32 to index
      %swap3A_581 = tpu.vector_load %arg17[%swap3A] {strides = array<i32>} : memref<512xf32, #tpu.memory_space<vmem>>, vector<16xf32>,
      tpu.vector_store %arg17[%swap3A], %broadcast_in_dim3A_6 {strides = array<i32>} : memref<512xf32, #tpu.memory_space<vmem>>, vector<16xf32>,
    }
    %scan3A_11 = arith.constant 32 : i32
    %get3A = arith.constant 0 : index
    %get3A_12 = tpu.vector_load %arg10[%get3A] {strides = array<i32>} : memref<512xi32, #tpu.memory_space<vmem>>, vector<16xi32>,
    %get3A_13 = arith.constant 0 : index
    %get3A_14 = tpu.vector_load %arg11[%get3A_13] {strides = array<i32>} : memref<512xi32, #tpu.memory_space<vmem>>, vector<16xi32>,
    %and3A = arith.constant -128 : i32
    %and3A_15 = vector.broadcast %and3A : i32 to vector<16xi32>
    %and3A_16 = arith.andi %get3A_12, %and3A_15 : vector<16xi32>
    %and3A_17 = arith.constant -128 : i32
    %and3A_18 = vector.broadcast %and3A_17 : i32 to vector<16xi32>
    %and3A_19 = arith.andi %get3A_14, %and3A_18 : vector<16xi32>
    %slice3A = vector.extract_strided_slice %and3A_16 {offsets = [0], sizes = [1], strides = [1]} : vector<16xi32> to vector<1xi32>
    %squeeze3A = vector.extract %slice3A[0] : i32 from vector<1xi32>
    %multiple_of3A = tpu.assume_multiple %squeeze3A, 128 : i32
    %slice3A_20 = vector.extract_strided_slice %and3A_19 {offsets = [0], sizes = [1], strides = [1]} : vector<16xi32> to vector<1xi32>
    %squeeze3A_21 = vector.extract %slice3A_20[0] : i32 from vector<1xi32>
    %multiple_of3A_22 = tpu.assume_multiple %squeeze3A_21, 128 : i32
    %dma_start3A_23 = arith.constant 0 : i32
    %dma_start3A_24 = arith.constant 0 : i32
    %dma_start3A_25 = arith.constant 0 : i32
    %dma_start3A_26 = arith.constant 0 : i32
    %dma_start3A_27 = tpu.memref_slice %arg12[%dma_start3A_23, %dma_start3A_24, %dma_start3A_25, %dma_start3A_26] : memref<2x16x8x128xf32, #tpu.memory_space<vmem>> -> memref<1x1x8x128xf32, #tpu.memory_space<vmem>>
    %dma_start3A_28 = tpu.memref_squeeze %dma_start3A_27 : memref<1x1x8x128xf32, #tpu.memory_space<vmem>> -> memref<8x128xf32, #tpu.memory_space<vmem>>
    %dma_start3A_29 = arith.constant 0 : i32
    %dma_start3A_30 = tpu.memref_slice %arg4[%dma_start3A_29, %multiple_of3A] : memref<32x1000000xf32, #tpu.memory_space<hbm>> -> memref<8x128xf32, #tpu.memory_space<hbm>>
    %dma_start3A_31 = arith.constant 0 : i32
    %dma_start3A_32 = arith.constant 0 : i32
    %dma_start3A_33 = tpu.memref_slice %arg12[%dma_start3A_23, %dma_start3A_24, %dma_start3A_31, %dma_start3A_32] : memref<2x16x8x128xf32, #tpu.memory_space<vmem>> -> memref<1x1x8x128xf32, #tpu.memory_space<vmem>>
    %dma_start3A_34 = tpu.memref_squeeze %dma_start3A_33 : memref<1x1x8x128xf32, #tpu.memory_space<vmem>> -> memref<8x128xf32, #tpu.memory_space<vmem>>
    %dma_start3A_35 = arith.constant 0 : i32
    %dma_start3A_36 = tpu.memref_slice %arg4[%dma_start3A_35, %multiple_of3A] : memref<32x1000000xf32, #tpu.memory_space<hbm>> -> memref<8x128xf32, #tpu.memory_space<hbm>>
    tpu.enqueue_dma source(%dma_start3A_36 : memref<8x128xf32, #tpu.memory_space<hbm>>) target(%dma_start3A_34 : memref<8x128xf32, #tpu.memory_space<vmem>>) target_semaphore(%arg18 : memref<!tpu.dma_semaphore, #tpu.memory_space<semaphore_mem>>)
    %dma_start3A_37 = arith.constant 0 : i32
    %dma_start3A_38 = arith.constant 0 : i32
    %dma_start3A_39 = arith.constant 0 : i32
    %dma_start3A_40 = arith.constant 0 : i32
    %dma_start3A_41 = tpu.memref_slice %arg13[%dma_start3A_37, %dma_start3A_38, %dma_start3A_39, %dma_start3A_40] : memref<2x16x8x128xf32, #tpu.memory_space<vmem>> -> memref<1x1x8x128xf32, #tpu.memory_space<vmem>>
    %dma_start3A_42 = tpu.memref_squeeze %dma_start3A_41 : memref<1x1x8x128xf32, #tpu.memory_space<vmem>> -> memref<8x128xf32, #tpu.memory_space<vmem>>
    %dma_start3A_43 = arith.constant 0 : i32
    %dma_start3A_44 = tpu.memref_slice %arg5[%dma_start3A_43, %multiple_of3A_22] : memref<32x1000000xf32, #tpu.memory_space<hbm>> -> memref<8x128xf32, #tpu.memory_space<hbm>>
    %dma_start3A_45 = arith.constant 0 : i32
    %dma_start3A_46 = arith.constant 0 : i32
    %dma_start3A_47 = tpu.memref_slice %arg13[%dma_start3A_37, %dma_start3A_38, %dma_start3A_45, %dma_start3A_46] : memref<2x16x8x128xf32, #tpu.memory_space<vmem>> -> memref<1x1x8x128xf32, #tpu.memory_space<vmem>>
    %dma_start3A_48 = tpu.memref_squeeze %dma_start3A_47 : memref<1x1x8x128xf32, #tpu.memory_space<vmem>> -> memref<8x128xf32, #tpu.memory_space<vmem>>
    %dma_start3A_49 = arith.constant 0 : i32
    %dma_start3A_50 = tpu.memref_slice %arg5[%dma_start3A_49, %multiple_of3A_22] : memref<32x1000000xf32, #tpu.memory_space<hbm>> -> memref<8x128xf32, #tpu.memory_space<hbm>>
    tpu.enqueue_dma source(%dma_start3A_50 : memref<8x128xf32, #tpu.memory_space<hbm>>) target(%dma_start3A_48 : memref<8x128xf32, #tpu.memory_space<vmem>>) target_semaphore(%arg18 : memref<!tpu.dma_semaphore, #tpu.memory_space<semaphore_mem>>)
    %slice3A_51 = vector.extract_strided_slice %and3A_16 {offsets = [1], sizes = [1], strides = [1]} : vector<16xi32> to vector<1xi32>
    %squeeze3A_52 = vector.extract %slice3A_51[0] : i32 from vector<1xi32>
    %multiple_of3A_53 = tpu.assume_multiple %squeeze3A_52, 128 : i32
    %slice3A_54 = vector.extract_strided_slice %and3A_19 {offsets = [1], sizes = [1], strides = [1]} : vector<16xi32> to vector<1xi32>
    %squeeze3A_55 = vector.extract %slice3A_54[0] : i32 from vector<1xi32>
    %multiple_of3A_56 = tpu.assume_multiple %squeeze3A_55, 128 : i32
    %dma_start3A_57 = arith.constant 0 : i32
    %dma_start3A_58 = arith.constant 1 : i32
    %dma_start3A_59 = arith.constant 0 : i32
    %dma_start3A_60 = arith.constant 0 : i32
    %dma_start3A_61 = tpu.memref_slice %arg12[%dma_start3A_57, %dma_start3A_58, %dma_start3A_59, %dma_start3A_60] : memref<2x16x8x128xf32, #tpu.memory_space<vmem>> -> memref<1x1x8x128xf32, #tpu.memory_space<vmem>>
    %dma_start3A_62 = tpu.memref_squeeze %dma_start3A_61 : memref<1x1x8x128xf32, #tpu.memory_space<vmem>> -> memref<8x128xf32, #tpu.memory_space<vmem>>
    %dma_start3A_63 = arith.constant 0 : i32
    %dma_start3A_64 = tpu.memref_slice %arg4[%dma_start3A_63, %multiple_of3A_53] : memref<32x1000000xf32, #tpu.memory_space<hbm>> -> memref<8x128xf32, #tpu.memory_space<hbm>>
    %dma_start3A_65 = arith.constant 0 : i32
    %dma_start3A_66 = arith.constant 0 : i32
    %dma_start3A_67 = tpu.memref_slice %arg12[%dma_start3A_57, %dma_start3A_58, %dma_start3A_65, %dma_start3A_66] : memref<2x16x8x128xf32, #tpu.memory_space<vmem>> -> memref<1x1x8x128xf32, #tpu.memory_space<vmem>>
    %dma_start3A_68 = tpu.memref_squeeze %dma_start3A_67 : memref<1x1x8x128xf32, #tpu.memory_space<vmem>> -> memref<8x128xf32, #tpu.memory_space<vmem>>
    %dma_start3A_69 = arith.constant 0 : i32
    %dma_start3A_70 = tpu.memref_slice %arg4[%dma_start3A_69, %multiple_of3A_53] : memref<32x1000000xf32, #tpu.memory_space<hbm>> -> memref<8x128xf32, #tpu.memory_space<hbm>>
    tpu.enqueue_dma source(%dma_start3A_70 : memref<8x128xf32, #tpu.memory_space<hbm>>) target(%dma_start3A_68 : memref<8x128xf32, #tpu.memory_space<vmem>>) target_semaphore(%arg18 : memref<!tpu.dma_semaphore, #tpu.memory_space<semaphore_mem>>)
    %dma_start3A_71 = arith.constant 0 : i32
    %dma_start3A_72 = arith.constant 1 : i32
    %dma_start3A_73 = arith.constant 0 : i32
    %dma_start3A_74 = arith.constant 0 : i32
    %dma_start3A_75 = tpu.memref_slice %arg13[%dma_start3A_71, %dma_start3A_72, %dma_start3A_73, %dma_start3A_74] : memref<2x16x8x128xf32, #tpu.memory_space<vmem>> -> memref<1x1x8x128xf32, #tpu.memory_space<vmem>>
    %dma_start3A_76 = tpu.memref_squeeze %dma_start3A_75 : memref<1x1x8x128xf32, #tpu.memory_space<vmem>> -> memref<8x128xf32, #tpu.memory_space<vmem>>
    %dma_start3A_77 = arith.constant 0 : i32
    %dma_start3A_78 = tpu.memref_slice %arg5[%dma_start3A_77, %multiple_of3A_56] : memref<32x1000000xf32, #tpu.memory_space<hbm>> -> memref<8x128xf32, #tpu.memory_space<hbm>>
    %dma_start3A_79 = arith.constant 0 : i32
    %dma_start3A_80 = arith.constant 0 : i32
    %dma_start3A_81 = tpu.memref_slice %arg13[%dma_start3A_71, %dma_start3A_72, %dma_start3A_79, %dma_start3A_80] : memref<2x16x8x128xf32, #tpu.memory_space<vmem>> -> memref<1x1x8x128xf32, #tpu.memory_space<vmem>>
    %dma_start3A_82 = tpu.memref_squeeze %dma_start3A_81 : memref<1x1x8x128xf32, #tpu.memory_space<vmem>> -> memref<8x128xf32, #tpu.memory_space<vmem>>
    %dma_start3A_83 = arith.constant 0 : i32
    %dma_start3A_84 = tpu.memref_slice %arg5[%dma_start3A_83, %multiple_of3A_56] : memref<32x1000000xf32, #tpu.memory_space<hbm>> -> memref<8x128xf32, #tpu.memory_space<hbm>>
    tpu.enqueue_dma source(%dma_start3A_84 : memref<8x128xf32, #tpu.memory_space<hbm>>) target(%dma_start3A_82 : memref<8x128xf32, #tpu.memory_space<vmem>>) target_semaphore(%arg18 : memref<!tpu.dma_semaphore, #tpu.memory_space<semaphore_mem>>)
    %slice3A_85 = vector.extract_strided_slice %and3A_16 {offsets = [2], sizes = [1], strides = [1]} : vector<16xi32> to vector<1xi32>
    %squeeze3A_86 = vector.extract %slice3A_85[0] : i32 from vector<1xi32>
    %multiple_of3A_87 = tpu.assume_multiple %squeeze3A_86, 128 : i32
    %slice3A_88 = vector.extract_strided_slice %and3A_19 {offsets = [2], sizes = [1], strides = [1]} : vector<16xi32> to vector<1xi32>
    %squeeze3A_89 = vector.extract %slice3A_88[0] : i32 from vector<1xi32>
    %multiple_of3A_90 = tpu.assume_multiple %squeeze3A_89, 128 : i32
    %dma_start3A_91 = arith.constant 0 : i32
    %dma_start3A_92 = arith.constant 2 : i32
    %dma_start3A_93 = arith.constant 0 : i32
    %dma_start3A_94 = arith.constant 0 : i32
    %dma_start3A_95 = tpu.memref_slice %arg12[%dma_start3A_91, %dma_start3A_92, %dma_start3A_93, %dma_start3A_94] : memref<2x16x8x128xf32, #tpu.memory_space<vmem>> -> memref<1x1x8x128xf32, #tpu.memory_space<vmem>>
    %dma_start3A_96 = tpu.memref_squeeze %dma_start3A_95 : memref<1x1x8x128xf32, #tpu.memory_space<vmem>> -> memref<8x128xf32, #tpu.memory_space<vmem>>
    %dma_start3A_97 = arith.constant 0 : i32
    %dma_start3A_98 = tpu.memref_slice %arg4[%dma_start3A_97, %multiple_of3A_87] : memref<32x1000000xf32, #tpu.memory_space<hbm>> -> memref<8x128xf32, #tpu.memory_space<hbm>>
    %dma_start3A_99 = arith.constant 0 : i32
    %dma_start3A_100 = arith.constant 0 : i32
    %dma_start3A_101 = tpu.memref_slice %arg12[%dma_start3A_91, %dma_start3A_92, %dma_start3A_99, %dma_start3A_100] : memref<2x16x8x128xf32, #tpu.memory_space<vmem>> -> memref<1x1x8x128xf32, #tpu.memory_space<vmem>>
    %dma_start3A_102 = tpu.memref_squeeze %dma_start3A_101 : memref<1x1x8x128xf32, #tpu.memory_space<vmem>> -> memref<8x128xf32, #tpu.memory_space<vmem>>
    %dma_start3A_103 = arith.constant 0 : i32
    %dma_start3A_104 = tpu.memref_slice %arg4[%dma_start3A_103, %multiple_of3A_87] : memref<32x1000000xf32, #tpu.memory_space<hbm>> -> memref<8x128xf32, #tpu.memory_space<hbm>>
    tpu.enqueue_dma source(%dma_start3A_104 : memref<8x128xf32, #tpu.memory_space<hbm>>) target(%dma_start3A_102 : memref<8x128xf32, #tpu.memory_space<vmem>>) target_semaphore(%arg18 : memref<!tpu.dma_semaphore, #tpu.memory_space<semaphore_mem>>)
    %dma_start3A_105 = arith.constant 0 : i32
    %dma_start3A_106 = arith.constant 2 : i32
    %dma_start3A_107 = arith.constant 0 : i32
    %dma_start3A_108 = arith.constant 0 : i32
    %dma_start3A_109 = tpu.memref_slice %arg13[%dma_start3A_105, %dma_start3A_106, %dma_start3A_107, %dma_start3A_108] : memref<2x16x8x128xf32, #tpu.memory_space<vmem>> -> memref<1x1x8x128xf32, #tpu.memory_space<vmem>>
    %dma_start3A_110 = tpu.memref_squeeze %dma_start3A_109 : memref<1x1x8x128xf32, #tpu.memory_space<vmem>> -> memref<8x128xf32, #tpu.memory_space<vmem>>
    %dma_start3A_111 = arith.constant 0 : i32
    %dma_start3A_112 = tpu.memref_slice %arg5[%dma_start3A_111, %multiple_of3A_90] : memref<32x1000000xf32, #tpu.memory_space<hbm>> -> memref<8x128xf32, #tpu.memory_space<hbm>>
    %dma_start3A_113 = arith.constant 0 : i32
    %dma_start3A_114 = arith.constant 0 : i32
    %dma_start3A_115 = tpu.memref_slice %arg13[%dma_start3A_105, %dma_start3A_106, %dma_start3A_113, %dma_start3A_114] : memref<2x16x8x128xf32, #tpu.memory_space<vmem>> -> memref<1x1x8x128xf32, #tpu.memory_space<vmem>>
    %dma_start3A_116 = tpu.memref_squeeze %dma_start3A_115 : memref<1x1x8x128xf32, #tpu.memory_space<vmem>> -> memref<8x128xf32, #tpu.memory_space<vmem>>
    %dma_start3A_117 = arith.constant 0 : i32
    %dma_start3A_118 = tpu.memref_slice %arg5[%dma_start3A_117, %multiple_of3A_90] : memref<32x1000000xf32, #tpu.memory_space<hbm>> -> memref<8x128xf32, #tpu.memory_space<hbm>>
    tpu.enqueue_dma source(%dma_start3A_118 : memref<8x128xf32, #tpu.memory_space<hbm>>) target(%dma_start3A_116 : memref<8x128xf32, #tpu.memory_space<vmem>>) target_semaphore(%arg18 : memref<!tpu.dma_semaphore, #tpu.memory_space<semaphore_mem>>)
    %slice3A_119 = vector.extract_strided_slice %and3A_16 {offsets = [3], sizes = [1], strides = [1]} : vector<16xi32> to vector<1xi32>
    %squeeze3A_120 = vector.extract %slice3A_119[0] : i32 from vector<1xi32>
    %multiple_of3A_121 = tpu.assume_multiple %squeeze3A_120, 128 : i32
    %slice3A_122 = vector.extract_strided_slice %and3A_19 {offsets = [3], sizes = [1], strides = [1]} : vector<16xi32> to vector<1xi32>
    %squeeze3A_123 = vector.extract %slice3A_122[0] : i32 from vector<1xi32>
    %multiple_of3A_124 = tpu.assume_multiple %squeeze3A_123, 128 : i32
    %dma_start3A_125 = arith.constant 0 : i32
    %dma_start3A_126 = arith.constant 3 : i32
    %dma_start3A_127 = arith.constant 0 : i32
    %dma_start3A_128 = arith.constant 0 : i32
    %dma_start3A_129 = tpu.memref_slice %arg12[%dma_start3A_125, %dma_start3A_126, %dma_start3A_127, %dma_start3A_128] : memref<2x16x8x128xf32, #tpu.memory_space<vmem>> -> memref<1x1x8x128xf32, #tpu.memory_space<vmem>>
    %dma_start3A_130 = tpu.memref_squeeze %dma_start3A_129 : memref<1x1x8x128xf32, #tpu.memory_space<vmem>> -> memref<8x128xf32, #tpu.memory_space<vmem>>
    %dma_start3A_131 = arith.constant 0 : i32
    %dma_start3A_132 = tpu.memref_slice %arg4[%dma_start3A_131, %multiple_of3A_121] : memref<32x1000000xf32, #tpu.memory_space<hbm>> -> memref<8x128xf32, #tpu.memory_space<hbm>>
    %dma_start3A_133 = arith.constant 0 : i32
    %dma_start3A_134 = arith.constant 0 : i32
    %dma_start3A_135 = tpu.memref_slice %arg12[%dma_start3A_125, %dma_start3A_126, %dma_start3A_133, %dma_start3A_134] : memref<2x16x8x128xf32, #tpu.memory_space<vmem>> -> memref<1x1x8x128xf32, #tpu.memory_space<vmem>>
    %dma_start3A_136 = tpu.memref_squeeze %dma_start3A_135 : memref<1x1x8x128xf32, #tpu.memory_space<vmem>> -> memref<8x128xf32, #tpu.memory_space<vmem>>
    %dma_start3A_137 = arith.constant 0 : i32
    %dma_start3A_138 = tpu.memref_slice %arg4[%dma_start3A_137, %multiple_of3A_121] : memref<32x1000000xf32, #tpu.memory_space<hbm>> -> memref<8x128xf32, #tpu.memory_space<hbm>>
    tpu.enqueue_dma source(%dma_start3A_138 : memref<8x128xf32, #tpu.memory_space<hbm>>) target(%dma_start3A_136 : memref<8x128xf32, #tpu.memory_space<vmem>>) target_semaphore(%arg18 : memref<!tpu.dma_semaphore, #tpu.memory_space<semaphore_mem>>)
    %dma_start3A_139 = arith.constant 0 : i32
    %dma_start3A_140 = arith.constant 3 : i32
    %dma_start3A_141 = arith.constant 0 : i32
    %dma_start3A_142 = arith.constant 0 : i32
    %dma_start3A_143 = tpu.memref_slice %arg13[%dma_start3A_139, %dma_start3A_140, %dma_start3A_141, %dma_start3A_142] : memref<2x16x8x128xf32, #tpu.memory_space<vmem>> -> memref<1x1x8x128xf32, #tpu.memory_space<vmem>>
    %dma_start3A_144 = tpu.memref_squeeze %dma_start3A_143 : memref<1x1x8x128xf32, #tpu.memory_space<vmem>> -> memref<8x128xf32, #tpu.memory_space<vmem>>
    %dma_start3A_145 = arith.constant 0 : i32
    %dma_start3A_146 = tpu.memref_slice %arg5[%dma_start3A_145, %multiple_of3A_124] : memref<32x1000000xf32, #tpu.memory_space<hbm>> -> memref<8x128xf32, #tpu.memory_space<hbm>>
    %dma_start3A_147 = arith.constant 0 : i32
    %dma_start3A_148 = arith.constant 0 : i32
    %dma_start3A_149 = tpu.memref_slice %arg13[%dma_start3A_139, %dma_start3A_140, %dma_start3A_147, %dma_start3A_148] : memref<2x16x8x128xf32, #tpu.memory_space<vmem>> -> memref<1x1x8x128xf32, #tpu.memory_space<vmem>>
    %dma_start3A_150 = tpu.memref_squeeze %dma_start3A_149 : memref<1x1x8x128xf32, #tpu.memory_space<vmem>> -> memref<8x128xf32, #tpu.memory_space<vmem>>
    %dma_start3A_151 = arith.constant 0 : i32
    %dma_start3A_152 = tpu.memref_slice %arg5[%dma_start3A_151, %multiple_of3A_124] : memref<32x1000000xf32, #tpu.memory_space<hbm>> -> memref<8x128xf32, #tpu.memory_space<hbm>>
    tpu.enqueue_dma source(%dma_start3A_152 : memref<8x128xf32, #tpu.memory_space<hbm>>) target(%dma_start3A_150 : memref<8x128xf32, #tpu.memory_space<vmem>>) target_semaphore(%arg18 : memref<!tpu.dma_semaphore, #tpu.memory_space<semaphore_mem>>)
    %slice3A_153 = vector.extract_strided_slice %and3A_16 {offsets = [4], sizes = [1], strides = [1]} : vector<16xi32> to vector<1xi32>
    %squeeze3A_154 = vector.extract %slice3A_153[0] : i32 from vector<1xi32>
    %multiple_of3A_155 = tpu.assume_multiple %squeeze3A_154, 128 : i32
    %slice3A_156 = vector.extract_strided_slice %and3A_19 {offsets = [4], sizes = [1], strides = [1]} : vector<16xi32> to vector<1xi32>
    %squeeze3A_157 = vector.extract %slice3A_156[0] : i32 from vector<1xi32>
    %multiple_of3A_158 = tpu.assume_multiple %squeeze3A_157, 128 : i32
    %dma_start3A_159 = arith.constant 0 : i32
    %dma_start3A_160 = arith.constant 4 : i32
    %dma_start3A_161 = arith.constant 0 : i32
    %dma_start3A_162 = arith.constant 0 : i32
    %dma_start3A_163 = tpu.memref_slice %arg12[%dma_start3A_159, %dma_start3A_160, %dma_start3A_161, %dma_start3A_162] : memref<2x16x8x128xf32, #tpu.memory_space<vmem>> -> memref<1x1x8x128xf32, #tpu.memory_space<vmem>>
    %dma_start3A_164 = tpu.memref_squeeze %dma_start3A_163 : memref<1x1x8x128xf32, #tpu.memory_space<vmem>> -> memref<8x128xf32, #tpu.memory_space<vmem>>
    %dma_start3A_165 = arith.constant 0 : i32
    %dma_start3A_166 = tpu.memref_slice %arg4[%dma_start3A_165, %multiple_of3A_155] : memref<32x1000000xf32, #tpu.memory_space<hbm>> -> memref<8x128xf32, #tpu.memory_space<hbm>>
    %dma_start3A_167 = arith.constant 0 : i32
    %dma_start3A_168 = arith.constant 0 : i32
    %dma_start3A_169 = tpu.memref_slice %arg12[%dma_start3A_159, %dma_start3A_160, %dma_start3A_167, %dma_start3A_168] : memref<2x16x8x128xf32, #tpu.memory_space<vmem>> -> memref<1x1x8x128xf32, #tpu.memory_space<vmem>>
    %dma_start3A_170 = tpu.memref_squeeze %dma_start3A_169 : memref<1x1x8x128xf32, #tpu.memory_space<vmem>> -> memref<8x128xf32, #tpu.memory_space<vmem>>
    %dma_start3A_171 = arith.constant 0 : i32
    %dma_start3A_172 = tpu.memref_slice %arg4[%dma_start3A_171, %multiple_of3A_155] : memref<32x1000000xf32, #tpu.memory_space<hbm>> -> memref<8x128xf32, #tpu.memory_space<hbm>>
    tpu.enqueue_dma source(%dma_start3A_172 : memref<8x128xf32, #tpu.memory_space<hbm>>) target(%dma_start3A_170 : memref<8x128xf32, #tpu.memory_space<vmem>>) target_semaphore(%arg18 : memref<!tpu.dma_semaphore, #tpu.memory_space<semaphore_mem>>)
    %dma_start3A_173 = arith.constant 0 : i32
    %dma_start3A_174 = arith.constant 4 : i32
    %dma_start3A_175 = arith.constant 0 : i32
    %dma_start3A_176 = arith.constant 0 : i32
    %dma_start3A_177 = tpu.memref_slice %arg13[%dma_start3A_173, %dma_start3A_174, %dma_start3A_175, %dma_start3A_176] : memref<2x16x8x128xf32, #tpu.memory_space<vmem>> -> memref<1x1x8x128xf32, #tpu.memory_space<vmem>>
    %dma_start3A_178 = tpu.memref_squeeze %dma_start3A_177 : memref<1x1x8x128xf32, #tpu.memory_space<vmem>> -> memref<8x128xf32, #tpu.memory_space<vmem>>
    %dma_start3A_179 = arith.constant 0 : i32
    %dma_start3A_180 = tpu.memref_slice %arg5[%dma_start3A_179, %multiple_of3A_158] : memref<32x1000000xf32, #tpu.memory_space<hbm>> -> memref<8x128xf32, #tpu.memory_space<hbm>>
    %dma_start3A_181 = arith.constant 0 : i32
    %dma_start3A_182 = arith.constant 0 : i32
    %dma_start3A_183 = tpu.memref_slice %arg13[%dma_start3A_173, %dma_start3A_174, %dma_start3A_181, %dma_start3A_182] : memref<2x16x8x128xf32, #tpu.memory_space<vmem>> -> memref<1x1x8x128xf32, #tpu.memory_space<vmem>>
    %dma_start3A_184 = tpu.memref_squeeze %dma_start3A_183 : memref<1x1x8x128xf32, #tpu.memory_space<vmem>> -> memref<8x128xf32, #tpu.memory_space<vmem>>
    %dma_start3A_185 = arith.constant 0 : i32
    %dma_start3A_186 = tpu.memref_slice %arg5[%dma_start3A_185, %multiple_of3A_158] : memref<32x1000000xf32, #tpu.memory_space<hbm>> -> memref<8x128xf32, #tpu.memory_space<hbm>>
    tpu.enqueue_dma source(%dma_start3A_186 : memref<8x128xf32, #tpu.memory_space<hbm>>) target(%dma_start3A_184 : memref<8x128xf32, #tpu.memory_space<vmem>>) target_semaphore(%arg18 : memref<!tpu.dma_semaphore, #tpu.memory_space<semaphore_mem>>)
    %slice3A_187 = vector.extract_strided_slice %and3A_16 {offsets = [5], sizes = [1], strides = [1]} : vector<16xi32> to vector<1xi32>
    %squeeze3A_188 = vector.extract %slice3A_187[0] : i32 from vector<1xi32>
    %multiple_of3A_189 = tpu.assume_multiple %squeeze3A_188, 128 : i32
    %slice3A_190 = vector.extract_strided_slice %and3A_19 {offsets = [5], sizes = [1], strides = [1]} : vector<16xi32> to vector<1xi32>
    %squeeze3A_191 = vector.extract %slice3A_190[0] : i32 from vector<1xi32>
    %multiple_of3A_192 = tpu.assume_multiple %squeeze3A_191, 128 : i32
    %dma_start3A_193 = arith.constant 0 : i32
    %dma_start3A_194 = arith.constant 5 : i32
    %dma_start3A_195 = arith.constant 0 : i32
    %dma_start3A_196 = arith.constant 0 : i32
    %dma_start3A_197 = tpu.memref_slice %arg12[%dma_start3A_193, %dma_start3A_194, %dma_start3A_195, %dma_start3A_196] : memref<2x16x8x128xf32, #tpu.memory_space<vmem>> -> memref<1x1x8x128xf32, #tpu.memory_space<vmem>>
    %dma_start3A_198 = tpu.memref_squeeze %dma_start3A_197 : memref<1x1x8x128xf32, #tpu.memory_space<vmem>> -> memref<8x128xf32, #tpu.memory_space<vmem>>
    %dma_start3A_199 = arith.constant 0 : i32
    %dma_start3A_200 = tpu.memref_slice %arg4[%dma_start3A_199, %multiple_of3A_189] : memref<32x1000000xf32, #tpu.memory_space<hbm>> -> memref<8x128xf32, #tpu.memory_space<hbm>>
    %dma_start3A_201 = arith.constant 0 : i32
    %dma_start3A_202 = arith.constant 0 : i32
    %dma_start3A_203 = tpu.memref_slice %arg12[%dma_start3A_193, %dma_start3A_194, %dma_start3A_201, %dma_start3A_202] : memref<2x16x8x128xf32, #tpu.memory_space<vmem>> -> memref<1x1x8x128xf32, #tpu.memory_space<vmem>>
    %dma_start3A_204 = tpu.memref_squeeze %dma_start3A_203 : memref<1x1x8x128xf32, #tpu.memory_space<vmem>> -> memref<8x128xf32, #tpu.memory_space<vmem>>
    %dma_start3A_205 = arith.constant 0 : i32
    %dma_start3A_206 = tpu.memref_slice %arg4[%dma_start3A_205, %multiple_of3A_189] : memref<32x1000000xf32, #tpu.memory_space<hbm>> -> memref<8x128xf32, #tpu.memory_space<hbm>>
    tpu.enqueue_dma source(%dma_start3A_206 : memref<8x128xf32, #tpu.memory_space<hbm>>) target(%dma_start3A_204 : memref<8x128xf32, #tpu.memory_space<vmem>>) target_semaphore(%arg18 : memref<!tpu.dma_semaphore, #tpu.memory_space<semaphore_mem>>)
    %dma_start3A_207 = arith.constant 0 : i32
    %dma_start3A_208 = arith.constant 5 : i32
    %dma_start3A_209 = arith.constant 0 : i32
    %dma_start3A_210 = arith.constant 0 : i32
    %dma_start3A_211 = tpu.memref_slice %arg13[%dma_start3A_207, %dma_start3A_208, %dma_start3A_209, %dma_start3A_210] : memref<2x16x8x128xf32, #tpu.memory_space<vmem>> -> memref<1x1x8x128xf32, #tpu.memory_space<vmem>>
    %dma_start3A_212 = tpu.memref_squeeze %dma_start3A_211 : memref<1x1x8x128xf32, #tpu.memory_space<vmem>> -> memref<8x128xf32, #tpu.memory_space<vmem>>
    %dma_start3A_213 = arith.constant 0 : i32
    %dma_start3A_214 = tpu.memref_slice %arg5[%dma_start3A_213, %multiple_of3A_192] : memref<32x1000000xf32, #tpu.memory_space<hbm>> -> memref<8x128xf32, #tpu.memory_space<hbm>>
    %dma_start3A_215 = arith.constant 0 : i32
    %dma_start3A_216 = arith.constant 0 : i32
    %dma_start3A_217 = tpu.memref_slice %arg13[%dma_start3A_207, %dma_start3A_208, %dma_start3A_215, %dma_start3A_216] : memref<2x16x8x128xf32, #tpu.memory_space<vmem>> -> memref<1x1x8x128xf32, #tpu.memory_space<vmem>>
    %dma_start3A_218 = tpu.memref_squeeze %dma_start3A_217 : memref<1x1x8x128xf32, #tpu.memory_space<vmem>> -> memref<8x128xf32, #tpu.memory_space<vmem>>
    %dma_start3A_219 = arith.constant 0 : i32
    %dma_start3A_220 = tpu.memref_slice %arg5[%dma_start3A_219, %multiple_of3A_192] : memref<32x1000000xf32, #tpu.memory_space<hbm>> -> memref<8x128xf32, #tpu.memory_space<hbm>>
    tpu.enqueue_dma source(%dma_start3A_220 : memref<8x128xf32, #tpu.memory_space<hbm>>) target(%dma_start3A_218 : memref<8x128xf32, #tpu.memory_space<vmem>>) target_semaphore(%arg18 : memref<!tpu.dma_semaphore, #tpu.memory_space<semaphore_mem>>)
    %slice3A_221 = vector.extract_strided_slice %and3A_16 {offsets = [6], sizes = [1], strides = [1]} : vector<16xi32> to vector<1xi32>
    %squeeze3A_222 = vector.extract %slice3A_221[0] : i32 from vector<1xi32>
    %multiple_of3A_223 = tpu.assume_multiple %squeeze3A_222, 128 : i32
    %slice3A_224 = vector.extract_strided_slice %and3A_19 {offsets = [6], sizes = [1], strides = [1]} : vector<16xi32> to vector<1xi32>
    %squeeze3A_225 = vector.extract %slice3A_224[0] : i32 from vector<1xi32>
    %multiple_of3A_226 = tpu.assume_multiple %squeeze3A_225, 128 : i32
    %dma_start3A_227 = arith.constant 0 : i32
    %dma_start3A_228 = arith.constant 6 : i32
    %dma_start3A_229 = arith.constant 0 : i32
    %dma_start3A_230 = arith.constant 0 : i32
    %dma_start3A_231 = tpu.memref_slice %arg12[%dma_start3A_227, %dma_start3A_228, %dma_start3A_229, %dma_start3A_230] : memref<2x16x8x128xf32, #tpu.memory_space<vmem>> -> memref<1x1x8x128xf32, #tpu.memory_space<vmem>>
    %dma_start3A_232 = tpu.memref_squeeze %dma_start3A_231 : memref<1x1x8x128xf32, #tpu.memory_space<vmem>> -> memref<8x128xf32, #tpu.memory_space<vmem>>
    %dma_start3A_233 = arith.constant 0 : i32
    %dma_start3A_234 = tpu.memref_slice %arg4[%dma_start3A_233, %multiple_of3A_223] : memref<32x1000000xf32, #tpu.memory_space<hbm>> -> memref<8x128xf32, #tpu.memory_space<hbm>>
    %dma_start3A_235 = arith.constant 0 : i32
    %dma_start3A_236 = arith.constant 0 : i32
    %dma_start3A_237 = tpu.memref_slice %arg12[%dma_start3A_227, %dma_start3A_228, %dma_start3A_235, %dma_start3A_236] : memref<2x16x8x128xf32, #tpu.memory_space<vmem>> -> memref<1x1x8x128xf32, #tpu.memory_space<vmem>>
    %dma_start3A_238 = tpu.memref_squeeze %dma_start3A_237 : memref<1x1x8x128xf32, #tpu.memory_space<vmem>> -> memref<8x128xf32, #tpu.memory_space<vmem>>
    %dma_start3A_239 = arith.constant 0 : i32
    %dma_start3A_240 = tpu.memref_slice %arg4[%dma_start3A_239, %multiple_of3A_223] : memref<32x1000000xf32, #tpu.memory_space<hbm>> -> memref<8x128xf32, #tpu.memory_space<hbm>>
    tpu.enqueue_dma source(%dma_start3A_240 : memref<8x128xf32, #tpu.memory_space<hbm>>) target(%dma_start3A_238 : memref<8x128xf32, #tpu.memory_space<vmem>>) target_semaphore(%arg18 : memref<!tpu.dma_semaphore, #tpu.memory_space<semaphore_mem>>)
    %dma_start3A_241 = arith.constant 0 : i32
    %dma_start3A_242 = arith.constant 6 : i32
    %dma_start3A_243 = arith.constant 0 : i32
    %dma_start3A_244 = arith.constant 0 : i32
    %dma_start3A_245 = tpu.memref_slice %arg13[%dma_start3A_241, %dma_start3A_242, %dma_start3A_243, %dma_start3A_244] : memref<2x16x8x128xf32, #tpu.memory_space<vmem>> -> memref<1x1x8x128xf32, #tpu.memory_space<vmem>>
    %dma_start3A_246 = tpu.memref_squeeze %dma_start3A_245 : memref<1x1x8x128xf32, #tpu.memory_space<vmem>> -> memref<8x128xf32, #tpu.memory_space<vmem>>
    %dma_start3A_247 = arith.constant 0 : i32
    %dma_start3A_248 = tpu.memref_slice %arg5[%dma_start3A_247, %multiple_of3A_226] : memref<32x1000000xf32, #tpu.memory_space<hbm>> -> memref<8x128xf32, #tpu.memory_space<hbm>>
    %dma_start3A_249 = arith.constant 0 : i32
    %dma_start3A_250 = arith.constant 0 : i32
    %dma_start3A_251 = tpu.memref_slice %arg13[%dma_start3A_241, %dma_start3A_242, %dma_start3A_249, %dma_start3A_250] : memref<2x16x8x128xf32, #tpu.memory_space<vmem>> -> memref<1x1x8x128xf32, #tpu.memory_space<vmem>>
    %dma_start3A_252 = tpu.memref_squeeze %dma_start3A_251 : memref<1x1x8x128xf32, #tpu.memory_space<vmem>> -> memref<8x128xf32, #tpu.memory_space<vmem>>
    %dma_start3A_253 = arith.constant 0 : i32
    %dma_start3A_254 = tpu.memref_slice %arg5[%dma_start3A_253, %multiple_of3A_226] : memref<32x1000000xf32, #tpu.memory_space<hbm>> -> memref<8x128xf32, #tpu.memory_space<hbm>>
    tpu.enqueue_dma source(%dma_start3A_254 : memref<8x128xf32, #tpu.memory_space<hbm>>) target(%dma_start3A_252 : memref<8x128xf32, #tpu.memory_space<vmem>>) target_semaphore(%arg18 : memref<!tpu.dma_semaphore, #tpu.memory_space<semaphore_mem>>)
    %slice3A_255 = vector.extract_strided_slice %and3A_16 {offsets = [7], sizes = [1], strides = [1]} : vector<16xi32> to vector<1xi32>
    %squeeze3A_256 = vector.extract %slice3A_255[0] : i32 from vector<1xi32>
    %multiple_of3A_257 = tpu.assume_multiple %squeeze3A_256, 128 : i32
    %slice3A_258 = vector.extract_strided_slice %and3A_19 {offsets = [7], sizes = [1], strides = [1]} : vector<16xi32> to vector<1xi32>
    %squeeze3A_259 = vector.extract %slice3A_258[0] : i32 from vector<1xi32>
    %multiple_of3A_260 = tpu.assume_multiple %squeeze3A_259, 128 : i32
    %dma_start3A_261 = arith.constant 0 : i32
    %dma_start3A_262 = arith.constant 7 : i32
    %dma_start3A_263 = arith.constant 0 : i32
    %dma_start3A_264 = arith.constant 0 : i32
    %dma_start3A_265 = tpu.memref_slice %arg12[%dma_start3A_261, %dma_start3A_262, %dma_start3A_263, %dma_start3A_264] : memref<2x16x8x128xf32, #tpu.memory_space<vmem>> -> memref<1x1x8x128xf32, #tpu.memory_space<vmem>>
    %dma_start3A_266 = tpu.memref_squeeze %dma_start3A_265 : memref<1x1x8x128xf32, #tpu.memory_space<vmem>> -> memref<8x128xf32, #tpu.memory_space<vmem>>
    %dma_start3A_267 = arith.constant 0 : i32
    %dma_start3A_268 = tpu.memref_slice %arg4[%dma_start3A_267, %multiple_of3A_257] : memref<32x1000000xf32, #tpu.memory_space<hbm>> -> memref<8x128xf32, #tpu.memory_space<hbm>>
    %dma_start3A_269 = arith.constant 0 : i32
    %dma_start3A_270 = arith.constant 0 : i32
    %dma_start3A_271 = tpu.memref_slice %arg12[%dma_start3A_261, %dma_start3A_262, %dma_start3A_269, %dma_start3A_270] : memref<2x16x8x128xf32, #tpu.memory_space<vmem>> -> memref<1x1x8x128xf32, #tpu.memory_space<vmem>>
    %dma_start3A_272 = tpu.memref_squeeze %dma_start3A_271 : memref<1x1x8x128xf32, #tpu.memory_space<vmem>> -> memref<8x128xf32, #tpu.memory_space<vmem>>
    %dma_start3A_273 = arith.constant 0 : i32
    %dma_start3A_274 = tpu.memref_slice %arg4[%dma_start3A_273, %multiple_of3A_257] : memref<32x1000000xf32, #tpu.memory_space<hbm>> -> memref<8x128xf32, #tpu.memory_space<hbm>>
    tpu.enqueue_dma source(%dma_start3A_274 : memref<8x128xf32, #tpu.memory_space<hbm>>) target(%dma_start3A_272 : memref<8x128xf32, #tpu.memory_space<vmem>>) target_semaphore(%arg18 : memref<!tpu.dma_semaphore, #tpu.memory_space<semaphore_mem>>)
    %dma_start3A_275 = arith.constant 0 : i32
    %dma_start3A_276 = arith.constant 7 : i32
    %dma_start3A_277 = arith.constant 0 : i32
    %dma_start3A_278 = arith.constant 0 : i32
    %dma_start3A_279 = tpu.memref_slice %arg13[%dma_start3A_275, %dma_start3A_276, %dma_start3A_277, %dma_start3A_278] : memref<2x16x8x128xf32, #tpu.memory_space<vmem>> -> memref<1x1x8x128xf32, #tpu.memory_space<vmem>>
    %dma_start3A_280 = tpu.memref_squeeze %dma_start3A_279 : memref<1x1x8x128xf32, #tpu.memory_space<vmem>> -> memref<8x128xf32, #tpu.memory_space<vmem>>
    %dma_start3A_281 = arith.constant 0 : i32
    %dma_start3A_282 = tpu.memref_slice %arg5[%dma_start3A_281, %multiple_of3A_260] : memref<32x1000000xf32, #tpu.memory_space<hbm>> -> memref<8x128xf32, #tpu.memory_space<hbm>>
    %dma_start3A_283 = arith.constant 0 : i32
    %dma_start3A_284 = arith.constant 0 : i32
    %dma_start3A_285 = tpu.memref_slice %arg13[%dma_start3A_275, %dma_start3A_276, %dma_start3A_283, %dma_start3A_284] : memref<2x16x8x128xf32, #tpu.memory_space<vmem>> -> memref<1x1x8x128xf32, #tpu.memory_space<vmem>>
    %dma_start3A_286 = tpu.memref_squeeze %dma_start3A_285 : memref<1x1x8x128xf32, #tpu.memory_space<vmem>> -> memref<8x128xf32, #tpu.memory_space<vmem>>
    %dma_start3A_287 = arith.constant 0 : i32
    %dma_start3A_288 = tpu.memref_slice %arg5[%dma_start3A_287, %multiple_of3A_260] : memref<32x1000000xf32, #tpu.memory_space<hbm>> -> memref<8x128xf32, #tpu.memory_space<hbm>>
    tpu.enqueue_dma source(%dma_start3A_288 : memref<8x128xf32, #tpu.memory_space<hbm>>) target(%dma_start3A_286 : memref<8x128xf32, #tpu.memory_space<vmem>>) target_semaphore(%arg18 : memref<!tpu.dma_semaphore, #tpu.memory_space<semaphore_mem>>)
    %slice3A_289 = vector.extract_strided_slice %and3A_16 {offsets = [8], sizes = [1], strides = [1]} : vector<16xi32> to vector<1xi32>
    %squeeze3A_290 = vector.extract %slice3A_289[0] : i32 from vector<1xi32>
    %multiple_of3A_291 = tpu.assume_multiple %squeeze3A_290, 128 : i32
    %slice3A_292 = vector.extract_strided_slice %and3A_19 {offsets = [8], sizes = [1], strides = [1]} : vector<16xi32> to vector<1xi32>
    %squeeze3A_293 = vector.extract %slice3A_292[0] : i32 from vector<1xi32>
    %multiple_of3A_294 = tpu.assume_multiple %squeeze3A_293, 128 : i32
    %dma_start3A_295 = arith.constant 0 : i32
    %dma_start3A_296 = arith.constant 8 : i32
    %dma_start3A_297 = arith.constant 0 : i32
    %dma_start3A_298 = arith.constant 0 : i32
    %dma_start3A_299 = tpu.memref_slice %arg12[%dma_start3A_295, %dma_start3A_296, %dma_start3A_297, %dma_start3A_298] : memref<2x16x8x128xf32, #tpu.memory_space<vmem>> -> memref<1x1x8x128xf32, #tpu.memory_space<vmem>>
    %dma_start3A_300 = tpu.memref_squeeze %dma_start3A_299 : memref<1x1x8x128xf32, #tpu.memory_space<vmem>> -> memref<8x128xf32, #tpu.memory_space<vmem>>
    %dma_start3A_301 = arith.constant 0 : i32
    %dma_start3A_302 = tpu.memref_slice %arg4[%dma_start3A_301, %multiple_of3A_291] : memref<32x1000000xf32, #tpu.memory_space<hbm>> -> memref<8x128xf32, #tpu.memory_space<hbm>>
    %dma_start3A_303 = arith.constant 0 : i32
    %dma_start3A_304 = arith.constant 0 : i32
    %dma_start3A_305 = tpu.memref_slice %arg12[%dma_start3A_295, %dma_start3A_296, %dma_start3A_303, %dma_start3A_304] : memref<2x16x8x128xf32, #tpu.memory_space<vmem>> -> memref<1x1x8x128xf32, #tpu.memory_space<vmem>>
    %dma_start3A_306 = tpu.memref_squeeze %dma_start3A_305 : memref<1x1x8x128xf32, #tpu.memory_space<vmem>> -> memref<8x128xf32, #tpu.memory_space<vmem>>
    %dma_start3A_307 = arith.constant 0 : i32
    %dma_start3A_308 = tpu.memref_slice %arg4[%dma_start3A_307, %multiple_of3A_291] : memref<32x1000000xf32, #tpu.memory_space<hbm>> -> memref<8x128xf32, #tpu.memory_space<hbm>>
    tpu.enqueue_dma source(%dma_start3A_308 : memref<8x128xf32, #tpu.memory_space<hbm>>) target(%dma_start3A_306 : memref<8x128xf32, #tpu.memory_space<vmem>>) target_semaphore(%arg18 : memref<!tpu.dma_semaphore, #tpu.memory_space<semaphore_mem>>)
    %dma_start3A_309 = arith.constant 0 : i32
    %dma_start3A_310 = arith.constant 8 : i32
    %dma_start3A_311 = arith.constant 0 : i32
    %dma_start3A_312 = arith.constant 0 : i32
    %dma_start3A_313 = tpu.memref_slice %arg13[%dma_start3A_309, %dma_start3A_310, %dma_start3A_311, %dma_start3A_312] : memref<2x16x8x128xf32, #tpu.memory_space<vmem>> -> memref<1x1x8x128xf32, #tpu.memory_space<vmem>>
    %dma_start3A_314 = tpu.memref_squeeze %dma_start3A_313 : memref<1x1x8x128xf32, #tpu.memory_space<vmem>> -> memref<8x128xf32, #tpu.memory_space<vmem>>
    %dma_start3A_315 = arith.constant 0 : i32
    %dma_start3A_316 = tpu.memref_slice %arg5[%dma_start3A_315, %multiple_of3A_294] : memref<32x1000000xf32, #tpu.memory_space<hbm>> -> memref<8x128xf32, #tpu.memory_space<hbm>>
    %dma_start3A_317 = arith.constant 0 : i32
    %dma_start3A_318 = arith.constant 0 : i32
    %dma_start3A_319 = tpu.memref_slice %arg13[%dma_start3A_309, %dma_start3A_310, %dma_start3A_317, %dma_start3A_318] : memref<2x16x8x128xf32, #tpu.memory_space<vmem>> -> memref<1x1x8x128xf32, #tpu.memory_space<vmem>>
    %dma_start3A_320 = tpu.memref_squeeze %dma_start3A_319 : memref<1x1x8x128xf32, #tpu.memory_space<vmem>> -> memref<8x128xf32, #tpu.memory_space<vmem>>
    %dma_start3A_321 = arith.constant 0 : i32
    %dma_start3A_322 = tpu.memref_slice %arg5[%dma_start3A_321, %multiple_of3A_294] : memref<32x1000000xf32, #tpu.memory_space<hbm>> -> memref<8x128xf32, #tpu.memory_space<hbm>>
    tpu.enqueue_dma source(%dma_start3A_322 : memref<8x128xf32, #tpu.memory_space<hbm>>) target(%dma_start3A_320 : memref<8x128xf32, #tpu.memory_space<vmem>>) target_semaphore(%arg18 : memref<!tpu.dma_semaphore, #tpu.memory_space<semaphore_mem>>)
    %slice3A_323 = vector.extract_strided_slice %and3A_16 {offsets = [9], sizes = [1], strides = [1]} : vector<16xi32> to vector<1xi32>
    %squeeze3A_324 = vector.extract %slice3A_323[0] : i32 from vector<1xi32>
    %multiple_of3A_325 = tpu.assume_multiple %squeeze3A_324, 128 : i32
    %slice3A_326 = vector.extract_strided_slice %and3A_19 {offsets = [9], sizes = [1], strides = [1]} : vector<16xi32> to vector<1xi32>
    %squeeze3A_327 = vector.extract %slice3A_326[0] : i32 from vector<1xi32>
    %multiple_of3A_328 = tpu.assume_multiple %squeeze3A_327, 128 : i32
    %dma_start3A_329 = arith.constant 0 : i32
    %dma_start3A_330 = arith.constant 9 : i32
    %dma_start3A_331 = arith.constant 0 : i32
    %dma_start3A_332 = arith.constant 0 : i32
    %dma_start3A_333 = tpu.memref_slice %arg12[%dma_start3A_329, %dma_start3A_330, %dma_start3A_331, %dma_start3A_332] : memref<2x16x8x128xf32, #tpu.memory_space<vmem>> -> memref<1x1x8x128xf32, #tpu.memory_space<vmem>>
    %dma_start3A_334 = tpu.memref_squeeze %dma_start3A_333 : memref<1x1x8x128xf32, #tpu.memory_space<vmem>> -> memref<8x128xf32, #tpu.memory_space<vmem>>
    %dma_start3A_335 = arith.constant 0 : i32
    %dma_start3A_336 = tpu.memref_slice %arg4[%dma_start3A_335, %multiple_of3A_325] : memref<32x1000000xf32, #tpu.memory_space<hbm>> -> memref<8x128xf32, #tpu.memory_space<hbm>>
    %dma_start3A_337 = arith.constant 0 : i32
    %dma_start3A_338 = arith.constant 0 : i32
    %dma_start3A_339 = tpu.memref_slice %arg12[%dma_start3A_329, %dma_start3A_330, %dma_start3A_337, %dma_start3A_338] : memref<2x16x8x128xf32, #tpu.memory_space<vmem>> -> memref<1x1x8x128xf32, #tpu.memory_space<vmem>>
    %dma_start3A_340 = tpu.memref_squeeze %dma_start3A_339 : memref<1x1x8x128xf32, #tpu.memory_space<vmem>> -> memref<8x128xf32, #tpu.memory_space<vmem>>
    %dma_start3A_341 = arith.constant 0 : i32
    %dma_start3A_342 = tpu.memref_slice %arg4[%dma_start3A_341, %multiple_of3A_325] : memref<32x1000000xf32, #tpu.memory_space<hbm>> -> memref<8x128xf32, #tpu.memory_space<hbm>>
    tpu.enqueue_dma source(%dma_start3A_342 : memref<8x128xf32, #tpu.memory_space<hbm>>) target(%dma_start3A_340 : memref<8x128xf32, #tpu.memory_space<vmem>>) target_semaphore(%arg18 : memref<!tpu.dma_semaphore, #tpu.memory_space<semaphore_mem>>)
    %dma_start3A_343 = arith.constant 0 : i32
    %dma_start3A_344 = arith.constant 9 : i32
    %dma_start3A_345 = arith.constant 0 : i32
    %dma_start3A_346 = arith.constant 0 : i32
    %dma_start3A_347 = tpu.memref_slice %arg13[%dma_start3A_343, %dma_start3A_344, %dma_start3A_345, %dma_start3A_346] : memref<2x16x8x128xf32, #tpu.memory_space<vmem>> -> memref<1x1x8x128xf32, #tpu.memory_space<vmem>>
    %dma_start3A_348 = tpu.memref_squeeze %dma_start3A_347 : memref<1x1x8x128xf32, #tpu.memory_space<vmem>> -> memref<8x128xf32, #tpu.memory_space<vmem>>
    %dma_start3A_349 = arith.constant 0 : i32
    %dma_start3A_350 = tpu.memref_slice %arg5[%dma_start3A_349, %multiple_of3A_328] : memref<32x1000000xf32, #tpu.memory_space<hbm>> -> memref<8x128xf32, #tpu.memory_space<hbm>>
    %dma_start3A_351 = arith.constant 0 : i32
    %dma_start3A_352 = arith.constant 0 : i32
    %dma_start3A_353 = tpu.memref_slice %arg13[%dma_start3A_343, %dma_start3A_344, %dma_start3A_351, %dma_start3A_352] : memref<2x16x8x128xf32, #tpu.memory_space<vmem>> -> memref<1x1x8x128xf32, #tpu.memory_space<vmem>>
    %dma_start3A_354 = tpu.memref_squeeze %dma_start3A_353 : memref<1x1x8x128xf32, #tpu.memory_space<vmem>> -> memref<8x128xf32, #tpu.memory_space<vmem>>
    %dma_start3A_355 = arith.constant 0 : i32
    %dma_start3A_356 = tpu.memref_slice %arg5[%dma_start3A_355, %multiple_of3A_328] : memref<32x1000000xf32, #tpu.memory_space<hbm>> -> memref<8x128xf32, #tpu.memory_space<hbm>>
    tpu.enqueue_dma source(%dma_start3A_356 : memref<8x128xf32, #tpu.memory_space<hbm>>) target(%dma_start3A_354 : memref<8x128xf32, #tpu.memory_space<vmem>>) target_semaphore(%arg18 : memref<!tpu.dma_semaphore, #tpu.memory_space<semaphore_mem>>)
    %slice3A_357 = vector.extract_strided_slice %and3A_16 {offsets = [10], sizes = [1], strides = [1]} : vector<16xi32> to vector<1xi32>
    %squeeze3A_358 = vector.extract %slice3A_357[0] : i32 from vector<1xi32>
    %multiple_of3A_359 = tpu.assume_multiple %squeeze3A_358, 128 : i32
    %slice3A_360 = vector.extract_strided_slice %and3A_19 {offsets = [10], sizes = [1], strides = [1]} : vector<16xi32> to vector<1xi32>
    %squeeze3A_361 = vector.extract %slice3A_360[0] : i32 from vector<1xi32>
    %multiple_of3A_362 = tpu.assume_multiple %squeeze3A_361, 128 : i32
    %dma_start3A_363 = arith.constant 0 : i32
    %dma_start3A_364 = arith.constant 10 : i32
    %dma_start3A_365 = arith.constant 0 : i32
    %dma_start3A_366 = arith.constant 0 : i32
    %dma_start3A_367 = tpu.memref_slice %arg12[%dma_start3A_363, %dma_start3A_364, %dma_start3A_365, %dma_start3A_366] : memref<2x16x8x128xf32, #tpu.memory_space<vmem>> -> memref<1x1x8x128xf32, #tpu.memory_space<vmem>>
    %dma_start3A_368 = tpu.memref_squeeze %dma_start3A_367 : memref<1x1x8x128xf32, #tpu.memory_space<vmem>> -> memref<8x128xf32, #tpu.memory_space<vmem>>
    %dma_start3A_369 = arith.constant 0 : i32
    %dma_start3A_370 = tpu.memref_slice %arg4[%dma_start3A_369, %multiple_of3A_359] : memref<32x1000000xf32, #tpu.memory_space<hbm>> -> memref<8x128xf32, #tpu.memory_space<hbm>>
    %dma_start3A_371 = arith.constant 0 : i32
    %dma_start3A_372 = arith.constant 0 : i32
    %dma_start3A_373 = tpu.memref_slice %arg12[%dma_start3A_363, %dma_start3A_364, %dma_start3A_371, %dma_start3A_372] : memref<2x16x8x128xf32, #tpu.memory_space<vmem>> -> memref<1x1x8x128xf32, #tpu.memory_space<vmem>>
    %dma_start3A_374 = tpu.memref_squeeze %dma_start3A_373 : memref<1x1x8x128xf32, #tpu.memory_space<vmem>> -> memref<8x128xf32, #tpu.memory_space<vmem>>
    %dma_start3A_375 = arith.constant 0 : i32
    %dma_start3A_376 = tpu.memref_slice %arg4[%dma_start3A_375, %multiple_of3A_359] : memref<32x1000000xf32, #tpu.memory_space<hbm>> -> memref<8x128xf32, #tpu.memory_space<hbm>>
    tpu.enqueue_dma source(%dma_start3A_376 : memref<8x128xf32, #tpu.memory_space<hbm>>) target(%dma_start3A_374 : memref<8x128xf32, #tpu.memory_space<vmem>>) target_semaphore(%arg18 : memref<!tpu.dma_semaphore, #tpu.memory_space<semaphore_mem>>)
    %dma_start3A_377 = arith.constant 0 : i32
    %dma_start3A_378 = arith.constant 10 : i32
    %dma_start3A_379 = arith.constant 0 : i32
    %dma_start3A_380 = arith.constant 0 : i32
    %dma_start3A_381 = tpu.memref_slice %arg13[%dma_start3A_377, %dma_start3A_378, %dma_start3A_379, %dma_start3A_380] : memref<2x16x8x128xf32, #tpu.memory_space<vmem>> -> memref<1x1x8x128xf32, #tpu.memory_space<vmem>>
    %dma_start3A_382 = tpu.memref_squeeze %dma_start3A_381 : memref<1x1x8x128xf32, #tpu.memory_space<vmem>> -> memref<8x128xf32, #tpu.memory_space<vmem>>
    %dma_start3A_383 = arith.constant 0 : i32
    %dma_start3A_384 = tpu.memref_slice %arg5[%dma_start3A_383, %multiple_of3A_362] : memref<32x1000000xf32, #tpu.memory_space<hbm>> -> memref<8x128xf32, #tpu.memory_space<hbm>>
    %dma_start3A_385 = arith.constant 0 : i32
    %dma_start3A_386 = arith.constant 0 : i32
    %dma_start3A_387 = tpu.memref_slice %arg13[%dma_start3A_377, %dma_start3A_378, %dma_start3A_385, %dma_start3A_386] : memref<2x16x8x128xf32, #tpu.memory_space<vmem>> -> memref<1x1x8x128xf32, #tpu.memory_space<vmem>>
    %dma_start3A_388 = tpu.memref_squeeze %dma_start3A_387 : memref<1x1x8x128xf32, #tpu.memory_space<vmem>> -> memref<8x128xf32, #tpu.memory_space<vmem>>
    %dma_start3A_389 = arith.constant 0 : i32
    %dma_start3A_390 = tpu.memref_slice %arg5[%dma_start3A_389, %multiple_of3A_362] : memref<32x1000000xf32, #tpu.memory_space<hbm>> -> memref<8x128xf32, #tpu.memory_space<hbm>>
    tpu.enqueue_dma source(%dma_start3A_390 : memref<8x128xf32, #tpu.memory_space<hbm>>) target(%dma_start3A_388 : memref<8x128xf32, #tpu.memory_space<vmem>>) target_semaphore(%arg18 : memref<!tpu.dma_semaphore, #tpu.memory_space<semaphore_mem>>)
    %slice3A_391 = vector.extract_strided_slice %and3A_16 {offsets = [11], sizes = [1], strides = [1]} : vector<16xi32> to vector<1xi32>
    %squeeze3A_392 = vector.extract %slice3A_391[0] : i32 from vector<1xi32>
    %multiple_of3A_393 = tpu.assume_multiple %squeeze3A_392, 128 : i32
    %slice3A_394 = vector.extract_strided_slice %and3A_19 {offsets = [11], sizes = [1], strides = [1]} : vector<16xi32> to vector<1xi32>
    %squeeze3A_395 = vector.extract %slice3A_394[0] : i32 from vector<1xi32>
    %multiple_of3A_396 = tpu.assume_multiple %squeeze3A_395, 128 : i32
    %dma_start3A_397 = arith.constant 0 : i32
    %dma_start3A_398 = arith.constant 11 : i32
    %dma_start3A_399 = arith.constant 0 : i32
    %dma_start3A_400 = arith.constant 0 : i32
    %dma_start3A_401 = tpu.memref_slice %arg12[%dma_start3A_397, %dma_start3A_398, %dma_start3A_399, %dma_start3A_400] : memref<2x16x8x128xf32, #tpu.memory_space<vmem>> -> memref<1x1x8x128xf32, #tpu.memory_space<vmem>>
    %dma_start3A_402 = tpu.memref_squeeze %dma_start3A_401 : memref<1x1x8x128xf32, #tpu.memory_space<vmem>> -> memref<8x128xf32, #tpu.memory_space<vmem>>
    %dma_start3A_403 = arith.constant 0 : i32
    %dma_start3A_404 = tpu.memref_slice %arg4[%dma_start3A_403, %multiple_of3A_393] : memref<32x1000000xf32, #tpu.memory_space<hbm>> -> memref<8x128xf32, #tpu.memory_space<hbm>>
    %dma_start3A_405 = arith.constant 0 : i32
    %dma_start3A_406 = arith.constant 0 : i32
    %dma_start3A_407 = tpu.memref_slice %arg12[%dma_start3A_397, %dma_start3A_398, %dma_start3A_405, %dma_start3A_406] : memref<2x16x8x128xf32, #tpu.memory_space<vmem>> -> memref<1x1x8x128xf32, #tpu.memory_space<vmem>>
    %dma_start3A_408 = tpu.memref_squeeze %dma_start3A_407 : memref<1x1x8x128xf32, #tpu.memory_space<vmem>> -> memref<8x128xf32, #tpu.memory_space<vmem>>
    %dma_start3A_409 = arith.constant 0 : i32
    %dma_start3A_410 = tpu.memref_slice %arg4[%dma_start3A_409, %multiple_of3A_393] : memref<32x1000000xf32, #tpu.memory_space<hbm>> -> memref<8x128xf32, #tpu.memory_space<hbm>>
    tpu.enqueue_dma source(%dma_start3A_410 : memref<8x128xf32, #tpu.memory_space<hbm>>) target(%dma_start3A_408 : memref<8x128xf32, #tpu.memory_space<vmem>>) target_semaphore(%arg18 : memref<!tpu.dma_semaphore, #tpu.memory_space<semaphore_mem>>)
    %dma_start3A_411 = arith.constant 0 : i32
    %dma_start3A_412 = arith.constant 11 : i32
    %dma_start3A_413 = arith.constant 0 : i32
    %dma_start3A_414 = arith.constant 0 : i32
    %dma_start3A_415 = tpu.memref_slice %arg13[%dma_start3A_411, %dma_start3A_412, %dma_start3A_413, %dma_start3A_414] : memref<2x16x8x128xf32, #tpu.memory_space<vmem>> -> memref<1x1x8x128xf32, #tpu.memory_space<vmem>>
    %dma_start3A_416 = tpu.memref_squeeze %dma_start3A_415 : memref<1x1x8x128xf32, #tpu.memory_space<vmem>> -> memref<8x128xf32, #tpu.memory_space<vmem>>
    %dma_start3A_417 = arith.constant 0 : i32
    %dma_start3A_418 = tpu.memref_slice %arg5[%dma_start3A_417, %multiple_of3A_396] : memref<32x1000000xf32, #tpu.memory_space<hbm>> -> memref<8x128xf32, #tpu.memory_space<hbm>>
    %dma_start3A_419 = arith.constant 0 : i32
    %dma_start3A_420 = arith.constant 0 : i32
    %dma_start3A_421 = tpu.memref_slice %arg13[%dma_start3A_411, %dma_start3A_412, %dma_start3A_419, %dma_start3A_420] : memref<2x16x8x128xf32, #tpu.memory_space<vmem>> -> memref<1x1x8x128xf32, #tpu.memory_space<vmem>>
    %dma_start3A_422 = tpu.memref_squeeze %dma_start3A_421 : memref<1x1x8x128xf32, #tpu.memory_space<vmem>> -> memref<8x128xf32, #tpu.memory_space<vmem>>
    %dma_start3A_423 = arith.constant 0 : i32
    %dma_start3A_424 = tpu.memref_slice %arg5[%dma_start3A_423, %multiple_of3A_396] : memref<32x1000000xf32, #tpu.memory_space<hbm>> -> memref<8x128xf32, #tpu.memory_space<hbm>>
    tpu.enqueue_dma source(%dma_start3A_424 : memref<8x128xf32, #tpu.memory_space<hbm>>) target(%dma_start3A_422 : memref<8x128xf32, #tpu.memory_space<vmem>>) target_semaphore(%arg18 : memref<!tpu.dma_semaphore, #tpu.memory_space<semaphore_mem>>)
    %slice3A_425 = vector.extract_strided_slice %and3A_16 {offsets = [12], sizes = [1], strides = [1]} : vector<16xi32> to vector<1xi32>
    %squeeze3A_426 = vector.extract %slice3A_425[0] : i32 from vector<1xi32>
    %multiple_of3A_427 = tpu.assume_multiple %squeeze3A_426, 128 : i32
    %slice3A_428 = vector.extract_strided_slice %and3A_19 {offsets = [12], sizes = [1], strides = [1]} : vector<16xi32> to vector<1xi32>
    %squeeze3A_429 = vector.extract %slice3A_428[0] : i32 from vector<1xi32>
    %multiple_of3A_430 = tpu.assume_multiple %squeeze3A_429, 128 : i32
    %dma_start3A_431 = arith.constant 0 : i32
    %dma_start3A_432 = arith.constant 12 : i32
    %dma_start3A_433 = arith.constant 0 : i32
    %dma_start3A_434 = arith.constant 0 : i32
    %dma_start3A_435 = tpu.memref_slice %arg12[%dma_start3A_431, %dma_start3A_432, %dma_start3A_433, %dma_start3A_434] : memref<2x16x8x128xf32, #tpu.memory_space<vmem>> -> memref<1x1x8x128xf32, #tpu.memory_space<vmem>>
    %dma_start3A_436 = tpu.memref_squeeze %dma_start3A_435 : memref<1x1x8x128xf32, #tpu.memory_space<vmem>> -> memref<8x128xf32, #tpu.memory_space<vmem>>
    %dma_start3A_437 = arith.constant 0 : i32
    %dma_start3A_438 = tpu.memref_slice %arg4[%dma_start3A_437, %multiple_of3A_427] : memref<32x1000000xf32, #tpu.memory_space<hbm>> -> memref<8x128xf32, #tpu.memory_space<hbm>>
    %dma_start3A_439 = arith.constant 0 : i32
    %dma_start3A_440 = arith.constant 0 : i32
    %dma_start3A_441 = tpu.memref_slice %arg12[%dma_start3A_431, %dma_start3A_432, %dma_start3A_439, %dma_start3A_440] : memref<2x16x8x128xf32, #tpu.memory_space<vmem>> -> memref<1x1x8x128xf32, #tpu.memory_space<vmem>>
    %dma_start3A_442 = tpu.memref_squeeze %dma_start3A_441 : memref<1x1x8x128xf32, #tpu.memory_space<vmem>> -> memref<8x128xf32, #tpu.memory_space<vmem>>
    %dma_start3A_443 = arith.constant 0 : i32
    %dma_start3A_444 = tpu.memref_slice %arg4[%dma_start3A_443, %multiple_of3A_427] : memref<32x1000000xf32, #tpu.memory_space<hbm>> -> memref<8x128xf32, #tpu.memory_space<hbm>>
    tpu.enqueue_dma source(%dma_start3A_444 : memref<8x128xf32, #tpu.memory_space<hbm>>) target(%dma_start3A_442 : memref<8x128xf32, #tpu.memory_space<vmem>>) target_semaphore(%arg18 : memref<!tpu.dma_semaphore, #tpu.memory_space<semaphore_mem>>)
    %dma_start3A_445 = arith.constant 0 : i32
    %dma_start3A_446 = arith.constant 12 : i32
    %dma_start3A_447 = arith.constant 0 : i32
    %dma_start3A_448 = arith.constant 0 : i32
    %dma_start3A_449 = tpu.memref_slice %arg13[%dma_start3A_445, %dma_start3A_446, %dma_start3A_447, %dma_start3A_448] : memref<2x16x8x128xf32, #tpu.memory_space<vmem>> -> memref<1x1x8x128xf32, #tpu.memory_space<vmem>>
    %dma_start3A_450 = tpu.memref_squeeze %dma_start3A_449 : memref<1x1x8x128xf32, #tpu.memory_space<vmem>> -> memref<8x128xf32, #tpu.memory_space<vmem>>
    %dma_start3A_451 = arith.constant 0 : i32
    %dma_start3A_452 = tpu.memref_slice %arg5[%dma_start3A_451, %multiple_of3A_430] : memref<32x1000000xf32, #tpu.memory_space<hbm>> -> memref<8x128xf32, #tpu.memory_space<hbm>>
    %dma_start3A_453 = arith.constant 0 : i32
    %dma_start3A_454 = arith.constant 0 : i32
    %dma_start3A_455 = tpu.memref_slice %arg13[%dma_start3A_445, %dma_start3A_446, %dma_start3A_453, %dma_start3A_454] : memref<2x16x8x128xf32, #tpu.memory_space<vmem>> -> memref<1x1x8x128xf32, #tpu.memory_space<vmem>>
    %dma_start3A_456 = tpu.memref_squeeze %dma_start3A_455 : memref<1x1x8x128xf32, #tpu.memory_space<vmem>> -> memref<8x128xf32, #tpu.memory_space<vmem>>
    %dma_start3A_457 = arith.constant 0 : i32
    %dma_start3A_458 = tpu.memref_slice %arg5[%dma_start3A_457, %multiple_of3A_430] : memref<32x1000000xf32, #tpu.memory_space<hbm>> -> memref<8x128xf32, #tpu.memory_space<hbm>>
    tpu.enqueue_dma source(%dma_start3A_458 : memref<8x128xf32, #tpu.memory_space<hbm>>) target(%dma_start3A_456 : memref<8x128xf32, #tpu.memory_space<vmem>>) target_semaphore(%arg18 : memref<!tpu.dma_semaphore, #tpu.memory_space<semaphore_mem>>)
    %slice3A_459 = vector.extract_strided_slice %and3A_16 {offsets = [13], sizes = [1], strides = [1]} : vector<16xi32> to vector<1xi32>
    %squeeze3A_460 = vector.extract %slice3A_459[0] : i32 from vector<1xi32>
    %multiple_of3A_461 = tpu.assume_multiple %squeeze3A_460, 128 : i32
    %slice3A_462 = vector.extract_strided_slice %and3A_19 {offsets = [13], sizes = [1], strides = [1]} : vector<16xi32> to vector<1xi32>
    %squeeze3A_463 = vector.extract %slice3A_462[0] : i32 from vector<1xi32>
    %multiple_of3A_464 = tpu.assume_multiple %squeeze3A_463, 128 : i32
    %dma_start3A_465 = arith.constant 0 : i32
    %dma_start3A_466 = arith.constant 13 : i32
    %dma_start3A_467 = arith.constant 0 : i32
    %dma_start3A_468 = arith.constant 0 : i32
    %dma_start3A_469 = tpu.memref_slice %arg12[%dma_start3A_465, %dma_start3A_466, %dma_start3A_467, %dma_start3A_468] : memref<2x16x8x128xf32, #tpu.memory_space<vmem>> -> memref<1x1x8x128xf32, #tpu.memory_space<vmem>>
    %dma_start3A_470 = tpu.memref_squeeze %dma_start3A_469 : memref<1x1x8x128xf32, #tpu.memory_space<vmem>> -> memref<8x128xf32, #tpu.memory_space<vmem>>
    %dma_start3A_471 = arith.constant 0 : i32
    %dma_start3A_472 = tpu.memref_slice %arg4[%dma_start3A_471, %multiple_of3A_461] : memref<32x1000000xf32, #tpu.memory_space<hbm>> -> memref<8x128xf32, #tpu.memory_space<hbm>>
    %dma_start3A_473 = arith.constant 0 : i32
    %dma_start3A_474 = arith.constant 0 : i32
    %dma_start3A_475 = tpu.memref_slice %arg12[%dma_start3A_465, %dma_start3A_466, %dma_start3A_473, %dma_start3A_474] : memref<2x16x8x128xf32, #tpu.memory_space<vmem>> -> memref<1x1x8x128xf32, #tpu.memory_space<vmem>>
    %dma_start3A_476 = tpu.memref_squeeze %dma_start3A_475 : memref<1x1x8x128xf32, #tpu.memory_space<vmem>> -> memref<8x128xf32, #tpu.memory_space<vmem>>
    %dma_start3A_477 = arith.constant 0 : i32
    %dma_start3A_478 = tpu.memref_slice %arg4[%dma_start3A_477, %multiple_of3A_461] : memref<32x1000000xf32, #tpu.memory_space<hbm>> -> memref<8x128xf32, #tpu.memory_space<hbm>>
    tpu.enqueue_dma source(%dma_start3A_478 : memref<8x128xf32, #tpu.memory_space<hbm>>) target(%dma_start3A_476 : memref<8x128xf32, #tpu.memory_space<vmem>>) target_semaphore(%arg18 : memref<!tpu.dma_semaphore, #tpu.memory_space<semaphore_mem>>)
    %dma_start3A_479 = arith.constant 0 : i32
    %dma_start3A_480 = arith.constant 13 : i32
    %dma_start3A_481 = arith.constant 0 : i32
    %dma_start3A_482 = arith.constant 0 : i32
    %dma_start3A_483 = tpu.memref_slice %arg13[%dma_start3A_479, %dma_start3A_480, %dma_start3A_481, %dma_start3A_482] : memref<2x16x8x128xf32, #tpu.memory_space<vmem>> -> memref<1x1x8x128xf32, #tpu.memory_space<vmem>>
    %dma_start3A_484 = tpu.memref_squeeze %dma_start3A_483 : memref<1x1x8x128xf32, #tpu.memory_space<vmem>> -> memref<8x128xf32, #tpu.memory_space<vmem>>
    %dma_start3A_485 = arith.constant 0 : i32
    %dma_start3A_486 = tpu.memref_slice %arg5[%dma_start3A_485, %multiple_of3A_464] : memref<32x1000000xf32, #tpu.memory_space<hbm>> -> memref<8x128xf32, #tpu.memory_space<hbm>>
    %dma_start3A_487 = arith.constant 0 : i32
    %dma_start3A_488 = arith.constant 0 : i32
    %dma_start3A_489 = tpu.memref_slice %arg13[%dma_start3A_479, %dma_start3A_480, %dma_start3A_487, %dma_start3A_488] : memref<2x16x8x128xf32, #tpu.memory_space<vmem>> -> memref<1x1x8x128xf32, #tpu.memory_space<vmem>>
    %dma_start3A_490 = tpu.memref_squeeze %dma_start3A_489 : memref<1x1x8x128xf32, #tpu.memory_space<vmem>> -> memref<8x128xf32, #tpu.memory_space<vmem>>
    %dma_start3A_491 = arith.constant 0 : i32
    %dma_start3A_492 = tpu.memref_slice %arg5[%dma_start3A_491, %multiple_of3A_464] : memref<32x1000000xf32, #tpu.memory_space<hbm>> -> memref<8x128xf32, #tpu.memory_space<hbm>>
    tpu.enqueue_dma source(%dma_start3A_492 : memref<8x128xf32, #tpu.memory_space<hbm>>) target(%dma_start3A_490 : memref<8x128xf32, #tpu.memory_space<vmem>>) target_semaphore(%arg18 : memref<!tpu.dma_semaphore, #tpu.memory_space<semaphore_mem>>)
    %slice3A_493 = vector.extract_strided_slice %and3A_16 {offsets = [14], sizes = [1], strides = [1]} : vector<16xi32> to vector<1xi32>
    %squeeze3A_494 = vector.extract %slice3A_493[0] : i32 from vector<1xi32>
    %multiple_of3A_495 = tpu.assume_multiple %squeeze3A_494, 128 : i32
    %slice3A_496 = vector.extract_strided_slice %and3A_19 {offsets = [14], sizes = [1], strides = [1]} : vector<16xi32> to vector<1xi32>
    %squeeze3A_497 = vector.extract %slice3A_496[0] : i32 from vector<1xi32>
    %multiple_of3A_498 = tpu.assume_multiple %squeeze3A_497, 128 : i32
    %dma_start3A_499 = arith.constant 0 : i32
    %dma_start3A_500 = arith.constant 14 : i32
    %dma_start3A_501 = arith.constant 0 : i32
    %dma_start3A_502 = arith.constant 0 : i32
    %dma_start3A_503 = tpu.memref_slice %arg12[%dma_start3A_499, %dma_start3A_500, %dma_start3A_501, %dma_start3A_502] : memref<2x16x8x128xf32, #tpu.memory_space<vmem>> -> memref<1x1x8x128xf32, #tpu.memory_space<vmem>>
    %dma_start3A_504 = tpu.memref_squeeze %dma_start3A_503 : memref<1x1x8x128xf32, #tpu.memory_space<vmem>> -> memref<8x128xf32, #tpu.memory_space<vmem>>
    %dma_start3A_505 = arith.constant 0 : i32
    %dma_start3A_506 = tpu.memref_slice %arg4[%dma_start3A_505, %multiple_of3A_495] : memref<32x1000000xf32, #tpu.memory_space<hbm>> -> memref<8x128xf32, #tpu.memory_space<hbm>>
    %dma_start3A_507 = arith.constant 0 : i32
    %dma_start3A_508 = arith.constant 0 : i32
    %dma_start3A_509 = tpu.memref_slice %arg12[%dma_start3A_499, %dma_start3A_500, %dma_start3A_507, %dma_start3A_508] : memref<2x16x8x128xf32, #tpu.memory_space<vmem>> -> memref<1x1x8x128xf32, #tpu.memory_space<vmem>>
    %dma_start3A_510 = tpu.memref_squeeze %dma_start3A_509 : memref<1x1x8x128xf32, #tpu.memory_space<vmem>> -> memref<8x128xf32, #tpu.memory_space<vmem>>
    %dma_start3A_511 = arith.constant 0 : i32
    %dma_start3A_512 = tpu.memref_slice %arg4[%dma_start3A_511, %multiple_of3A_495] : memref<32x1000000xf32, #tpu.memory_space<hbm>> -> memref<8x128xf32, #tpu.memory_space<hbm>>
    tpu.enqueue_dma source(%dma_start3A_512 : memref<8x128xf32, #tpu.memory_space<hbm>>) target(%dma_start3A_510 : memref<8x128xf32, #tpu.memory_space<vmem>>) target_semaphore(%arg18 : memref<!tpu.dma_semaphore, #tpu.memory_space<semaphore_mem>>)
    %dma_start3A_513 = arith.constant 0 : i32
    %dma_start3A_514 = arith.constant 14 : i32
    %dma_start3A_515 = arith.constant 0 : i32
    %dma_start3A_516 = arith.constant 0 : i32
    %dma_start3A_517 = tpu.memref_slice %arg13[%dma_start3A_513, %dma_start3A_514, %dma_start3A_515, %dma_start3A_516] : memref<2x16x8x128xf32, #tpu.memory_space<vmem>> -> memref<1x1x8x128xf32, #tpu.memory_space<vmem>>
    %dma_start3A_518 = tpu.memref_squeeze %dma_start3A_517 : memref<1x1x8x128xf32, #tpu.memory_space<vmem>> -> memref<8x128xf32, #tpu.memory_space<vmem>>
    %dma_start3A_519 = arith.constant 0 : i32
    %dma_start3A_520 = tpu.memref_slice %arg5[%dma_start3A_519, %multiple_of3A_498] : memref<32x1000000xf32, #tpu.memory_space<hbm>> -> memref<8x128xf32, #tpu.memory_space<hbm>>
    %dma_start3A_521 = arith.constant 0 : i32
    %dma_start3A_522 = arith.constant 0 : i32
    %dma_start3A_523 = tpu.memref_slice %arg13[%dma_start3A_513, %dma_start3A_514, %dma_start3A_521, %dma_start3A_522] : memref<2x16x8x128xf32, #tpu.memory_space<vmem>> -> memref<1x1x8x128xf32, #tpu.memory_space<vmem>>
    %dma_start3A_524 = tpu.memref_squeeze %dma_start3A_523 : memref<1x1x8x128xf32, #tpu.memory_space<vmem>> -> memref<8x128xf32, #tpu.memory_space<vmem>>
    %dma_start3A_525 = arith.constant 0 : i32
    %dma_start3A_526 = tpu.memref_slice %arg5[%dma_start3A_525, %multiple_of3A_498] : memref<32x1000000xf32, #tpu.memory_space<hbm>> -> memref<8x128xf32, #tpu.memory_space<hbm>>
    tpu.enqueue_dma source(%dma_start3A_526 : memref<8x128xf32, #tpu.memory_space<hbm>>) target(%dma_start3A_524 : memref<8x128xf32, #tpu.memory_space<vmem>>) target_semaphore(%arg18 : memref<!tpu.dma_semaphore, #tpu.memory_space<semaphore_mem>>)
    %slice3A_527 = vector.extract_strided_slice %and3A_16 {offsets = [15], sizes = [1], strides = [1]} : vector<16xi32> to vector<1xi32>
    %squeeze3A_528 = vector.extract %slice3A_527[0] : i32 from vector<1xi32>
    %multiple_of3A_529 = tpu.assume_multiple %squeeze3A_528, 128 : i32
    %slice3A_530 = vector.extract_strided_slice %and3A_19 {offsets = [15], sizes = [1], strides = [1]} : vector<16xi32> to vector<1xi32>
    %squeeze3A_531 = vector.extract %slice3A_530[0] : i32 from vector<1xi32>
    %multiple_of3A_532 = tpu.assume_multiple %squeeze3A_531, 128 : i32
    %dma_start3A_533 = arith.constant 0 : i32
    %dma_start3A_534 = arith.constant 15 : i32
    %dma_start3A_535 = arith.constant 0 : i32
    %dma_start3A_536 = arith.constant 0 : i32
    %dma_start3A_537 = tpu.memref_slice %arg12[%dma_start3A_533, %dma_start3A_534, %dma_start3A_535, %dma_start3A_536] : memref<2x16x8x128xf32, #tpu.memory_space<vmem>> -> memref<1x1x8x128xf32, #tpu.memory_space<vmem>>
    %dma_start3A_538 = tpu.memref_squeeze %dma_start3A_537 : memref<1x1x8x128xf32, #tpu.memory_space<vmem>> -> memref<8x128xf32, #tpu.memory_space<vmem>>
    %dma_start3A_539 = arith.constant 0 : i32
    %dma_start3A_540 = tpu.memref_slice %arg4[%dma_start3A_539, %multiple_of3A_529] : memref<32x1000000xf32, #tpu.memory_space<hbm>> -> memref<8x128xf32, #tpu.memory_space<hbm>>
    %dma_start3A_541 = arith.constant 0 : i32
    %dma_start3A_542 = arith.constant 0 : i32
    %dma_start3A_543 = tpu.memref_slice %arg12[%dma_start3A_533, %dma_start3A_534, %dma_start3A_541, %dma_start3A_542] : memref<2x16x8x128xf32, #tpu.memory_space<vmem>> -> memref<1x1x8x128xf32, #tpu.memory_space<vmem>>
    %dma_start3A_544 = tpu.memref_squeeze %dma_start3A_543 : memref<1x1x8x128xf32, #tpu.memory_space<vmem>> -> memref<8x128xf32, #tpu.memory_space<vmem>>
    %dma_start3A_545 = arith.constant 0 : i32
    %dma_start3A_546 = tpu.memref_slice %arg4[%dma_start3A_545, %multiple_of3A_529] : memref<32x1000000xf32, #tpu.memory_space<hbm>> -> memref<8x128xf32, #tpu.memory_space<hbm>>
    tpu.enqueue_dma source(%dma_start3A_546 : memref<8x128xf32, #tpu.memory_space<hbm>>) target(%dma_start3A_544 : memref<8x128xf32, #tpu.memory_space<vmem>>) target_semaphore(%arg18 : memref<!tpu.dma_semaphore, #tpu.memory_space<semaphore_mem>>)
    %dma_start3A_547 = arith.constant 0 : i32
    %dma_start3A_548 = arith.constant 15 : i32
    %dma_start3A_549 = arith.constant 0 : i32
    %dma_start3A_550 = arith.constant 0 : i32
    %dma_start3A_551 = tpu.memref_slice %arg13[%dma_start3A_547, %dma_start3A_548, %dma_start3A_549, %dma_start3A_550] : memref<2x16x8x128xf32, #tpu.memory_space<vmem>> -> memref<1x1x8x128xf32, #tpu.memory_space<vmem>>
    %dma_start3A_552 = tpu.memref_squeeze %dma_start3A_551 : memref<1x1x8x128xf32, #tpu.memory_space<vmem>> -> memref<8x128xf32, #tpu.memory_space<vmem>>
    %dma_start3A_553 = arith.constant 0 : i32
    %dma_start3A_554 = tpu.memref_slice %arg5[%dma_start3A_553, %multiple_of3A_532] : memref<32x1000000xf32, #tpu.memory_space<hbm>> -> memref<8x128xf32, #tpu.memory_space<hbm>>
    %dma_start3A_555 = arith.constant 0 : i32
    %dma_start3A_556 = arith.constant 0 : i32
    %dma_start3A_557 = tpu.memref_slice %arg13[%dma_start3A_547, %dma_start3A_548, %dma_start3A_555, %dma_start3A_556] : memref<2x16x8x128xf32, #tpu.memory_space<vmem>> -> memref<1x1x8x128xf32, #tpu.memory_space<vmem>>
    %dma_start3A_558 = tpu.memref_squeeze %dma_start3A_557 : memref<1x1x8x128xf32, #tpu.memory_space<vmem>> -> memref<8x128xf32, #tpu.memory_space<vmem>>
    %dma_start3A_559 = arith.constant 0 : i32
    %dma_start3A_560 = tpu.memref_slice %arg5[%dma_start3A_559, %multiple_of3A_532] : memref<32x1000000xf32, #tpu.memory_space<hbm>> -> memref<8x128xf32, #tpu.memory_space<hbm>>
    tpu.enqueue_dma source(%dma_start3A_560 : memref<8x128xf32, #tpu.memory_space<hbm>>) target(%dma_start3A_558 : memref<8x128xf32, #tpu.memory_space<vmem>>) target_semaphore(%arg18 : memref<!tpu.dma_semaphore, #tpu.memory_space<semaphore_mem>>)
    %scan3A_561 = arith.constant 0 : i32
    %scan3A_562 = arith.constant 0 : i32
    %scan3A_563 = arith.constant 128 : i32
    %scan3A_564 = arith.addi %scan3A_562, %scan3A_563 : i32
    %scan3A_565 = arith.constant 1 : i32
    scf.for %scan3A_578 = %scan3A_562 to %scan3A_564 step %scan3A_565  : i32 {
      %rem3A = arith.constant 2 : i32
      %rem3A_579 = arith.remsi %scan3A_578, %rem3A : i32
      %add3A_580 = arith.constant 1 : i32
      %add3A_581 = arith.addi %scan3A_578, %add3A_580 : i32
      %lt3A = arith.constant 128 : i32
      %lt3A_582 = arith.cmpi slt, %add3A_581, %lt3A : i32
      %convert_element_type3A = arith.extui %lt3A_582 : i1 to i32
      %cond3A = arith.constant 0 : i32
      %cond3A_583 = arith.cmpi ne, %convert_element_type3A, %cond3A : i32
      scf.if %cond3A_583 {
        %eq3A_593 = arith.constant 0 : i32
        %eq3A_594 = arith.cmpi eq, %rem3A_579, %eq3A_593 : i32
        %convert_element_type3A_595 = arith.extui %eq3A_594 : i1 to i32
        %cond3A_596 = arith.constant 0 : i32
        %cond3A_597 = arith.cmpi ne, %convert_element_type3A_595, %cond3A_596 : i32
        scf.if %cond3A_597 {
          %add3A_603 = arith.constant 1 : i32
          %add3A_604 = arith.addi %scan3A_578, %add3A_603 : i32
          %jit3A = arith.constant 4 : i32
          %div3A = arith.divsi %add3A_604, %jit3A : i32
          %sign3A = arith.constant 0 : i32
          %sign3A_605 = arith.cmpi sgt, %add3A_604, %sign3A : i32
          %sign3A_606 = arith.extui %sign3A_605 : i1 to i32
          %sign3A_607 = arith.constant 0 : i32
          %sign3A_608 = arith.cmpi slt, %add3A_604, %sign3A_607 : i32
          %sign3A_609 = arith.extui %sign3A_608 : i1 to i32
          %sign3A_610 = arith.subi %sign3A_606, %sign3A_609 : i32
          %sign3A_611 = arith.constant 0 : i32
          %sign3A_612 = arith.cmpi sgt, %jit3A, %sign3A_611 : i32
          %sign3A_613 = arith.extui %sign3A_612 : i1 to i32
          %sign3A_614 = arith.constant 0 : i32
          %sign3A_615 = arith.cmpi slt, %jit3A, %sign3A_614 : i32
          %sign3A_616 = arith.extui %sign3A_615 : i1 to i32
          %sign3A_617 = arith.subi %sign3A_613, %sign3A_616 : i32
          %ne3A = arith.cmpi ne, %sign3A_610, %sign3A_617 : i32
          %rem3A_618 = arith.remsi %add3A_604, %jit3A : i32
          %ne3A_619 = arith.constant 0 : i32
          %ne3A_620 = arith.cmpi ne, %rem3A_618, %ne3A_619 : i32
          %and3A_621 = arith.andi %ne3A, %ne3A_620 : i1
          %sub3A = arith.constant 1 : i32
          %sub3A_622 = arith.subi %div3A, %sub3A : i32
          %select_n3A = arith.select %and3A_621, %sub3A_622, %div3A : i32
          %jit3A_623 = arith.constant 4 : i32
          %eq3A_624 = arith.constant 0 : i32
          %eq3A_625 = arith.cmpi eq, %jit3A_623, %eq3A_624 : i32
          %jit3A_626 = arith.constant 1 : i32
          %select_n3A_627 = arith.select %eq3A_625, %jit3A_626, %jit3A_623 : i32
          %rem3A_628 = arith.remsi %add3A_604, %select_n3A_627 : i32
          %ne3A_629 = arith.constant 0 : i32
          %ne3A_630 = arith.cmpi ne, %rem3A_628, %ne3A_629 : i32
          %lt3A_631 = arith.constant 0 : i32
          %lt3A_632 = arith.cmpi slt, %rem3A_628, %lt3A_631 : i32
          %lt3A_633 = arith.constant 0 : i32
          %lt3A_634 = arith.cmpi slt, %select_n3A_627, %lt3A_633 : i32
          %ne3A_635 = arith.xori %lt3A_632, %lt3A_634 : i1
          %and3A_636 = arith.andi %ne3A_635, %ne3A_630 : i1
          %add3A_637 = arith.addi %rem3A_628, %select_n3A_627 : i32
          %select_n3A_638 = arith.select %and3A_636, %add3A_637, %rem3A_628 : i32
          %mul3A_639 = arith.constant 16 : i32
          %mul3A_640 = arith.muli %select_n3A, %mul3A_639 : i32
          %get3A_641 = arith.index_cast %mul3A_640 : i32 to index
          %get3A_642 = tpu.vector_load %arg10[%get3A_641] {strides = array<i32>} : memref<512xi32, #tpu.memory_space<vmem>>, vector<16xi32>,
          %get3A_643 = arith.index_cast %mul3A_640 : i32 to index
          %get3A_644 = tpu.vector_load %arg11[%get3A_643] {strides = array<i32>} : memref<512xi32, #tpu.memory_space<vmem>>, vector<16xi32>,
          %and3A_645 = arith.constant -128 : i32
          %and3A_646 = vector.broadcast %and3A_645 : i32 to vector<16xi32>
          %and3A_647 = arith.andi %get3A_642, %and3A_646 : vector<16xi32>
          %and3A_648 = arith.constant -128 : i32
          %and3A_649 = vector.broadcast %and3A_648 : i32 to vector<16xi32>
          %and3A_650 = arith.andi %get3A_644, %and3A_649 : vector<16xi32>
          %mul3A_651 = arith.constant 8 : i32
          %mul3A_652 = arith.muli %select_n3A_638, %mul3A_651 : i32
          %slice3A_653 = vector.extract_strided_slice %and3A_647 {offsets = [0], sizes = [1], strides = [1]} : vector<16xi32> to vector<1xi32>
          %squeeze3A_654 = vector.extract %slice3A_653[0] : i32 from vector<1xi32>
          %multiple_of3A_655 = tpu.assume_multiple %squeeze3A_654, 128 : i32
          %slice3A_656 = vector.extract_strided_slice %and3A_650 {offsets = [0], sizes = [1], strides = [1]} : vector<16xi32> to vector<1xi32>
          %squeeze3A_657 = vector.extract %slice3A_656[0] : i32 from vector<1xi32>
          %multiple_of3A_658 = tpu.assume_multiple %squeeze3A_657, 128 : i32
          %dma_start3A_659 = arith.constant 1 : i32
          %dma_start3A_660 = arith.constant 0 : i32
          %dma_start3A_661 = arith.constant 0 : i32
          %dma_start3A_662 = arith.constant 0 : i32
          %dma_start3A_663 = tpu.memref_slice %arg12[%dma_start3A_659, %dma_start3A_660, %dma_start3A_661, %dma_start3A_662] : memref<2x16x8x128xf32, #tpu.memory_space<vmem>> -> memref<1x1x8x128xf32, #tpu.memory_space<vmem>>
          %dma_start3A_664 = tpu.memref_squeeze %dma_start3A_663 : memref<1x1x8x128xf32, #tpu.memory_space<vmem>> -> memref<8x128xf32, #tpu.memory_space<vmem>>
          %dma_start3A_665 = tpu.memref_slice %arg4[%mul3A_652, %multiple_of3A_655] : memref<32x1000000xf32, #tpu.memory_space<hbm>> -> memref<8x128xf32, #tpu.memory_space<hbm>>
          %dma_start3A_666 = arith.constant 0 : i32
          %dma_start3A_667 = arith.constant 0 : i32
          %dma_start3A_668 = tpu.memref_slice %arg12[%dma_start3A_659, %dma_start3A_660, %dma_start3A_666, %dma_start3A_667] : memref<2x16x8x128xf32, #tpu.memory_space<vmem>> -> memref<1x1x8x128xf32, #tpu.memory_space<vmem>>
          %dma_start3A_669 = tpu.memref_squeeze %dma_start3A_668 : memref<1x1x8x128xf32, #tpu.memory_space<vmem>> -> memref<8x128xf32, #tpu.memory_space<vmem>>
          %dma_start3A_670 = tpu.memref_slice %arg4[%mul3A_652, %multiple_of3A_655] : memref<32x1000000xf32, #tpu.memory_space<hbm>> -> memref<8x128xf32, #tpu.memory_space<hbm>>
          tpu.enqueue_dma source(%dma_start3A_670 : memref<8x128xf32, #tpu.memory_space<hbm>>) target(%dma_start3A_669 : memref<8x128xf32, #tpu.memory_space<vmem>>) target_semaphore(%arg19 : memref<!tpu.dma_semaphore, #tpu.memory_space<semaphore_mem>>)
          %dma_start3A_671 = arith.constant 1 : i32
          %dma_start3A_672 = arith.constant 0 : i32
          %dma_start3A_673 = arith.constant 0 : i32
          %dma_start3A_674 = arith.constant 0 : i32
          %dma_start3A_675 = tpu.memref_slice %arg13[%dma_start3A_671, %dma_start3A_672, %dma_start3A_673, %dma_start3A_674] : memref<2x16x8x128xf32, #tpu.memory_space<vmem>> -> memref<1x1x8x128xf32, #tpu.memory_space<vmem>>
          %dma_start3A_676 = tpu.memref_squeeze %dma_start3A_675 : memref<1x1x8x128xf32, #tpu.memory_space<vmem>> -> memref<8x128xf32, #tpu.memory_space<vmem>>
          %dma_start3A_677 = tpu.memref_slice %arg5[%mul3A_652, %multiple_of3A_658] : memref<32x1000000xf32, #tpu.memory_space<hbm>> -> memref<8x128xf32, #tpu.memory_space<hbm>>
          %dma_start3A_678 = arith.constant 0 : i32
          %dma_start3A_679 = arith.constant 0 : i32
          %dma_start3A_680 = tpu.memref_slice %arg13[%dma_start3A_671, %dma_start3A_672, %dma_start3A_678, %dma_start3A_679] : memref<2x16x8x128xf32, #tpu.memory_space<vmem>> -> memref<1x1x8x128xf32, #tpu.memory_space<vmem>>
          %dma_start3A_681 = tpu.memref_squeeze %dma_start3A_680 : memref<1x1x8x128xf32, #tpu.memory_space<vmem>> -> memref<8x128xf32, #tpu.memory_space<vmem>>
          %dma_start3A_682 = tpu.memref_slice %arg5[%mul3A_652, %multiple_of3A_658] : memref<32x1000000xf32, #tpu.memory_space<hbm>> -> memref<8x128xf32, #tpu.memory_space<hbm>>
          tpu.enqueue_dma source(%dma_start3A_682 : memref<8x128xf32, #tpu.memory_space<hbm>>) target(%dma_start3A_681 : memref<8x128xf32, #tpu.memory_space<vmem>>) target_semaphore(%arg19 : memref<!tpu.dma_semaphore, #tpu.memory_space<semaphore_mem>>)
          %slice3A_683 = vector.extract_strided_slice %and3A_647 {offsets = [1], sizes = [1], strides = [1]} : vector<16xi32> to vector<1xi32>
          %squeeze3A_684 = vector.extract %slice3A_683[0] : i32 from vector<1xi32>
          %multiple_of3A_685 = tpu.assume_multiple %squeeze3A_684, 128 : i32
          %slice3A_686 = vector.extract_strided_slice %and3A_650 {offsets = [1], sizes = [1], strides = [1]} : vector<16xi32> to vector<1xi32>
          %squeeze3A_687 = vector.extract %slice3A_686[0] : i32 from vector<1xi32>
          %multiple_of3A_688 = tpu.assume_multiple %squeeze3A_687, 128 : i32
          %dma_start3A_689 = arith.constant 1 : i32
          %dma_start3A_690 = arith.constant 1 : i32
          %dma_start3A_691 = arith.constant 0 : i32
          %dma_start3A_692 = arith.constant 0 : i32
          %dma_start3A_693 = tpu.memref_slice %arg12[%dma_start3A_689, %dma_start3A_690, %dma_start3A_691, %dma_start3A_692] : memref<2x16x8x128xf32, #tpu.memory_space<vmem>> -> memref<1x1x8x128xf32, #tpu.memory_space<vmem>>
          %dma_start3A_694 = tpu.memref_squeeze %dma_start3A_693 : memref<1x1x8x128xf32, #tpu.memory_space<vmem>> -> memref<8x128xf32, #tpu.memory_space<vmem>>
          %dma_start3A_695 = tpu.memref_slice %arg4[%mul3A_652, %multiple_of3A_685] : memref<32x1000000xf32, #tpu.memory_space<hbm>> -> memref<8x128xf32, #tpu.memory_space<hbm>>
          %dma_start3A_696 = arith.constant 0 : i32
          %dma_start3A_697 = arith.constant 0 : i32
          %dma_start3A_698 = tpu.memref_slice %arg12[%dma_start3A_689, %dma_start3A_690, %dma_start3A_696, %dma_start3A_697] : memref<2x16x8x128xf32, #tpu.memory_space<vmem>> -> memref<1x1x8x128xf32, #tpu.memory_space<vmem>>
          %dma_start3A_699 = tpu.memref_squeeze %dma_start3A_698 : memref<1x1x8x128xf32, #tpu.memory_space<vmem>> -> memref<8x128xf32, #tpu.memory_space<vmem>>
          %dma_start3A_700 = tpu.memref_slice %arg4[%mul3A_652, %multiple_of3A_685] : memref<32x1000000xf32, #tpu.memory_space<hbm>> -> memref<8x128xf32, #tpu.memory_space<hbm>>
          tpu.enqueue_dma source(%dma_start3A_700 : memref<8x128xf32, #tpu.memory_space<hbm>>) target(%dma_start3A_699 : memref<8x128xf32, #tpu.memory_space<vmem>>) target_semaphore(%arg19 : memref<!tpu.dma_semaphore, #tpu.memory_space<semaphore_mem>>)
          %dma_start3A_701 = arith.constant 1 : i32
          %dma_start3A_702 = arith.constant 1 : i32
          %dma_start3A_703 = arith.constant 0 : i32
          %dma_start3A_704 = arith.constant 0 : i32
          %dma_start3A_705 = tpu.memref_slice %arg13[%dma_start3A_701, %dma_start3A_702, %dma_start3A_703, %dma_start3A_704] : memref<2x16x8x128xf32, #tpu.memory_space<vmem>> -> memref<1x1x8x128xf32, #tpu.memory_space<vmem>>
          %dma_start3A_706 = tpu.memref_squeeze %dma_start3A_705 : memref<1x1x8x128xf32, #tpu.memory_space<vmem>> -> memref<8x128xf32, #tpu.memory_space<vmem>>
          %dma_start3A_707 = tpu.memref_slice %arg5[%mul3A_652, %multiple_of3A_688] : memref<32x1000000xf32, #tpu.memory_space<hbm>> -> memref<8x128xf32, #tpu.memory_space<hbm>>
          %dma_start3A_708 = arith.constant 0 : i32
          %dma_start3A_709 = arith.constant 0 : i32
          %dma_start3A_710 = tpu.memref_slice %arg13[%dma_start3A_701, %dma_start3A_702, %dma_start3A_708, %dma_start3A_709] : memref<2x16x8x128xf32, #tpu.memory_space<vmem>> -> memref<1x1x8x128xf32, #tpu.memory_space<vmem>>
          %dma_start3A_711 = tpu.memref_squeeze %dma_start3A_710 : memref<1x1x8x128xf32, #tpu.memory_space<vmem>> -> memref<8x128xf32, #tpu.memory_space<vmem>>
          %dma_start3A_712 = tpu.memref_slice %arg5[%mul3A_652, %multiple_of3A_688] : memref<32x1000000xf32, #tpu.memory_space<hbm>> -> memref<8x128xf32, #tpu.memory_space<hbm>>
          tpu.enqueue_dma source(%dma_start3A_712 : memref<8x128xf32, #tpu.memory_space<hbm>>) target(%dma_start3A_711 : memref<8x128xf32, #tpu.memory_space<vmem>>) target_semaphore(%arg19 : memref<!tpu.dma_semaphore, #tpu.memory_space<semaphore_mem>>)
          %slice3A_713 = vector.extract_strided_slice %and3A_647 {offsets = [2], sizes = [1], strides = [1]} : vector<16xi32> to vector<1xi32>
          %squeeze3A_714 = vector.extract %slice3A_713[0] : i32 from vector<1xi32>
          %multiple_of3A_715 = tpu.assume_multiple %squeeze3A_714, 128 : i32
          %slice3A_716 = vector.extract_strided_slice %and3A_650 {offsets = [2], sizes = [1], strides = [1]} : vector<16xi32> to vector<1xi32>
          %squeeze3A_717 = vector.extract %slice3A_716[0] : i32 from vector<1xi32>
          %multiple_of3A_718 = tpu.assume_multiple %squeeze3A_717, 128 : i32
          %dma_start3A_719 = arith.constant 1 : i32
          %dma_start3A_720 = arith.constant 2 : i32
          %dma_start3A_721 = arith.constant 0 : i32
          %dma_start3A_722 = arith.constant 0 : i32
          %dma_start3A_723 = tpu.memref_slice %arg12[%dma_start3A_719, %dma_start3A_720, %dma_start3A_721, %dma_start3A_722] : memref<2x16x8x128xf32, #tpu.memory_space<vmem>> -> memref<1x1x8x128xf32, #tpu.memory_space<vmem>>
          %dma_start3A_724 = tpu.memref_squeeze %dma_start3A_723 : memref<1x1x8x128xf32, #tpu.memory_space<vmem>> -> memref<8x128xf32, #tpu.memory_space<vmem>>
          %dma_start3A_725 = tpu.memref_slice %arg4[%mul3A_652, %multiple_of3A_715] : memref<32x1000000xf32, #tpu.memory_space<hbm>> -> memref<8x128xf32, #tpu.memory_space<hbm>>
          %dma_start3A_726 = arith.constant 0 : i32
          %dma_start3A_727 = arith.constant 0 : i32
          %dma_start3A_728 = tpu.memref_slice %arg12[%dma_start3A_719, %dma_start3A_720, %dma_start3A_726, %dma_start3A_727] : memref<2x16x8x128xf32, #tpu.memory_space<vmem>> -> memref<1x1x8x128xf32, #tpu.memory_space<vmem>>
          %dma_start3A_729 = tpu.memref_squeeze %dma_start3A_728 : memref<1x1x8x128xf32, #tpu.memory_space<vmem>> -> memref<8x128xf32, #tpu.memory_space<vmem>>
          %dma_start3A_730 = tpu.memref_slice %arg4[%mul3A_652, %multiple_of3A_715] : memref<32x1000000xf32, #tpu.memory_space<hbm>> -> memref<8x128xf32, #tpu.memory_space<hbm>>
          tpu.enqueue_dma source(%dma_start3A_730 : memref<8x128xf32, #tpu.memory_space<hbm>>) target(%dma_start3A_729 : memref<8x128xf32, #tpu.memory_space<vmem>>) target_semaphore(%arg19 : memref<!tpu.dma_semaphore, #tpu.memory_space<semaphore_mem>>)
          %dma_start3A_731 = arith.constant 1 : i32
          %dma_start3A_732 = arith.constant 2 : i32
          %dma_start3A_733 = arith.constant 0 : i32
          %dma_start3A_734 = arith.constant 0 : i32
          %dma_start3A_735 = tpu.memref_slice %arg13[%dma_start3A_731, %dma_start3A_732, %dma_start3A_733, %dma_start3A_734] : memref<2x16x8x128xf32, #tpu.memory_space<vmem>> -> memref<1x1x8x128xf32, #tpu.memory_space<vmem>>
          %dma_start3A_736 = tpu.memref_squeeze %dma_start3A_735 : memref<1x1x8x128xf32, #tpu.memory_space<vmem>> -> memref<8x128xf32, #tpu.memory_space<vmem>>
          %dma_start3A_737 = tpu.memref_slice %arg5[%mul3A_652, %multiple_of3A_718] : memref<32x1000000xf32, #tpu.memory_space<hbm>> -> memref<8x128xf32, #tpu.memory_space<hbm>>
          %dma_start3A_738 = arith.constant 0 : i32
          %dma_start3A_739 = arith.constant 0 : i32
          %dma_start3A_740 = tpu.memref_slice %arg13[%dma_start3A_731, %dma_start3A_732, %dma_start3A_738, %dma_start3A_739] : memref<2x16x8x128xf32, #tpu.memory_space<vmem>> -> memref<1x1x8x128xf32, #tpu.memory_space<vmem>>
          %dma_start3A_741 = tpu.memref_squeeze %dma_start3A_740 : memref<1x1x8x128xf32, #tpu.memory_space<vmem>> -> memref<8x128xf32, #tpu.memory_space<vmem>>
          %dma_start3A_742 = tpu.memref_slice %arg5[%mul3A_652, %multiple_of3A_718] : memref<32x1000000xf32, #tpu.memory_space<hbm>> -> memref<8x128xf32, #tpu.memory_space<hbm>>
          tpu.enqueue_dma source(%dma_start3A_742 : memref<8x128xf32, #tpu.memory_space<hbm>>) target(%dma_start3A_741 : memref<8x128xf32, #tpu.memory_space<vmem>>) target_semaphore(%arg19 : memref<!tpu.dma_semaphore, #tpu.memory_space<semaphore_mem>>)
          %slice3A_743 = vector.extract_strided_slice %and3A_647 {offsets = [3], sizes = [1], strides = [1]} : vector<16xi32> to vector<1xi32>
          %squeeze3A_744 = vector.extract %slice3A_743[0] : i32 from vector<1xi32>
          %multiple_of3A_745 = tpu.assume_multiple %squeeze3A_744, 128 : i32
          %slice3A_746 = vector.extract_strided_slice %and3A_650 {offsets = [3], sizes = [1], strides = [1]} : vector<16xi32> to vector<1xi32>
          %squeeze3A_747 = vector.extract %slice3A_746[0] : i32 from vector<1xi32>
          %multiple_of3A_748 = tpu.assume_multiple %squeeze3A_747, 128 : i32
          %dma_start3A_749 = arith.constant 1 : i32
          %dma_start3A_750 = arith.constant 3 : i32
          %dma_start3A_751 = arith.constant 0 : i32
          %dma_start3A_752 = arith.constant 0 : i32
          %dma_start3A_753 = tpu.memref_slice %arg12[%dma_start3A_749, %dma_start3A_750, %dma_start3A_751, %dma_start3A_752] : memref<2x16x8x128xf32, #tpu.memory_space<vmem>> -> memref<1x1x8x128xf32, #tpu.memory_space<vmem>>
          %dma_start3A_754 = tpu.memref_squeeze %dma_start3A_753 : memref<1x1x8x128xf32, #tpu.memory_space<vmem>> -> memref<8x128xf32, #tpu.memory_space<vmem>>
          %dma_start3A_755 = tpu.memref_slice %arg4[%mul3A_652, %multiple_of3A_745] : memref<32x1000000xf32, #tpu.memory_space<hbm>> -> memref<8x128xf32, #tpu.memory_space<hbm>>
          %dma_start3A_756 = arith.constant 0 : i32
          %dma_start3A_757 = arith.constant 0 : i32
          %dma_start3A_758 = tpu.memref_slice %arg12[%dma_start3A_749, %dma_start3A_750, %dma_start3A_756, %dma_start3A_757] : memref<2x16x8x128xf32, #tpu.memory_space<vmem>> -> memref<1x1x8x128xf32, #tpu.memory_space<vmem>>
          %dma_start3A_759 = tpu.memref_squeeze %dma_start3A_758 : memref<1x1x8x128xf32, #tpu.memory_space<vmem>> -> memref<8x128xf32, #tpu.memory_space<vmem>>
          %dma_start3A_760 = tpu.memref_slice %arg4[%mul3A_652, %multiple_of3A_745] : memref<32x1000000xf32, #tpu.memory_space<hbm>> -> memref<8x128xf32, #tpu.memory_space<hbm>>
          tpu.enqueue_dma source(%dma_start3A_760 : memref<8x128xf32, #tpu.memory_space<hbm>>) target(%dma_start3A_759 : memref<8x128xf32, #tpu.memory_space<vmem>>) target_semaphore(%arg19 : memref<!tpu.dma_semaphore, #tpu.memory_space<semaphore_mem>>)
          %dma_start3A_761 = arith.constant 1 : i32
          %dma_start3A_762 = arith.constant 3 : i32
          %dma_start3A_763 = arith.constant 0 : i32
          %dma_start3A_764 = arith.constant 0 : i32
          %dma_start3A_765 = tpu.memref_slice %arg13[%dma_start3A_761, %dma_start3A_762, %dma_start3A_763, %dma_start3A_764] : memref<2x16x8x128xf32, #tpu.memory_space<vmem>> -> memref<1x1x8x128xf32, #tpu.memory_space<vmem>>
          %dma_start3A_766 = tpu.memref_squeeze %dma_start3A_765 : memref<1x1x8x128xf32, #tpu.memory_space<vmem>> -> memref<8x128xf32, #tpu.memory_space<vmem>>
          %dma_start3A_767 = tpu.memref_slice %arg5[%mul3A_652, %multiple_of3A_748] : memref<32x1000000xf32, #tpu.memory_space<hbm>> -> memref<8x128xf32, #tpu.memory_space<hbm>>
          %dma_start3A_768 = arith.constant 0 : i32
          %dma_start3A_769 = arith.constant 0 : i32
          %dma_start3A_770 = tpu.memref_slice %arg13[%dma_start3A_761, %dma_start3A_762, %dma_start3A_768, %dma_start3A_769] : memref<2x16x8x128xf32, #tpu.memory_space<vmem>> -> memref<1x1x8x128xf32, #tpu.memory_space<vmem>>
          %dma_start3A_771 = tpu.memref_squeeze %dma_start3A_770 : memref<1x1x8x128xf32, #tpu.memory_space<vmem>> -> memref<8x128xf32, #tpu.memory_space<vmem>>
          %dma_start3A_772 = tpu.memref_slice %arg5[%mul3A_652, %multiple_of3A_748] : memref<32x1000000xf32, #tpu.memory_space<hbm>> -> memref<8x128xf32, #tpu.memory_space<hbm>>
          tpu.enqueue_dma source(%dma_start3A_772 : memref<8x128xf32, #tpu.memory_space<hbm>>) target(%dma_start3A_771 : memref<8x128xf32, #tpu.memory_space<vmem>>) target_semaphore(%arg19 : memref<!tpu.dma_semaphore, #tpu.memory_space<semaphore_mem>>)
          %slice3A_773 = vector.extract_strided_slice %and3A_647 {offsets = [4], sizes = [1], strides = [1]} : vector<16xi32> to vector<1xi32>
          %squeeze3A_774 = vector.extract %slice3A_773[0] : i32 from vector<1xi32>
          %multiple_of3A_775 = tpu.assume_multiple %squeeze3A_774, 128 : i32
          %slice3A_776 = vector.extract_strided_slice %and3A_650 {offsets = [4], sizes = [1], strides = [1]} : vector<16xi32> to vector<1xi32>
          %squeeze3A_777 = vector.extract %slice3A_776[0] : i32 from vector<1xi32>
          %multiple_of3A_778 = tpu.assume_multiple %squeeze3A_777, 128 : i32
          %dma_start3A_779 = arith.constant 1 : i32
          %dma_start3A_780 = arith.constant 4 : i32
          %dma_start3A_781 = arith.constant 0 : i32
          %dma_start3A_782 = arith.constant 0 : i32
          %dma_start3A_783 = tpu.memref_slice %arg12[%dma_start3A_779, %dma_start3A_780, %dma_start3A_781, %dma_start3A_782] : memref<2x16x8x128xf32, #tpu.memory_space<vmem>> -> memref<1x1x8x128xf32, #tpu.memory_space<vmem>>
          %dma_start3A_784 = tpu.memref_squeeze %dma_start3A_783 : memref<1x1x8x128xf32, #tpu.memory_space<vmem>> -> memref<8x128xf32, #tpu.memory_space<vmem>>
          %dma_start3A_785 = tpu.memref_slice %arg4[%mul3A_652, %multiple_of3A_775] : memref<32x1000000xf32, #tpu.memory_space<hbm>> -> memref<8x128xf32, #tpu.memory_space<hbm>>
          %dma_start3A_786 = arith.constant 0 : i32
          %dma_start3A_787 = arith.constant 0 : i32
          %dma_start3A_788 = tpu.memref_slice %arg12[%dma_start3A_779, %dma_start3A_780, %dma_start3A_786, %dma_start3A_787] : memref<2x16x8x128xf32, #tpu.memory_space<vmem>> -> memref<1x1x8x128xf32, #tpu.memory_space<vmem>>
          %dma_start3A_789 = tpu.memref_squeeze %dma_start3A_788 : memref<1x1x8x128xf32, #tpu.memory_space<vmem>> -> memref<8x128xf32, #tpu.memory_space<vmem>>
          %dma_start3A_790 = tpu.memref_slice %arg4[%mul3A_652, %multiple_of3A_775] : memref<32x1000000xf32, #tpu.memory_space<hbm>> -> memref<8x128xf32, #tpu.memory_space<hbm>>
          tpu.enqueue_dma source(%dma_start3A_790 : memref<8x128xf32, #tpu.memory_space<hbm>>) target(%dma_start3A_789 : memref<8x128xf32, #tpu.memory_space<vmem>>) target_semaphore(%arg19 : memref<!tpu.dma_semaphore, #tpu.memory_space<semaphore_mem>>)
          %dma_start3A_791 = arith.constant 1 : i32
          %dma_start3A_792 = arith.constant 4 : i32
          %dma_start3A_793 = arith.constant 0 : i32
          %dma_start3A_794 = arith.constant 0 : i32
          %dma_start3A_795 = tpu.memref_slice %arg13[%dma_start3A_791, %dma_start3A_792, %dma_start3A_793, %dma_start3A_794] : memref<2x16x8x128xf32, #tpu.memory_space<vmem>> -> memref<1x1x8x128xf32, #tpu.memory_space<vmem>>
          %dma_start3A_796 = tpu.memref_squeeze %dma_start3A_795 : memref<1x1x8x128xf32, #tpu.memory_space<vmem>> -> memref<8x128xf32, #tpu.memory_space<vmem>>
          %dma_start3A_797 = tpu.memref_slice %arg5[%mul3A_652, %multiple_of3A_778] : memref<32x1000000xf32, #tpu.memory_space<hbm>> -> memref<8x128xf32, #tpu.memory_space<hbm>>
          %dma_start3A_798 = arith.constant 0 : i32
          %dma_start3A_799 = arith.constant 0 : i32
          %dma_start3A_800 = tpu.memref_slice %arg13[%dma_start3A_791, %dma_start3A_792, %dma_start3A_798, %dma_start3A_799] : memref<2x16x8x128xf32, #tpu.memory_space<vmem>> -> memref<1x1x8x128xf32, #tpu.memory_space<vmem>>
          %dma_start3A_801 = tpu.memref_squeeze %dma_start3A_800 : memref<1x1x8x128xf32, #tpu.memory_space<vmem>> -> memref<8x128xf32, #tpu.memory_space<vmem>>
          %dma_start3A_802 = tpu.memref_slice %arg5[%mul3A_652, %multiple_of3A_778] : memref<32x1000000xf32, #tpu.memory_space<hbm>> -> memref<8x128xf32, #tpu.memory_space<hbm>>
          tpu.enqueue_dma source(%dma_start3A_802 : memref<8x128xf32, #tpu.memory_space<hbm>>) target(%dma_start3A_801 : memref<8x128xf32, #tpu.memory_space<vmem>>) target_semaphore(%arg19 : memref<!tpu.dma_semaphore, #tpu.memory_space<semaphore_mem>>)
          %slice3A_803 = vector.extract_strided_slice %and3A_647 {offsets = [5], sizes = [1], strides = [1]} : vector<16xi32> to vector<1xi32>
          %squeeze3A_804 = vector.extract %slice3A_803[0] : i32 from vector<1xi32>
          %multiple_of3A_805 = tpu.assume_multiple %squeeze3A_804, 128 : i32
          %slice3A_806 = vector.extract_strided_slice %and3A_650 {offsets = [5], sizes = [1], strides = [1]} : vector<16xi32> to vector<1xi32>
          %squeeze3A_807 = vector.extract %slice3A_806[0] : i32 from vector<1xi32>
          %multiple_of3A_808 = tpu.assume_multiple %squeeze3A_807, 128 : i32
          %dma_start3A_809 = arith.constant 1 : i32
          %dma_start3A_810 = arith.constant 5 : i32
          %dma_start3A_811 = arith.constant 0 : i32
          %dma_start3A_812 = arith.constant 0 : i32
          %dma_start3A_813 = tpu.memref_slice %arg12[%dma_start3A_809, %dma_start3A_810, %dma_start3A_811, %dma_start3A_812] : memref<2x16x8x128xf32, #tpu.memory_space<vmem>> -> memref<1x1x8x128xf32, #tpu.memory_space<vmem>>
          %dma_start3A_814 = tpu.memref_squeeze %dma_start3A_813 : memref<1x1x8x128xf32, #tpu.memory_space<vmem>> -> memref<8x128xf32, #tpu.memory_space<vmem>>
          %dma_start3A_815 = tpu.memref_slice %arg4[%mul3A_652, %multiple_of3A_805] : memref<32x1000000xf32, #tpu.memory_space<hbm>> -> memref<8x128xf32, #tpu.memory_space<hbm>>
          %dma_start3A_816 = arith.constant 0 : i32
          %dma_start3A_817 = arith.constant 0 : i32
          %dma_start3A_818 = tpu.memref_slice %arg12[%dma_start3A_809, %dma_start3A_810, %dma_start3A_816, %dma_start3A_817] : memref<2x16x8x128xf32, #tpu.memory_space<vmem>> -> memref<1x1x8x128xf32, #tpu.memory_space<vmem>>
          %dma_start3A_819 = tpu.memref_squeeze %dma_start3A_818 : memref<1x1x8x128xf32, #tpu.memory_space<vmem>> -> memref<8x128xf32, #tpu.memory_space<vmem>>
          %dma_start3A_820 = tpu.memref_slice %arg4[%mul3A_652, %multiple_of3A_805] : memref<32x1000000xf32, #tpu.memory_space<hbm>> -> memref<8x128xf32, #tpu.memory_space<hbm>>
          tpu.enqueue_dma source(%dma_start3A_820 : memref<8x128xf32, #tpu.memory_space<hbm>>) target(%dma_start3A_819 : memref<8x128xf32, #tpu.memory_space<vmem>>) target_semaphore(%arg19 : memref<!tpu.dma_semaphore, #tpu.memory_space<semaphore_mem>>)
          %dma_start3A_821 = arith.constant 1 : i32
          %dma_start3A_822 = arith.constant 5 : i32
          %dma_start3A_823 = arith.constant 0 : i32
          %dma_start3A_824 = arith.constant 0 : i32
          %dma_start3A_825 = tpu.memref_slice %arg13[%dma_start3A_821, %dma_start3A_822, %dma_start3A_823, %dma_start3A_824] : memref<2x16x8x128xf32, #tpu.memory_space<vmem>> -> memref<1x1x8x128xf32, #tpu.memory_space<vmem>>
          %dma_start3A_826 = tpu.memref_squeeze %dma_start3A_825 : memref<1x1x8x128xf32, #tpu.memory_space<vmem>> -> memref<8x128xf32, #tpu.memory_space<vmem>>
          %dma_start3A_827 = tpu.memref_slice %arg5[%mul3A_652, %multiple_of3A_808] : memref<32x1000000xf32, #tpu.memory_space<hbm>> -> memref<8x128xf32, #tpu.memory_space<hbm>>
          %dma_start3A_828 = arith.constant 0 : i32
          %dma_start3A_829 = arith.constant 0 : i32
          %dma_start3A_830 = tpu.memref_slice %arg13[%dma_start3A_821, %dma_start3A_822, %dma_start3A_828, %dma_start3A_829] : memref<2x16x8x128xf32, #tpu.memory_space<vmem>> -> memref<1x1x8x128xf32, #tpu.memory_space<vmem>>
          %dma_start3A_831 = tpu.memref_squeeze %dma_start3A_830 : memref<1x1x8x128xf32, #tpu.memory_space<vmem>> -> memref<8x128xf32, #tpu.memory_space<vmem>>
          %dma_start3A_832 = tpu.memref_slice %arg5[%mul3A_652, %multiple_of3A_808] : memref<32x1000000xf32, #tpu.memory_space<hbm>> -> memref<8x128xf32, #tpu.memory_space<hbm>>
          tpu.enqueue_dma source(%dma_start3A_832 : memref<8x128xf32, #tpu.memory_space<hbm>>) target(%dma_start3A_831 : memref<8x128xf32, #tpu.memory_space<vmem>>) target_semaphore(%arg19 : memref<!tpu.dma_semaphore, #tpu.memory_space<semaphore_mem>>)
          %slice3A_833 = vector.extract_strided_slice %and3A_647 {offsets = [6], sizes = [1], strides = [1]} : vector<16xi32> to vector<1xi32>
          %squeeze3A_834 = vector.extract %slice3A_833[0] : i32 from vector<1xi32>
          %multiple_of3A_835 = tpu.assume_multiple %squeeze3A_834, 128 : i32
          %slice3A_836 = vector.extract_strided_slice %and3A_650 {offsets = [6], sizes = [1], strides = [1]} : vector<16xi32> to vector<1xi32>
          %squeeze3A_837 = vector.extract %slice3A_836[0] : i32 from vector<1xi32>
          %multiple_of3A_838 = tpu.assume_multiple %squeeze3A_837, 128 : i32
          %dma_start3A_839 = arith.constant 1 : i32
          %dma_start3A_840 = arith.constant 6 : i32
          %dma_start3A_841 = arith.constant 0 : i32
          %dma_start3A_842 = arith.constant 0 : i32
          %dma_start3A_843 = tpu.memref_slice %arg12[%dma_start3A_839, %dma_start3A_840, %dma_start3A_841, %dma_start3A_842] : memref<2x16x8x128xf32, #tpu.memory_space<vmem>> -> memref<1x1x8x128xf32, #tpu.memory_space<vmem>>
          %dma_start3A_844 = tpu.memref_squeeze %dma_start3A_843 : memref<1x1x8x128xf32, #tpu.memory_space<vmem>> -> memref<8x128xf32, #tpu.memory_space<vmem>>
          %dma_start3A_845 = tpu.memref_slice %arg4[%mul3A_652, %multiple_of3A_835] : memref<32x1000000xf32, #tpu.memory_space<hbm>> -> memref<8x128xf32, #tpu.memory_space<hbm>>
          %dma_start3A_846 = arith.constant 0 : i32
          %dma_start3A_847 = arith.constant 0 : i32
          %dma_start3A_848 = tpu.memref_slice %arg12[%dma_start3A_839, %dma_start3A_840, %dma_start3A_846, %dma_start3A_847] : memref<2x16x8x128xf32, #tpu.memory_space<vmem>> -> memref<1x1x8x128xf32, #tpu.memory_space<vmem>>
          %dma_start3A_849 = tpu.memref_squeeze %dma_start3A_848 : memref<1x1x8x128xf32, #tpu.memory_space<vmem>> -> memref<8x128xf32, #tpu.memory_space<vmem>>
          %dma_start3A_850 = tpu.memref_slice %arg4[%mul3A_652, %multiple_of3A_835] : memref<32x1000000xf32, #tpu.memory_space<hbm>> -> memref<8x128xf32, #tpu.memory_space<hbm>>
          tpu.enqueue_dma source(%dma_start3A_850 : memref<8x128xf32, #tpu.memory_space<hbm>>) target(%dma_start3A_849 : memref<8x128xf32, #tpu.memory_space<vmem>>) target_semaphore(%arg19 : memref<!tpu.dma_semaphore, #tpu.memory_space<semaphore_mem>>)
          %dma_start3A_851 = arith.constant 1 : i32
          %dma_start3A_852 = arith.constant 6 : i32
          %dma_start3A_853 = arith.constant 0 : i32
          %dma_start3A_854 = arith.constant 0 : i32
          %dma_start3A_855 = tpu.memref_slice %arg13[%dma_start3A_851, %dma_start3A_852, %dma_start3A_853, %dma_start3A_854] : memref<2x16x8x128xf32, #tpu.memory_space<vmem>> -> memref<1x1x8x128xf32, #tpu.memory_space<vmem>>
          %dma_start3A_856 = tpu.memref_squeeze %dma_start3A_855 : memref<1x1x8x128xf32, #tpu.memory_space<vmem>> -> memref<8x128xf32, #tpu.memory_space<vmem>>
          %dma_start3A_857 = tpu.memref_slice %arg5[%mul3A_652, %multiple_of3A_838] : memref<32x1000000xf32, #tpu.memory_space<hbm>> -> memref<8x128xf32, #tpu.memory_space<hbm>>
          %dma_start3A_858 = arith.constant 0 : i32
          %dma_start3A_859 = arith.constant 0 : i32
          %dma_start3A_860 = tpu.memref_slice %arg13[%dma_start3A_851, %dma_start3A_852, %dma_start3A_858, %dma_start3A_859] : memref<2x16x8x128xf32, #tpu.memory_space<vmem>> -> memref<1x1x8x128xf32, #tpu.memory_space<vmem>>
          %dma_start3A_861 = tpu.memref_squeeze %dma_start3A_860 : memref<1x1x8x128xf32, #tpu.memory_space<vmem>> -> memref<8x128xf32, #tpu.memory_space<vmem>>
          %dma_start3A_862 = tpu.memref_slice %arg5[%mul3A_652, %multiple_of3A_838] : memref<32x1000000xf32, #tpu.memory_space<hbm>> -> memref<8x128xf32, #tpu.memory_space<hbm>>
          tpu.enqueue_dma source(%dma_start3A_862 : memref<8x128xf32, #tpu.memory_space<hbm>>) target(%dma_start3A_861 : memref<8x128xf32, #tpu.memory_space<vmem>>) target_semaphore(%arg19 : memref<!tpu.dma_semaphore, #tpu.memory_space<semaphore_mem>>)
          %slice3A_863 = vector.extract_strided_slice %and3A_647 {offsets = [7], sizes = [1], strides = [1]} : vector<16xi32> to vector<1xi32>
          %squeeze3A_864 = vector.extract %slice3A_863[0] : i32 from vector<1xi32>
          %multiple_of3A_865 = tpu.assume_multiple %squeeze3A_864, 128 : i32
          %slice3A_866 = vector.extract_strided_slice %and3A_650 {offsets = [7], sizes = [1], strides = [1]} : vector<16xi32> to vector<1xi32>
          %squeeze3A_867 = vector.extract %slice3A_866[0] : i32 from vector<1xi32>
          %multiple_of3A_868 = tpu.assume_multiple %squeeze3A_867, 128 : i32
          %dma_start3A_869 = arith.constant 1 : i32
          %dma_start3A_870 = arith.constant 7 : i32
          %dma_start3A_871 = arith.constant 0 : i32
          %dma_start3A_872 = arith.constant 0 : i32
          %dma_start3A_873 = tpu.memref_slice %arg12[%dma_start3A_869, %dma_start3A_870, %dma_start3A_871, %dma_start3A_872] : memref<2x16x8x128xf32, #tpu.memory_space<vmem>> -> memref<1x1x8x128xf32, #tpu.memory_space<vmem>>
          %dma_start3A_874 = tpu.memref_squeeze %dma_start3A_873 : memref<1x1x8x128xf32, #tpu.memory_space<vmem>> -> memref<8x128xf32, #tpu.memory_space<vmem>>
          %dma_start3A_875 = tpu.memref_slice %arg4[%mul3A_652, %multiple_of3A_865] : memref<32x1000000xf32, #tpu.memory_space<hbm>> -> memref<8x128xf32, #tpu.memory_space<hbm>>
          %dma_start3A_876 = arith.constant 0 : i32
          %dma_start3A_877 = arith.constant 0 : i32
          %dma_start3A_878 = tpu.memref_slice %arg12[%dma_start3A_869, %dma_start3A_870, %dma_start3A_876, %dma_start3A_877] : memref<2x16x8x128xf32, #tpu.memory_space<vmem>> -> memref<1x1x8x128xf32, #tpu.memory_space<vmem>>
          %dma_start3A_879 = tpu.memref_squeeze %dma_start3A_878 : memref<1x1x8x128xf32, #tpu.memory_space<vmem>> -> memref<8x128xf32, #tpu.memory_space<vmem>>
          %dma_start3A_880 = tpu.memref_slice %arg4[%mul3A_652, %multiple_of3A_865] : memref<32x1000000xf32, #tpu.memory_space<hbm>> -> memref<8x128xf32, #tpu.memory_space<hbm>>
          tpu.enqueue_dma source(%dma_start3A_880 : memref<8x128xf32, #tpu.memory_space<hbm>>) target(%dma_start3A_879 : memref<8x128xf32, #tpu.memory_space<vmem>>) target_semaphore(%arg19 : memref<!tpu.dma_semaphore, #tpu.memory_space<semaphore_mem>>)
          %dma_start3A_881 = arith.constant 1 : i32
          %dma_start3A_882 = arith.constant 7 : i32
          %dma_start3A_883 = arith.constant 0 : i32
          %dma_start3A_884 = arith.constant 0 : i32
          %dma_start3A_885 = tpu.memref_slice %arg13[%dma_start3A_881, %dma_start3A_882, %dma_start3A_883, %dma_start3A_884] : memref<2x16x8x128xf32, #tpu.memory_space<vmem>> -> memref<1x1x8x128xf32, #tpu.memory_space<vmem>>
          %dma_start3A_886 = tpu.memref_squeeze %dma_start3A_885 : memref<1x1x8x128xf32, #tpu.memory_space<vmem>> -> memref<8x128xf32, #tpu.memory_space<vmem>>
          %dma_start3A_887 = tpu.memref_slice %arg5[%mul3A_652, %multiple_of3A_868] : memref<32x1000000xf32, #tpu.memory_space<hbm>> -> memref<8x128xf32, #tpu.memory_space<hbm>>
          %dma_start3A_888 = arith.constant 0 : i32
          %dma_start3A_889 = arith.constant 0 : i32
          %dma_start3A_890 = tpu.memref_slice %arg13[%dma_start3A_881, %dma_start3A_882, %dma_start3A_888, %dma_start3A_889] : memref<2x16x8x128xf32, #tpu.memory_space<vmem>> -> memref<1x1x8x128xf32, #tpu.memory_space<vmem>>
          %dma_start3A_891 = tpu.memref_squeeze %dma_start3A_890 : memref<1x1x8x128xf32, #tpu.memory_space<vmem>> -> memref<8x128xf32, #tpu.memory_space<vmem>>
          %dma_start3A_892 = tpu.memref_slice %arg5[%mul3A_652, %multiple_of3A_868] : memref<32x1000000xf32, #tpu.memory_space<hbm>> -> memref<8x128xf32, #tpu.memory_space<hbm>>
          tpu.enqueue_dma source(%dma_start3A_892 : memref<8x128xf32, #tpu.memory_space<hbm>>) target(%dma_start3A_891 : memref<8x128xf32, #tpu.memory_space<vmem>>) target_semaphore(%arg19 : memref<!tpu.dma_semaphore, #tpu.memory_space<semaphore_mem>>)
          %slice3A_893 = vector.extract_strided_slice %and3A_647 {offsets = [8], sizes = [1], strides = [1]} : vector<16xi32> to vector<1xi32>
          %squeeze3A_894 = vector.extract %slice3A_893[0] : i32 from vector<1xi32>
          %multiple_of3A_895 = tpu.assume_multiple %squeeze3A_894, 128 : i32
          %slice3A_896 = vector.extract_strided_slice %and3A_650 {offsets = [8], sizes = [1], strides = [1]} : vector<16xi32> to vector<1xi32>
          %squeeze3A_897 = vector.extract %slice3A_896[0] : i32 from vector<1xi32>
          %multiple_of3A_898 = tpu.assume_multiple %squeeze3A_897, 128 : i32
          %dma_start3A_899 = arith.constant 1 : i32
          %dma_start3A_900 = arith.constant 8 : i32
          %dma_start3A_901 = arith.constant 0 : i32
          %dma_start3A_902 = arith.constant 0 : i32
          %dma_start3A_903 = tpu.memref_slice %arg12[%dma_start3A_899, %dma_start3A_900, %dma_start3A_901, %dma_start3A_902] : memref<2x16x8x128xf32, #tpu.memory_space<vmem>> -> memref<1x1x8x128xf32, #tpu.memory_space<vmem>>
          %dma_start3A_904 = tpu.memref_squeeze %dma_start3A_903 : memref<1x1x8x128xf32, #tpu.memory_space<vmem>> -> memref<8x128xf32, #tpu.memory_space<vmem>>
          %dma_start3A_905 = tpu.memref_slice %arg4[%mul3A_652, %multiple_of3A_895] : memref<32x1000000xf32, #tpu.memory_space<hbm>> -> memref<8x128xf32, #tpu.memory_space<hbm>>
          %dma_start3A_906 = arith.constant 0 : i32
          %dma_start3A_907 = arith.constant 0 : i32
          %dma_start3A_908 = tpu.memref_slice %arg12[%dma_start3A_899, %dma_start3A_900, %dma_start3A_906, %dma_start3A_907] : memref<2x16x8x128xf32, #tpu.memory_space<vmem>> -> memref<1x1x8x128xf32, #tpu.memory_space<vmem>>
          %dma_start3A_909 = tpu.memref_squeeze %dma_start3A_908 : memref<1x1x8x128xf32, #tpu.memory_space<vmem>> -> memref<8x128xf32, #tpu.memory_space<vmem>>
          %dma_start3A_910 = tpu.memref_slice %arg4[%mul3A_652, %multiple_of3A_895] : memref<32x1000000xf32, #tpu.memory_space<hbm>> -> memref<8x128xf32, #tpu.memory_space<hbm>>
          tpu.enqueue_dma source(%dma_start3A_910 : memref<8x128xf32, #tpu.memory_space<hbm>>) target(%dma_start3A_909 : memref<8x128xf32, #tpu.memory_space<vmem>>) target_semaphore(%arg19 : memref<!tpu.dma_semaphore, #tpu.memory_space<semaphore_mem>>)
          %dma_start3A_911 = arith.constant 1 : i32
          %dma_start3A_912 = arith.constant 8 : i32
          %dma_start3A_913 = arith.constant 0 : i32
          %dma_start3A_914 = arith.constant 0 : i32
          %dma_start3A_915 = tpu.memref_slice %arg13[%dma_start3A_911, %dma_start3A_912, %dma_start3A_913, %dma_start3A_914] : memref<2x16x8x128xf32, #tpu.memory_space<vmem>> -> memref<1x1x8x128xf32, #tpu.memory_space<vmem>>
          %dma_start3A_916 = tpu.memref_squeeze %dma_start3A_915 : memref<1x1x8x128xf32, #tpu.memory_space<vmem>> -> memref<8x128xf32, #tpu.memory_space<vmem>>
          %dma_start3A_917 = tpu.memref_slice %arg5[%mul3A_652, %multiple_of3A_898] : memref<32x1000000xf32, #tpu.memory_space<hbm>> -> memref<8x128xf32, #tpu.memory_space<hbm>>
          %dma_start3A_918 = arith.constant 0 : i32
          %dma_start3A_919 = arith.constant 0 : i32
          %dma_start3A_920 = tpu.memref_slice %arg13[%dma_start3A_911, %dma_start3A_912, %dma_start3A_918, %dma_start3A_919] : memref<2x16x8x128xf32, #tpu.memory_space<vmem>> -> memref<1x1x8x128xf32, #tpu.memory_space<vmem>>
          %dma_start3A_921 = tpu.memref_squeeze %dma_start3A_920 : memref<1x1x8x128xf32, #tpu.memory_space<vmem>> -> memref<8x128xf32, #tpu.memory_space<vmem>>
          %dma_start3A_922 = tpu.memref_slice %arg5[%mul3A_652, %multiple_of3A_898] : memref<32x1000000xf32, #tpu.memory_space<hbm>> -> memref<8x128xf32, #tpu.memory_space<hbm>>
          tpu.enqueue_dma source(%dma_start3A_922 : memref<8x128xf32, #tpu.memory_space<hbm>>) target(%dma_start3A_921 : memref<8x128xf32, #tpu.memory_space<vmem>>) target_semaphore(%arg19 : memref<!tpu.dma_semaphore, #tpu.memory_space<semaphore_mem>>)
          %slice3A_923 = vector.extract_strided_slice %and3A_647 {offsets = [9], sizes = [1], strides = [1]} : vector<16xi32> to vector<1xi32>
          %squeeze3A_924 = vector.extract %slice3A_923[0] : i32 from vector<1xi32>
          %multiple_of3A_925 = tpu.assume_multiple %squeeze3A_924, 128 : i32
          %slice3A_926 = vector.extract_strided_slice %and3A_650 {offsets = [9], sizes = [1], strides = [1]} : vector<16xi32> to vector<1xi32>
          %squeeze3A_927 = vector.extract %slice3A_926[0] : i32 from vector<1xi32>
          %multiple_of3A_928 = tpu.assume_multiple %squeeze3A_927, 128 : i32
          %dma_start3A_929 = arith.constant 1 : i32
          %dma_start3A_930 = arith.constant 9 : i32
          %dma_start3A_931 = arith.constant 0 : i32
          %dma_start3A_932 = arith.constant 0 : i32
          %dma_start3A_933 = tpu.memref_slice %arg12[%dma_start3A_929, %dma_start3A_930, %dma_start3A_931, %dma_start3A_932] : memref<2x16x8x128xf32, #tpu.memory_space<vmem>> -> memref<1x1x8x128xf32, #tpu.memory_space<vmem>>
          %dma_start3A_934 = tpu.memref_squeeze %dma_start3A_933 : memref<1x1x8x128xf32, #tpu.memory_space<vmem>> -> memref<8x128xf32, #tpu.memory_space<vmem>>
          %dma_start3A_935 = tpu.memref_slice %arg4[%mul3A_652, %multiple_of3A_925] : memref<32x1000000xf32, #tpu.memory_space<hbm>> -> memref<8x128xf32, #tpu.memory_space<hbm>>
          %dma_start3A_936 = arith.constant 0 : i32
          %dma_start3A_937 = arith.constant 0 : i32
          %dma_start3A_938 = tpu.memref_slice %arg12[%dma_start3A_929, %dma_start3A_930, %dma_start3A_936, %dma_start3A_937] : memref<2x16x8x128xf32, #tpu.memory_space<vmem>> -> memref<1x1x8x128xf32, #tpu.memory_space<vmem>>
          %dma_start3A_939 = tpu.memref_squeeze %dma_start3A_938 : memref<1x1x8x128xf32, #tpu.memory_space<vmem>> -> memref<8x128xf32, #tpu.memory_space<vmem>>
          %dma_start3A_940 = tpu.memref_slice %arg4[%mul3A_652, %multiple_of3A_925] : memref<32x1000000xf32, #tpu.memory_space<hbm>> -> memref<8x128xf32, #tpu.memory_space<hbm>>
          tpu.enqueue_dma source(%dma_start3A_940 : memref<8x128xf32, #tpu.memory_space<hbm>>) target(%dma_start3A_939 : memref<8x128xf32, #tpu.memory_space<vmem>>) target_semaphore(%arg19 : memref<!tpu.dma_semaphore, #tpu.memory_space<semaphore_mem>>)
          %dma_start3A_941 = arith.constant 1 : i32
          %dma_start3A_942 = arith.constant 9 : i32
          %dma_start3A_943 = arith.constant 0 : i32
          %dma_start3A_944 = arith.constant 0 : i32
          %dma_start3A_945 = tpu.memref_slice %arg13[%dma_start3A_941, %dma_start3A_942, %dma_start3A_943, %dma_start3A_944] : memref<2x16x8x128xf32, #tpu.memory_space<vmem>> -> memref<1x1x8x128xf32, #tpu.memory_space<vmem>>
          %dma_start3A_946 = tpu.memref_squeeze %dma_start3A_945 : memref<1x1x8x128xf32, #tpu.memory_space<vmem>> -> memref<8x128xf32, #tpu.memory_space<vmem>>
          %dma_start3A_947 = tpu.memref_slice %arg5[%mul3A_652, %multiple_of3A_928] : memref<32x1000000xf32, #tpu.memory_space<hbm>> -> memref<8x128xf32, #tpu.memory_space<hbm>>
          %dma_start3A_948 = arith.constant 0 : i32
          %dma_start3A_949 = arith.constant 0 : i32
          %dma_start3A_950 = tpu.memref_slice %arg13[%dma_start3A_941, %dma_start3A_942, %dma_start3A_948, %dma_start3A_949] : memref<2x16x8x128xf32, #tpu.memory_space<vmem>> -> memref<1x1x8x128xf32, #tpu.memory_space<vmem>>
          %dma_start3A_951 = tpu.memref_squeeze %dma_start3A_950 : memref<1x1x8x128xf32, #tpu.memory_space<vmem>> -> memref<8x128xf32, #tpu.memory_space<vmem>>
          %dma_start3A_952 = tpu.memref_slice %arg5[%mul3A_652, %multiple_of3A_928] : memref<32x1000000xf32, #tpu.memory_space<hbm>> -> memref<8x128xf32, #tpu.memory_space<hbm>>
          tpu.enqueue_dma source(%dma_start3A_952 : memref<8x128xf32, #tpu.memory_space<hbm>>) target(%dma_start3A_951 : memref<8x128xf32, #tpu.memory_space<vmem>>) target_semaphore(%arg19 : memref<!tpu.dma_semaphore, #tpu.memory_space<semaphore_mem>>)
          %slice3A_953 = vector.extract_strided_slice %and3A_647 {offsets = [10], sizes = [1], strides = [1]} : vector<16xi32> to vector<1xi32>
          %squeeze3A_954 = vector.extract %slice3A_953[0] : i32 from vector<1xi32>
          %multiple_of3A_955 = tpu.assume_multiple %squeeze3A_954, 128 : i32
          %slice3A_956 = vector.extract_strided_slice %and3A_650 {offsets = [10], sizes = [1], strides = [1]} : vector<16xi32> to vector<1xi32>
          %squeeze3A_957 = vector.extract %slice3A_956[0] : i32 from vector<1xi32>
          %multiple_of3A_958 = tpu.assume_multiple %squeeze3A_957, 128 : i32
          %dma_start3A_959 = arith.constant 1 : i32
          %dma_start3A_960 = arith.constant 10 : i32
          %dma_start3A_961 = arith.constant 0 : i32
          %dma_start3A_962 = arith.constant 0 : i32
          %dma_start3A_963 = tpu.memref_slice %arg12[%dma_start3A_959, %dma_start3A_960, %dma_start3A_961, %dma_start3A_962] : memref<2x16x8x128xf32, #tpu.memory_space<vmem>> -> memref<1x1x8x128xf32, #tpu.memory_space<vmem>>
          %dma_start3A_964 = tpu.memref_squeeze %dma_start3A_963 : memref<1x1x8x128xf32, #tpu.memory_space<vmem>> -> memref<8x128xf32, #tpu.memory_space<vmem>>
          %dma_start3A_965 = tpu.memref_slice %arg4[%mul3A_652, %multiple_of3A_955] : memref<32x1000000xf32, #tpu.memory_space<hbm>> -> memref<8x128xf32, #tpu.memory_space<hbm>>
          %dma_start3A_966 = arith.constant 0 : i32
          %dma_start3A_967 = arith.constant 0 : i32
          %dma_start3A_968 = tpu.memref_slice %arg12[%dma_start3A_959, %dma_start3A_960, %dma_start3A_966, %dma_start3A_967] : memref<2x16x8x128xf32, #tpu.memory_space<vmem>> -> memref<1x1x8x128xf32, #tpu.memory_space<vmem>>
          %dma_start3A_969 = tpu.memref_squeeze %dma_start3A_968 : memref<1x1x8x128xf32, #tpu.memory_space<vmem>> -> memref<8x128xf32, #tpu.memory_space<vmem>>
          %dma_start3A_970 = tpu.memref_slice %arg4[%mul3A_652, %multiple_of3A_955] : memref<32x1000000xf32, #tpu.memory_space<hbm>> -> memref<8x128xf32, #tpu.memory_space<hbm>>
          tpu.enqueue_dma source(%dma_start3A_970 : memref<8x128xf32, #tpu.memory_space<hbm>>) target(%dma_start3A_969 : memref<8x128xf32, #tpu.memory_space<vmem>>) target_semaphore(%arg19 : memref<!tpu.dma_semaphore, #tpu.memory_space<semaphore_mem>>)
          %dma_start3A_971 = arith.constant 1 : i32
          %dma_start3A_972 = arith.constant 10 : i32
          %dma_start3A_973 = arith.constant 0 : i32
          %dma_start3A_974 = arith.constant 0 : i32
          %dma_start3A_975 = tpu.memref_slice %arg13[%dma_start3A_971, %dma_start3A_972, %dma_start3A_973, %dma_start3A_974] : memref<2x16x8x128xf32, #tpu.memory_space<vmem>> -> memref<1x1x8x128xf32, #tpu.memory_space<vmem>>
          %dma_start3A_976 = tpu.memref_squeeze %dma_start3A_975 : memref<1x1x8x128xf32, #tpu.memory_space<vmem>> -> memref<8x128xf32, #tpu.memory_space<vmem>>
          %dma_start3A_977 = tpu.memref_slice %arg5[%mul3A_652, %multiple_of3A_958] : memref<32x1000000xf32, #tpu.memory_space<hbm>> -> memref<8x128xf32, #tpu.memory_space<hbm>>
          %dma_start3A_978 = arith.constant 0 : i32
          %dma_start3A_979 = arith.constant 0 : i32
          %dma_start3A_980 = tpu.memref_slice %arg13[%dma_start3A_971, %dma_start3A_972, %dma_start3A_978, %dma_start3A_979] : memref<2x16x8x128xf32, #tpu.memory_space<vmem>> -> memref<1x1x8x128xf32, #tpu.memory_space<vmem>>
          %dma_start3A_981 = tpu.memref_squeeze %dma_start3A_980 : memref<1x1x8x128xf32, #tpu.memory_space<vmem>> -> memref<8x128xf32, #tpu.memory_space<vmem>>
          %dma_start3A_982 = tpu.memref_slice %arg5[%mul3A_652, %multiple_of3A_958] : memref<32x1000000xf32, #tpu.memory_space<hbm>> -> memref<8x128xf32, #tpu.memory_space<hbm>>
          tpu.enqueue_dma source(%dma_start3A_982 : memref<8x128xf32, #tpu.memory_space<hbm>>) target(%dma_start3A_981 : memref<8x128xf32, #tpu.memory_space<vmem>>) target_semaphore(%arg19 : memref<!tpu.dma_semaphore, #tpu.memory_space<semaphore_mem>>)
          %slice3A_983 = vector.extract_strided_slice %and3A_647 {offsets = [11], sizes = [1], strides = [1]} : vector<16xi32> to vector<1xi32>
          %squeeze3A_984 = vector.extract %slice3A_983[0] : i32 from vector<1xi32>
          %multiple_of3A_985 = tpu.assume_multiple %squeeze3A_984, 128 : i32
          %slice3A_986 = vector.extract_strided_slice %and3A_650 {offsets = [11], sizes = [1], strides = [1]} : vector<16xi32> to vector<1xi32>
          %squeeze3A_987 = vector.extract %slice3A_986[0] : i32 from vector<1xi32>
          %multiple_of3A_988 = tpu.assume_multiple %squeeze3A_987, 128 : i32
          %dma_start3A_989 = arith.constant 1 : i32
          %dma_start3A_990 = arith.constant 11 : i32
          %dma_start3A_991 = arith.constant 0 : i32
          %dma_start3A_992 = arith.constant 0 : i32
          %dma_start3A_993 = tpu.memref_slice %arg12[%dma_start3A_989, %dma_start3A_990, %dma_start3A_991, %dma_start3A_992] : memref<2x16x8x128xf32, #tpu.memory_space<vmem>> -> memref<1x1x8x128xf32, #tpu.memory_space<vmem>>
          %dma_start3A_994 = tpu.memref_squeeze %dma_start3A_993 : memref<1x1x8x128xf32, #tpu.memory_space<vmem>> -> memref<8x128xf32, #tpu.memory_space<vmem>>
          %dma_start3A_995 = tpu.memref_slice %arg4[%mul3A_652, %multiple_of3A_985] : memref<32x1000000xf32, #tpu.memory_space<hbm>> -> memref<8x128xf32, #tpu.memory_space<hbm>>
          %dma_start3A_996 = arith.constant 0 : i32
          %dma_start3A_997 = arith.constant 0 : i32
          %dma_start3A_998 = tpu.memref_slice %arg12[%dma_start3A_989, %dma_start3A_990, %dma_start3A_996, %dma_start3A_997] : memref<2x16x8x128xf32, #tpu.memory_space<vmem>> -> memref<1x1x8x128xf32, #tpu.memory_space<vmem>>
          %dma_start3A_999 = tpu.memref_squeeze %dma_start3A_998 : memref<1x1x8x128xf32, #tpu.memory_space<vmem>> -> memref<8x128xf32, #tpu.memory_space<vmem>>
          %dma_start3A_1000 = tpu.memref_slice %arg4[%mul3A_652, %multiple_of3A_985] : memref<32x1000000xf32, #tpu.memory_space<hbm>> -> memref<8x128xf32, #tpu.memory_space<hbm>>
          tpu.enqueue_dma source(%dma_start3A_1000 : memref<8x128xf32, #tpu.memory_space<hbm>>) target(%dma_start3A_999 : memref<8x128xf32, #tpu.memory_space<vmem>>) target_semaphore(%arg19 : memref<!tpu.dma_semaphore, #tpu.memory_space<semaphore_mem>>)
          %dma_start3A_1001 = arith.constant 1 : i32
          %dma_start3A_1002 = arith.constant 11 : i32
          %dma_start3A_1003 = arith.constant 0 : i32
          %dma_start3A_1004 = arith.constant 0 : i32
          %dma_start3A_1005 = tpu.memref_slice %arg13[%dma_start3A_1001, %dma_start3A_1002, %dma_start3A_1003, %dma_start3A_1004] : memref<2x16x8x128xf32, #tpu.memory_space<vmem>> -> memref<1x1x8x128xf32, #tpu.memory_space<vmem>>
          %dma_start3A_1006 = tpu.memref_squeeze %dma_start3A_1005 : memref<1x1x8x128xf32, #tpu.memory_space<vmem>> -> memref<8x128xf32, #tpu.memory_space<vmem>>
          %dma_start3A_1007 = tpu.memref_slice %arg5[%mul3A_652, %multiple_of3A_988] : memref<32x1000000xf32, #tpu.memory_space<hbm>> -> memref<8x128xf32, #tpu.memory_space<hbm>>
          %dma_start3A_1008 = arith.constant 0 : i32
          %dma_start3A_1009 = arith.constant 0 : i32
          %dma_start3A_1010 = tpu.memref_slice %arg13[%dma_start3A_1001, %dma_start3A_1002, %dma_start3A_1008, %dma_start3A_1009] : memref<2x16x8x128xf32, #tpu.memory_space<vmem>> -> memref<1x1x8x128xf32, #tpu.memory_space<vmem>>
          %dma_start3A_1011 = tpu.memref_squeeze %dma_start3A_1010 : memref<1x1x8x128xf32, #tpu.memory_space<vmem>> -> memref<8x128xf32, #tpu.memory_space<vmem>>
          %dma_start3A_1012 = tpu.memref_slice %arg5[%mul3A_652, %multiple_of3A_988] : memref<32x1000000xf32, #tpu.memory_space<hbm>> -> memref<8x128xf32, #tpu.memory_space<hbm>>
          tpu.enqueue_dma source(%dma_start3A_1012 : memref<8x128xf32, #tpu.memory_space<hbm>>) target(%dma_start3A_1011 : memref<8x128xf32, #tpu.memory_space<vmem>>) target_semaphore(%arg19 : memref<!tpu.dma_semaphore, #tpu.memory_space<semaphore_mem>>)
          %slice3A_1013 = vector.extract_strided_slice %and3A_647 {offsets = [12], sizes = [1], strides = [1]} : vector<16xi32> to vector<1xi32>
          %squeeze3A_1014 = vector.extract %slice3A_1013[0] : i32 from vector<1xi32>
          %multiple_of3A_1015 = tpu.assume_multiple %squeeze3A_1014, 128 : i32
          %slice3A_1016 = vector.extract_strided_slice %and3A_650 {offsets = [12], sizes = [1], strides = [1]} : vector<16xi32> to vector<1xi32>
          %squeeze3A_1017 = vector.extract %slice3A_1016[0] : i32 from vector<1xi32>
          %multiple_of3A_1018 = tpu.assume_multiple %squeeze3A_1017, 128 : i32
          %dma_start3A_1019 = arith.constant 1 : i32
          %dma_start3A_1020 = arith.constant 12 : i32
          %dma_start3A_1021 = arith.constant 0 : i32
          %dma_start3A_1022 = arith.constant 0 : i32
          %dma_start3A_1023 = tpu.memref_slice %arg12[%dma_start3A_1019, %dma_start3A_1020, %dma_start3A_1021, %dma_start3A_1022] : memref<2x16x8x128xf32, #tpu.memory_space<vmem>> -> memref<1x1x8x128xf32, #tpu.memory_space<vmem>>
          %dma_start3A_1024 = tpu.memref_squeeze %dma_start3A_1023 : memref<1x1x8x128xf32, #tpu.memory_space<vmem>> -> memref<8x128xf32, #tpu.memory_space<vmem>>
          %dma_start3A_1025 = tpu.memref_slice %arg4[%mul3A_652, %multiple_of3A_1015] : memref<32x1000000xf32, #tpu.memory_space<hbm>> -> memref<8x128xf32, #tpu.memory_space<hbm>>
          %dma_start3A_1026 = arith.constant 0 : i32
          %dma_start3A_1027 = arith.constant 0 : i32
          %dma_start3A_1028 = tpu.memref_slice %arg12[%dma_start3A_1019, %dma_start3A_1020, %dma_start3A_1026, %dma_start3A_1027] : memref<2x16x8x128xf32, #tpu.memory_space<vmem>> -> memref<1x1x8x128xf32, #tpu.memory_space<vmem>>
          %dma_start3A_1029 = tpu.memref_squeeze %dma_start3A_1028 : memref<1x1x8x128xf32, #tpu.memory_space<vmem>> -> memref<8x128xf32, #tpu.memory_space<vmem>>
          %dma_start3A_1030 = tpu.memref_slice %arg4[%mul3A_652, %multiple_of3A_1015] : memref<32x1000000xf32, #tpu.memory_space<hbm>> -> memref<8x128xf32, #tpu.memory_space<hbm>>
          tpu.enqueue_dma source(%dma_start3A_1030 : memref<8x128xf32, #tpu.memory_space<hbm>>) target(%dma_start3A_1029 : memref<8x128xf32, #tpu.memory_space<vmem>>) target_semaphore(%arg19 : memref<!tpu.dma_semaphore, #tpu.memory_space<semaphore_mem>>)
          %dma_start3A_1031 = arith.constant 1 : i32
          %dma_start3A_1032 = arith.constant 12 : i32
          %dma_start3A_1033 = arith.constant 0 : i32
          %dma_start3A_1034 = arith.constant 0 : i32
          %dma_start3A_1035 = tpu.memref_slice %arg13[%dma_start3A_1031, %dma_start3A_1032, %dma_start3A_1033, %dma_start3A_1034] : memref<2x16x8x128xf32, #tpu.memory_space<vmem>> -> memref<1x1x8x128xf32, #tpu.memory_space<vmem>>
          %dma_start3A_1036 = tpu.memref_squeeze %dma_start3A_1035 : memref<1x1x8x128xf32, #tpu.memory_space<vmem>> -> memref<8x128xf32, #tpu.memory_space<vmem>>
          %dma_start3A_1037 = tpu.memref_slice %arg5[%mul3A_652, %multiple_of3A_1018] : memref<32x1000000xf32, #tpu.memory_space<hbm>> -> memref<8x128xf32, #tpu.memory_space<hbm>>
          %dma_start3A_1038 = arith.constant 0 : i32
          %dma_start3A_1039 = arith.constant 0 : i32
          %dma_start3A_1040 = tpu.memref_slice %arg13[%dma_start3A_1031, %dma_start3A_1032, %dma_start3A_1038, %dma_start3A_1039] : memref<2x16x8x128xf32, #tpu.memory_space<vmem>> -> memref<1x1x8x128xf32, #tpu.memory_space<vmem>>
          %dma_start3A_1041 = tpu.memref_squeeze %dma_start3A_1040 : memref<1x1x8x128xf32, #tpu.memory_space<vmem>> -> memref<8x128xf32, #tpu.memory_space<vmem>>
          %dma_start3A_1042 = tpu.memref_slice %arg5[%mul3A_652, %multiple_of3A_1018] : memref<32x1000000xf32, #tpu.memory_space<hbm>> -> memref<8x128xf32, #tpu.memory_space<hbm>>
          tpu.enqueue_dma source(%dma_start3A_1042 : memref<8x128xf32, #tpu.memory_space<hbm>>) target(%dma_start3A_1041 : memref<8x128xf32, #tpu.memory_space<vmem>>) target_semaphore(%arg19 : memref<!tpu.dma_semaphore, #tpu.memory_space<semaphore_mem>>)
          %slice3A_1043 = vector.extract_strided_slice %and3A_647 {offsets = [13], sizes = [1], strides = [1]} : vector<16xi32> to vector<1xi32>
          %squeeze3A_1044 = vector.extract %slice3A_1043[0] : i32 from vector<1xi32>
          %multiple_of3A_1045 = tpu.assume_multiple %squeeze3A_1044, 128 : i32
          %slice3A_1046 = vector.extract_strided_slice %and3A_650 {offsets = [13], sizes = [1], strides = [1]} : vector<16xi32> to vector<1xi32>
          %squeeze3A_1047 = vector.extract %slice3A_1046[0] : i32 from vector<1xi32>
          %multiple_of3A_1048 = tpu.assume_multiple %squeeze3A_1047, 128 : i32
          %dma_start3A_1049 = arith.constant 1 : i32
          %dma_start3A_1050 = arith.constant 13 : i32
          %dma_start3A_1051 = arith.constant 0 : i32
          %dma_start3A_1052 = arith.constant 0 : i32
          %dma_start3A_1053 = tpu.memref_slice %arg12[%dma_start3A_1049, %dma_start3A_1050, %dma_start3A_1051, %dma_start3A_1052] : memref<2x16x8x128xf32, #tpu.memory_space<vmem>> -> memref<1x1x8x128xf32, #tpu.memory_space<vmem>>
          %dma_start3A_1054 = tpu.memref_squeeze %dma_start3A_1053 : memref<1x1x8x128xf32, #tpu.memory_space<vmem>> -> memref<8x128xf32, #tpu.memory_space<vmem>>
          %dma_start3A_1055 = tpu.memref_slice %arg4[%mul3A_652, %multiple_of3A_1045] : memref<32x1000000xf32, #tpu.memory_space<hbm>> -> memref<8x128xf32, #tpu.memory_space<hbm>>
          %dma_start3A_1056 = arith.constant 0 : i32
          %dma_start3A_1057 = arith.constant 0 : i32
          %dma_start3A_1058 = tpu.memref_slice %arg12[%dma_start3A_1049, %dma_start3A_1050, %dma_start3A_1056, %dma_start3A_1057] : memref<2x16x8x128xf32, #tpu.memory_space<vmem>> -> memref<1x1x8x128xf32, #tpu.memory_space<vmem>>
          %dma_start3A_1059 = tpu.memref_squeeze %dma_start3A_1058 : memref<1x1x8x128xf32, #tpu.memory_space<vmem>> -> memref<8x128xf32, #tpu.memory_space<vmem>>
          %dma_start3A_1060 = tpu.memref_slice %arg4[%mul3A_652, %multiple_of3A_1045] : memref<32x1000000xf32, #tpu.memory_space<hbm>> -> memref<8x128xf32, #tpu.memory_space<hbm>>
          tpu.enqueue_dma source(%dma_start3A_1060 : memref<8x128xf32, #tpu.memory_space<hbm>>) target(%dma_start3A_1059 : memref<8x128xf32, #tpu.memory_space<vmem>>) target_semaphore(%arg19 : memref<!tpu.dma_semaphore, #tpu.memory_space<semaphore_mem>>)
          %dma_start3A_1061 = arith.constant 1 : i32
          %dma_start3A_1062 = arith.constant 13 : i32
          %dma_start3A_1063 = arith.constant 0 : i32
          %dma_start3A_1064 = arith.constant 0 : i32
          %dma_start3A_1065 = tpu.memref_slice %arg13[%dma_start3A_1061, %dma_start3A_1062, %dma_start3A_1063, %dma_start3A_1064] : memref<2x16x8x128xf32, #tpu.memory_space<vmem>> -> memref<1x1x8x128xf32, #tpu.memory_space<vmem>>
          %dma_start3A_1066 = tpu.memref_squeeze %dma_start3A_1065 : memref<1x1x8x128xf32, #tpu.memory_space<vmem>> -> memref<8x128xf32, #tpu.memory_space<vmem>>
          %dma_start3A_1067 = tpu.memref_slice %arg5[%mul3A_652, %multiple_of3A_1048] : memref<32x1000000xf32, #tpu.memory_space<hbm>> -> memref<8x128xf32, #tpu.memory_space<hbm>>
          %dma_start3A_1068 = arith.constant 0 : i32
          %dma_start3A_1069 = arith.constant 0 : i32
          %dma_start3A_1070 = tpu.memref_slice %arg13[%dma_start3A_1061, %dma_start3A_1062, %dma_start3A_1068, %dma_start3A_1069] : memref<2x16x8x128xf32, #tpu.memory_space<vmem>> -> memref<1x1x8x128xf32, #tpu.memory_space<vmem>>
          %dma_start3A_1071 = tpu.memref_squeeze %dma_start3A_1070 : memref<1x1x8x128xf32, #tpu.memory_space<vmem>> -> memref<8x128xf32, #tpu.memory_space<vmem>>
          %dma_start3A_1072 = tpu.memref_slice %arg5[%mul3A_652, %multiple_of3A_1048] : memref<32x1000000xf32, #tpu.memory_space<hbm>> -> memref<8x128xf32, #tpu.memory_space<hbm>>
          tpu.enqueue_dma source(%dma_start3A_1072 : memref<8x128xf32, #tpu.memory_space<hbm>>) target(%dma_start3A_1071 : memref<8x128xf32, #tpu.memory_space<vmem>>) target_semaphore(%arg19 : memref<!tpu.dma_semaphore, #tpu.memory_space<semaphore_mem>>)
          %slice3A_1073 = vector.extract_strided_slice %and3A_647 {offsets = [14], sizes = [1], strides = [1]} : vector<16xi32> to vector<1xi32>
          %squeeze3A_1074 = vector.extract %slice3A_1073[0] : i32 from vector<1xi32>
          %multiple_of3A_1075 = tpu.assume_multiple %squeeze3A_1074, 128 : i32
          %slice3A_1076 = vector.extract_strided_slice %and3A_650 {offsets = [14], sizes = [1], strides = [1]} : vector<16xi32> to vector<1xi32>
          %squeeze3A_1077 = vector.extract %slice3A_1076[0] : i32 from vector<1xi32>
          %multiple_of3A_1078 = tpu.assume_multiple %squeeze3A_1077, 128 : i32
          %dma_start3A_1079 = arith.constant 1 : i32
          %dma_start3A_1080 = arith.constant 14 : i32
          %dma_start3A_1081 = arith.constant 0 : i32
          %dma_start3A_1082 = arith.constant 0 : i32
          %dma_start3A_1083 = tpu.memref_slice %arg12[%dma_start3A_1079, %dma_start3A_1080, %dma_start3A_1081, %dma_start3A_1082] : memref<2x16x8x128xf32, #tpu.memory_space<vmem>> -> memref<1x1x8x128xf32, #tpu.memory_space<vmem>>
          %dma_start3A_1084 = tpu.memref_squeeze %dma_start3A_1083 : memref<1x1x8x128xf32, #tpu.memory_space<vmem>> -> memref<8x128xf32, #tpu.memory_space<vmem>>
          %dma_start3A_1085 = tpu.memref_slice %arg4[%mul3A_652, %multiple_of3A_1075] : memref<32x1000000xf32, #tpu.memory_space<hbm>> -> memref<8x128xf32, #tpu.memory_space<hbm>>
          %dma_start3A_1086 = arith.constant 0 : i32
          %dma_start3A_1087 = arith.constant 0 : i32
          %dma_start3A_1088 = tpu.memref_slice %arg12[%dma_start3A_1079, %dma_start3A_1080, %dma_start3A_1086, %dma_start3A_1087] : memref<2x16x8x128xf32, #tpu.memory_space<vmem>> -> memref<1x1x8x128xf32, #tpu.memory_space<vmem>>
          %dma_start3A_1089 = tpu.memref_squeeze %dma_start3A_1088 : memref<1x1x8x128xf32, #tpu.memory_space<vmem>> -> memref<8x128xf32, #tpu.memory_space<vmem>>
          %dma_start3A_1090 = tpu.memref_slice %arg4[%mul3A_652, %multiple_of3A_1075] : memref<32x1000000xf32, #tpu.memory_space<hbm>> -> memref<8x128xf32, #tpu.memory_space<hbm>>
          tpu.enqueue_dma source(%dma_start3A_1090 : memref<8x128xf32, #tpu.memory_space<hbm>>) target(%dma_start3A_1089 : memref<8x128xf32, #tpu.memory_space<vmem>>) target_semaphore(%arg19 : memref<!tpu.dma_semaphore, #tpu.memory_space<semaphore_mem>>)
          %dma_start3A_1091 = arith.constant 1 : i32
          %dma_start3A_1092 = arith.constant 14 : i32
          %dma_start3A_1093 = arith.constant 0 : i32
          %dma_start3A_1094 = arith.constant 0 : i32
          %dma_start3A_1095 = tpu.memref_slice %arg13[%dma_start3A_1091, %dma_start3A_1092, %dma_start3A_1093, %dma_start3A_1094] : memref<2x16x8x128xf32, #tpu.memory_space<vmem>> -> memref<1x1x8x128xf32, #tpu.memory_space<vmem>>
          %dma_start3A_1096 = tpu.memref_squeeze %dma_start3A_1095 : memref<1x1x8x128xf32, #tpu.memory_space<vmem>> -> memref<8x128xf32, #tpu.memory_space<vmem>>
          %dma_start3A_1097 = tpu.memref_slice %arg5[%mul3A_652, %multiple_of3A_1078] : memref<32x1000000xf32, #tpu.memory_space<hbm>> -> memref<8x128xf32, #tpu.memory_space<hbm>>
          %dma_start3A_1098 = arith.constant 0 : i32
          %dma_start3A_1099 = arith.constant 0 : i32
          %dma_start3A_1100 = tpu.memref_slice %arg13[%dma_start3A_1091, %dma_start3A_1092, %dma_start3A_1098, %dma_start3A_1099] : memref<2x16x8x128xf32, #tpu.memory_space<vmem>> -> memref<1x1x8x128xf32, #tpu.memory_space<vmem>>
          %dma_start3A_1101 = tpu.memref_squeeze %dma_start3A_1100 : memref<1x1x8x128xf32, #tpu.memory_space<vmem>> -> memref<8x128xf32, #tpu.memory_space<vmem>>
          %dma_start3A_1102 = tpu.memref_slice %arg5[%mul3A_652, %multiple_of3A_1078] : memref<32x1000000xf32, #tpu.memory_space<hbm>> -> memref<8x128xf32, #tpu.memory_space<hbm>>
          tpu.enqueue_dma source(%dma_start3A_1102 : memref<8x128xf32, #tpu.memory_space<hbm>>) target(%dma_start3A_1101 : memref<8x128xf32, #tpu.memory_space<vmem>>) target_semaphore(%arg19 : memref<!tpu.dma_semaphore, #tpu.memory_space<semaphore_mem>>)
          %slice3A_1103 = vector.extract_strided_slice %and3A_647 {offsets = [15], sizes = [1], strides = [1]} : vector<16xi32> to vector<1xi32>
          %squeeze3A_1104 = vector.extract %slice3A_1103[0] : i32 from vector<1xi32>
          %multiple_of3A_1105 = tpu.assume_multiple %squeeze3A_1104, 128 : i32
          %slice3A_1106 = vector.extract_strided_slice %and3A_650 {offsets = [15], sizes = [1], strides = [1]} : vector<16xi32> to vector<1xi32>
          %squeeze3A_1107 = vector.extract %slice3A_1106[0] : i32 from vector<1xi32>
          %multiple_of3A_1108 = tpu.assume_multiple %squeeze3A_1107, 128 : i32
          %dma_start3A_1109 = arith.constant 1 : i32
          %dma_start3A_1110 = arith.constant 15 : i32
          %dma_start3A_1111 = arith.constant 0 : i32
          %dma_start3A_1112 = arith.constant 0 : i32
          %dma_start3A_1113 = tpu.memref_slice %arg12[%dma_start3A_1109, %dma_start3A_1110, %dma_start3A_1111, %dma_start3A_1112] : memref<2x16x8x128xf32, #tpu.memory_space<vmem>> -> memref<1x1x8x128xf32, #tpu.memory_space<vmem>>
          %dma_start3A_1114 = tpu.memref_squeeze %dma_start3A_1113 : memref<1x1x8x128xf32, #tpu.memory_space<vmem>> -> memref<8x128xf32, #tpu.memory_space<vmem>>
          %dma_start3A_1115 = tpu.memref_slice %arg4[%mul3A_652, %multiple_of3A_1105] : memref<32x1000000xf32, #tpu.memory_space<hbm>> -> memref<8x128xf32, #tpu.memory_space<hbm>>
          %dma_start3A_1116 = arith.constant 0 : i32
          %dma_start3A_1117 = arith.constant 0 : i32
          %dma_start3A_1118 = tpu.memref_slice %arg12[%dma_start3A_1109, %dma_start3A_1110, %dma_start3A_1116, %dma_start3A_1117] : memref<2x16x8x128xf32, #tpu.memory_space<vmem>> -> memref<1x1x8x128xf32, #tpu.memory_space<vmem>>
          %dma_start3A_1119 = tpu.memref_squeeze %dma_start3A_1118 : memref<1x1x8x128xf32, #tpu.memory_space<vmem>> -> memref<8x128xf32, #tpu.memory_space<vmem>>
          %dma_start3A_1120 = tpu.memref_slice %arg4[%mul3A_652, %multiple_of3A_1105] : memref<32x1000000xf32, #tpu.memory_space<hbm>> -> memref<8x128xf32, #tpu.memory_space<hbm>>
          tpu.enqueue_dma source(%dma_start3A_1120 : memref<8x128xf32, #tpu.memory_space<hbm>>) target(%dma_start3A_1119 : memref<8x128xf32, #tpu.memory_space<vmem>>) target_semaphore(%arg19 : memref<!tpu.dma_semaphore, #tpu.memory_space<semaphore_mem>>)
          %dma_start3A_1121 = arith.constant 1 : i32
          %dma_start3A_1122 = arith.constant 15 : i32
          %dma_start3A_1123 = arith.constant 0 : i32
          %dma_start3A_1124 = arith.constant 0 : i32
          %dma_start3A_1125 = tpu.memref_slice %arg13[%dma_start3A_1121, %dma_start3A_1122, %dma_start3A_1123, %dma_start3A_1124] : memref<2x16x8x128xf32, #tpu.memory_space<vmem>> -> memref<1x1x8x128xf32, #tpu.memory_space<vmem>>
          %dma_start3A_1126 = tpu.memref_squeeze %dma_start3A_1125 : memref<1x1x8x128xf32, #tpu.memory_space<vmem>> -> memref<8x128xf32, #tpu.memory_space<vmem>>
          %dma_start3A_1127 = tpu.memref_slice %arg5[%mul3A_652, %multiple_of3A_1108] : memref<32x1000000xf32, #tpu.memory_space<hbm>> -> memref<8x128xf32, #tpu.memory_space<hbm>>
          %dma_start3A_1128 = arith.constant 0 : i32
          %dma_start3A_1129 = arith.constant 0 : i32
          %dma_start3A_1130 = tpu.memref_slice %arg13[%dma_start3A_1121, %dma_start3A_1122, %dma_start3A_1128, %dma_start3A_1129] : memref<2x16x8x128xf32, #tpu.memory_space<vmem>> -> memref<1x1x8x128xf32, #tpu.memory_space<vmem>>
          %dma_start3A_1131 = tpu.memref_squeeze %dma_start3A_1130 : memref<1x1x8x128xf32, #tpu.memory_space<vmem>> -> memref<8x128xf32, #tpu.memory_space<vmem>>
          %dma_start3A_1132 = tpu.memref_slice %arg5[%mul3A_652, %multiple_of3A_1108] : memref<32x1000000xf32, #tpu.memory_space<hbm>> -> memref<8x128xf32, #tpu.memory_space<hbm>>
          tpu.enqueue_dma source(%dma_start3A_1132 : memref<8x128xf32, #tpu.memory_space<hbm>>) target(%dma_start3A_1131 : memref<8x128xf32, #tpu.memory_space<vmem>>) target_semaphore(%arg19 : memref<!tpu.dma_semaphore, #tpu.memory_space<semaphore_mem>>)
        } else {
        }
        %eq3A_598 = arith.constant 1 : i32
        %eq3A_599 = arith.cmpi eq, %rem3A_579, %eq3A_598 : i32
        %convert_element_type3A_600 = arith.extui %eq3A_599 : i1 to i32
        %cond3A_601 = arith.constant 0 : i32
        %cond3A_602 = arith.cmpi ne, %convert_element_type3A_600, %cond3A_601 : i32
        scf.if %cond3A_602 {
          %add3A_603 = arith.constant 1 : i32
          %add3A_604 = arith.addi %scan3A_578, %add3A_603 : i32
          %jit3A = arith.constant 4 : i32
          %div3A = arith.divsi %add3A_604, %jit3A : i32
          %sign3A = arith.constant 0 : i32
          %sign3A_605 = arith.cmpi sgt, %add3A_604, %sign3A : i32
          %sign3A_606 = arith.extui %sign3A_605 : i1 to i32
          %sign3A_607 = arith.constant 0 : i32
          %sign3A_608 = arith.cmpi slt, %add3A_604, %sign3A_607 : i32
          %sign3A_609 = arith.extui %sign3A_608 : i1 to i32
          %sign3A_610 = arith.subi %sign3A_606, %sign3A_609 : i32
          %sign3A_611 = arith.constant 0 : i32
          %sign3A_612 = arith.cmpi sgt, %jit3A, %sign3A_611 : i32
          %sign3A_613 = arith.extui %sign3A_612 : i1 to i32
          %sign3A_614 = arith.constant 0 : i32
          %sign3A_615 = arith.cmpi slt, %jit3A, %sign3A_614 : i32
          %sign3A_616 = arith.extui %sign3A_615 : i1 to i32
          %sign3A_617 = arith.subi %sign3A_613, %sign3A_616 : i32
          %ne3A = arith.cmpi ne, %sign3A_610, %sign3A_617 : i32
          %rem3A_618 = arith.remsi %add3A_604, %jit3A : i32
          %ne3A_619 = arith.constant 0 : i32
          %ne3A_620 = arith.cmpi ne, %rem3A_618, %ne3A_619 : i32
          %and3A_621 = arith.andi %ne3A, %ne3A_620 : i1
          %sub3A = arith.constant 1 : i32
          %sub3A_622 = arith.subi %div3A, %sub3A : i32
          %select_n3A = arith.select %and3A_621, %sub3A_622, %div3A : i32
          %jit3A_623 = arith.constant 4 : i32
          %eq3A_624 = arith.constant 0 : i32
          %eq3A_625 = arith.cmpi eq, %jit3A_623, %eq3A_624 : i32
          %jit3A_626 = arith.constant 1 : i32
          %select_n3A_627 = arith.select %eq3A_625, %jit3A_626, %jit3A_623 : i32
          %rem3A_628 = arith.remsi %add3A_604, %select_n3A_627 : i32
          %ne3A_629 = arith.constant 0 : i32
          %ne3A_630 = arith.cmpi ne, %rem3A_628, %ne3A_629 : i32
          %lt3A_631 = arith.constant 0 : i32
          %lt3A_632 = arith.cmpi slt, %rem3A_628, %lt3A_631 : i32
          %lt3A_633 = arith.constant 0 : i32
          %lt3A_634 = arith.cmpi slt, %select_n3A_627, %lt3A_633 : i32
          %ne3A_635 = arith.xori %lt3A_632, %lt3A_634 : i1
          %and3A_636 = arith.andi %ne3A_635, %ne3A_630 : i1
          %add3A_637 = arith.addi %rem3A_628, %select_n3A_627 : i32
          %select_n3A_638 = arith.select %and3A_636, %add3A_637, %rem3A_628 : i32
          %mul3A_639 = arith.constant 16 : i32
          %mul3A_640 = arith.muli %select_n3A, %mul3A_639 : i32
          %get3A_641 = arith.index_cast %mul3A_640 : i32 to index
          %get3A_642 = tpu.vector_load %arg10[%get3A_641] {strides = array<i32>} : memref<512xi32, #tpu.memory_space<vmem>>, vector<16xi32>,
          %get3A_643 = arith.index_cast %mul3A_640 : i32 to index
          %get3A_644 = tpu.vector_load %arg11[%get3A_643] {strides = array<i32>} : memref<512xi32, #tpu.memory_space<vmem>>, vector<16xi32>,
          %and3A_645 = arith.constant -128 : i32
          %and3A_646 = vector.broadcast %and3A_645 : i32 to vector<16xi32>
          %and3A_647 = arith.andi %get3A_642, %and3A_646 : vector<16xi32>
          %and3A_648 = arith.constant -128 : i32
          %and3A_649 = vector.broadcast %and3A_648 : i32 to vector<16xi32>
          %and3A_650 = arith.andi %get3A_644, %and3A_649 : vector<16xi32>
          %mul3A_651 = arith.constant 8 : i32
          %mul3A_652 = arith.muli %select_n3A_638, %mul3A_651 : i32
          %slice3A_653 = vector.extract_strided_slice %and3A_647 {offsets = [0], sizes = [1], strides = [1]} : vector<16xi32> to vector<1xi32>
          %squeeze3A_654 = vector.extract %slice3A_653[0] : i32 from vector<1xi32>
          %multiple_of3A_655 = tpu.assume_multiple %squeeze3A_654, 128 : i32
          %slice3A_656 = vector.extract_strided_slice %and3A_650 {offsets = [0], sizes = [1], strides = [1]} : vector<16xi32> to vector<1xi32>
          %squeeze3A_657 = vector.extract %slice3A_656[0] : i32 from vector<1xi32>
          %multiple_of3A_658 = tpu.assume_multiple %squeeze3A_657, 128 : i32
          %dma_start3A_659 = arith.constant 0 : i32
          %dma_start3A_660 = arith.constant 0 : i32
          %dma_start3A_661 = arith.constant 0 : i32
          %dma_start3A_662 = arith.constant 0 : i32
          %dma_start3A_663 = tpu.memref_slice %arg12[%dma_start3A_659, %dma_start3A_660, %dma_start3A_661, %dma_start3A_662] : memref<2x16x8x128xf32, #tpu.memory_space<vmem>> -> memref<1x1x8x128xf32, #tpu.memory_space<vmem>>
          %dma_start3A_664 = tpu.memref_squeeze %dma_start3A_663 : memref<1x1x8x128xf32, #tpu.memory_space<vmem>> -> memref<8x128xf32, #tpu.memory_space<vmem>>
          %dma_start3A_665 = tpu.memref_slice %arg4[%mul3A_652, %multiple_of3A_655] : memref<32x1000000xf32, #tpu.memory_space<hbm>> -> memref<8x128xf32, #tpu.memory_space<hbm>>
          %dma_start3A_666 = arith.constant 0 : i32
          %dma_start3A_667 = arith.constant 0 : i32
          %dma_start3A_668 = tpu.memref_slice %arg12[%dma_start3A_659, %dma_start3A_660, %dma_start3A_666, %dma_start3A_667] : memref<2x16x8x128xf32, #tpu.memory_space<vmem>> -> memref<1x1x8x128xf32, #tpu.memory_space<vmem>>
          %dma_start3A_669 = tpu.memref_squeeze %dma_start3A_668 : memref<1x1x8x128xf32, #tpu.memory_space<vmem>> -> memref<8x128xf32, #tpu.memory_space<vmem>>
          %dma_start3A_670 = tpu.memref_slice %arg4[%mul3A_652, %multiple_of3A_655] : memref<32x1000000xf32, #tpu.memory_space<hbm>> -> memref<8x128xf32, #tpu.memory_space<hbm>>
          tpu.enqueue_dma source(%dma_start3A_670 : memref<8x128xf32, #tpu.memory_space<hbm>>) target(%dma_start3A_669 : memref<8x128xf32, #tpu.memory_space<vmem>>) target_semaphore(%arg18 : memref<!tpu.dma_semaphore, #tpu.memory_space<semaphore_mem>>)
          %dma_start3A_671 = arith.constant 0 : i32
          %dma_start3A_672 = arith.constant 0 : i32
          %dma_start3A_673 = arith.constant 0 : i32
          %dma_start3A_674 = arith.constant 0 : i32
          %dma_start3A_675 = tpu.memref_slice %arg13[%dma_start3A_671, %dma_start3A_672, %dma_start3A_673, %dma_start3A_674] : memref<2x16x8x128xf32, #tpu.memory_space<vmem>> -> memref<1x1x8x128xf32, #tpu.memory_space<vmem>>
          %dma_start3A_676 = tpu.memref_squeeze %dma_start3A_675 : memref<1x1x8x128xf32, #tpu.memory_space<vmem>> -> memref<8x128xf32, #tpu.memory_space<vmem>>
          %dma_start3A_677 = tpu.memref_slice %arg5[%mul3A_652, %multiple_of3A_658] : memref<32x1000000xf32, #tpu.memory_space<hbm>> -> memref<8x128xf32, #tpu.memory_space<hbm>>
          %dma_start3A_678 = arith.constant 0 : i32
          %dma_start3A_679 = arith.constant 0 : i32
          %dma_start3A_680 = tpu.memref_slice %arg13[%dma_start3A_671, %dma_start3A_672, %dma_start3A_678, %dma_start3A_679] : memref<2x16x8x128xf32, #tpu.memory_space<vmem>> -> memref<1x1x8x128xf32, #tpu.memory_space<vmem>>
          %dma_start3A_681 = tpu.memref_squeeze %dma_start3A_680 : memref<1x1x8x128xf32, #tpu.memory_space<vmem>> -> memref<8x128xf32, #tpu.memory_space<vmem>>
          %dma_start3A_682 = tpu.memref_slice %arg5[%mul3A_652, %multiple_of3A_658] : memref<32x1000000xf32, #tpu.memory_space<hbm>> -> memref<8x128xf32, #tpu.memory_space<hbm>>
          tpu.enqueue_dma source(%dma_start3A_682 : memref<8x128xf32, #tpu.memory_space<hbm>>) target(%dma_start3A_681 : memref<8x128xf32, #tpu.memory_space<vmem>>) target_semaphore(%arg18 : memref<!tpu.dma_semaphore, #tpu.memory_space<semaphore_mem>>)
          %slice3A_683 = vector.extract_strided_slice %and3A_647 {offsets = [1], sizes = [1], strides = [1]} : vector<16xi32> to vector<1xi32>
          %squeeze3A_684 = vector.extract %slice3A_683[0] : i32 from vector<1xi32>
          %multiple_of3A_685 = tpu.assume_multiple %squeeze3A_684, 128 : i32
          %slice3A_686 = vector.extract_strided_slice %and3A_650 {offsets = [1], sizes = [1], strides = [1]} : vector<16xi32> to vector<1xi32>
          %squeeze3A_687 = vector.extract %slice3A_686[0] : i32 from vector<1xi32>
          %multiple_of3A_688 = tpu.assume_multiple %squeeze3A_687, 128 : i32
          %dma_start3A_689 = arith.constant 0 : i32
          %dma_start3A_690 = arith.constant 1 : i32
          %dma_start3A_691 = arith.constant 0 : i32
          %dma_start3A_692 = arith.constant 0 : i32
          %dma_start3A_693 = tpu.memref_slice %arg12[%dma_start3A_689, %dma_start3A_690, %dma_start3A_691, %dma_start3A_692] : memref<2x16x8x128xf32, #tpu.memory_space<vmem>> -> memref<1x1x8x128xf32, #tpu.memory_space<vmem>>
          %dma_start3A_694 = tpu.memref_squeeze %dma_start3A_693 : memref<1x1x8x128xf32, #tpu.memory_space<vmem>> -> memref<8x128xf32, #tpu.memory_space<vmem>>
          %dma_start3A_695 = tpu.memref_slice %arg4[%mul3A_652, %multiple_of3A_685] : memref<32x1000000xf32, #tpu.memory_space<hbm>> -> memref<8x128xf32, #tpu.memory_space<hbm>>
          %dma_start3A_696 = arith.constant 0 : i32
          %dma_start3A_697 = arith.constant 0 : i32
          %dma_start3A_698 = tpu.memref_slice %arg12[%dma_start3A_689, %dma_start3A_690, %dma_start3A_696, %dma_start3A_697] : memref<2x16x8x128xf32, #tpu.memory_space<vmem>> -> memref<1x1x8x128xf32, #tpu.memory_space<vmem>>
          %dma_start3A_699 = tpu.memref_squeeze %dma_start3A_698 : memref<1x1x8x128xf32, #tpu.memory_space<vmem>> -> memref<8x128xf32, #tpu.memory_space<vmem>>
          %dma_start3A_700 = tpu.memref_slice %arg4[%mul3A_652, %multiple_of3A_685] : memref<32x1000000xf32, #tpu.memory_space<hbm>> -> memref<8x128xf32, #tpu.memory_space<hbm>>
          tpu.enqueue_dma source(%dma_start3A_700 : memref<8x128xf32, #tpu.memory_space<hbm>>) target(%dma_start3A_699 : memref<8x128xf32, #tpu.memory_space<vmem>>) target_semaphore(%arg18 : memref<!tpu.dma_semaphore, #tpu.memory_space<semaphore_mem>>)
          %dma_start3A_701 = arith.constant 0 : i32
          %dma_start3A_702 = arith.constant 1 : i32
          %dma_start3A_703 = arith.constant 0 : i32
          %dma_start3A_704 = arith.constant 0 : i32
          %dma_start3A_705 = tpu.memref_slice %arg13[%dma_start3A_701, %dma_start3A_702, %dma_start3A_703, %dma_start3A_704] : memref<2x16x8x128xf32, #tpu.memory_space<vmem>> -> memref<1x1x8x128xf32, #tpu.memory_space<vmem>>
          %dma_start3A_706 = tpu.memref_squeeze %dma_start3A_705 : memref<1x1x8x128xf32, #tpu.memory_space<vmem>> -> memref<8x128xf32, #tpu.memory_space<vmem>>
          %dma_start3A_707 = tpu.memref_slice %arg5[%mul3A_652, %multiple_of3A_688] : memref<32x1000000xf32, #tpu.memory_space<hbm>> -> memref<8x128xf32, #tpu.memory_space<hbm>>
          %dma_start3A_708 = arith.constant 0 : i32
          %dma_start3A_709 = arith.constant 0 : i32
          %dma_start3A_710 = tpu.memref_slice %arg13[%dma_start3A_701, %dma_start3A_702, %dma_start3A_708, %dma_start3A_709] : memref<2x16x8x128xf32, #tpu.memory_space<vmem>> -> memref<1x1x8x128xf32, #tpu.memory_space<vmem>>
          %dma_start3A_711 = tpu.memref_squeeze %dma_start3A_710 : memref<1x1x8x128xf32, #tpu.memory_space<vmem>> -> memref<8x128xf32, #tpu.memory_space<vmem>>
          %dma_start3A_712 = tpu.memref_slice %arg5[%mul3A_652, %multiple_of3A_688] : memref<32x1000000xf32, #tpu.memory_space<hbm>> -> memref<8x128xf32, #tpu.memory_space<hbm>>
          tpu.enqueue_dma source(%dma_start3A_712 : memref<8x128xf32, #tpu.memory_space<hbm>>) target(%dma_start3A_711 : memref<8x128xf32, #tpu.memory_space<vmem>>) target_semaphore(%arg18 : memref<!tpu.dma_semaphore, #tpu.memory_space<semaphore_mem>>)
          %slice3A_713 = vector.extract_strided_slice %and3A_647 {offsets = [2], sizes = [1], strides = [1]} : vector<16xi32> to vector<1xi32>
          %squeeze3A_714 = vector.extract %slice3A_713[0] : i32 from vector<1xi32>
          %multiple_of3A_715 = tpu.assume_multiple %squeeze3A_714, 128 : i32
          %slice3A_716 = vector.extract_strided_slice %and3A_650 {offsets = [2], sizes = [1], strides = [1]} : vector<16xi32> to vector<1xi32>
          %squeeze3A_717 = vector.extract %slice3A_716[0] : i32 from vector<1xi32>
          %multiple_of3A_718 = tpu.assume_multiple %squeeze3A_717, 128 : i32
          %dma_start3A_719 = arith.constant 0 : i32
          %dma_start3A_720 = arith.constant 2 : i32
          %dma_start3A_721 = arith.constant 0 : i32
          %dma_start3A_722 = arith.constant 0 : i32
          %dma_start3A_723 = tpu.memref_slice %arg12[%dma_start3A_719, %dma_start3A_720, %dma_start3A_721, %dma_start3A_722] : memref<2x16x8x128xf32, #tpu.memory_space<vmem>> -> memref<1x1x8x128xf32, #tpu.memory_space<vmem>>
          %dma_start3A_724 = tpu.memref_squeeze %dma_start3A_723 : memref<1x1x8x128xf32, #tpu.memory_space<vmem>> -> memref<8x128xf32, #tpu.memory_space<vmem>>
          %dma_start3A_725 = tpu.memref_slice %arg4[%mul3A_652, %multiple_of3A_715] : memref<32x1000000xf32, #tpu.memory_space<hbm>> -> memref<8x128xf32, #tpu.memory_space<hbm>>
          %dma_start3A_726 = arith.constant 0 : i32
          %dma_start3A_727 = arith.constant 0 : i32
          %dma_start3A_728 = tpu.memref_slice %arg12[%dma_start3A_719, %dma_start3A_720, %dma_start3A_726, %dma_start3A_727] : memref<2x16x8x128xf32, #tpu.memory_space<vmem>> -> memref<1x1x8x128xf32, #tpu.memory_space<vmem>>
          %dma_start3A_729 = tpu.memref_squeeze %dma_start3A_728 : memref<1x1x8x128xf32, #tpu.memory_space<vmem>> -> memref<8x128xf32, #tpu.memory_space<vmem>>
          %dma_start3A_730 = tpu.memref_slice %arg4[%mul3A_652, %multiple_of3A_715] : memref<32x1000000xf32, #tpu.memory_space<hbm>> -> memref<8x128xf32, #tpu.memory_space<hbm>>
          tpu.enqueue_dma source(%dma_start3A_730 : memref<8x128xf32, #tpu.memory_space<hbm>>) target(%dma_start3A_729 : memref<8x128xf32, #tpu.memory_space<vmem>>) target_semaphore(%arg18 : memref<!tpu.dma_semaphore, #tpu.memory_space<semaphore_mem>>)
          %dma_start3A_731 = arith.constant 0 : i32
          %dma_start3A_732 = arith.constant 2 : i32
          %dma_start3A_733 = arith.constant 0 : i32
          %dma_start3A_734 = arith.constant 0 : i32
          %dma_start3A_735 = tpu.memref_slice %arg13[%dma_start3A_731, %dma_start3A_732, %dma_start3A_733, %dma_start3A_734] : memref<2x16x8x128xf32, #tpu.memory_space<vmem>> -> memref<1x1x8x128xf32, #tpu.memory_space<vmem>>
          %dma_start3A_736 = tpu.memref_squeeze %dma_start3A_735 : memref<1x1x8x128xf32, #tpu.memory_space<vmem>> -> memref<8x128xf32, #tpu.memory_space<vmem>>
          %dma_start3A_737 = tpu.memref_slice %arg5[%mul3A_652, %multiple_of3A_718] : memref<32x1000000xf32, #tpu.memory_space<hbm>> -> memref<8x128xf32, #tpu.memory_space<hbm>>
          %dma_start3A_738 = arith.constant 0 : i32
          %dma_start3A_739 = arith.constant 0 : i32
          %dma_start3A_740 = tpu.memref_slice %arg13[%dma_start3A_731, %dma_start3A_732, %dma_start3A_738, %dma_start3A_739] : memref<2x16x8x128xf32, #tpu.memory_space<vmem>> -> memref<1x1x8x128xf32, #tpu.memory_space<vmem>>
          %dma_start3A_741 = tpu.memref_squeeze %dma_start3A_740 : memref<1x1x8x128xf32, #tpu.memory_space<vmem>> -> memref<8x128xf32, #tpu.memory_space<vmem>>
          %dma_start3A_742 = tpu.memref_slice %arg5[%mul3A_652, %multiple_of3A_718] : memref<32x1000000xf32, #tpu.memory_space<hbm>> -> memref<8x128xf32, #tpu.memory_space<hbm>>
          tpu.enqueue_dma source(%dma_start3A_742 : memref<8x128xf32, #tpu.memory_space<hbm>>) target(%dma_start3A_741 : memref<8x128xf32, #tpu.memory_space<vmem>>) target_semaphore(%arg18 : memref<!tpu.dma_semaphore, #tpu.memory_space<semaphore_mem>>)
          %slice3A_743 = vector.extract_strided_slice %and3A_647 {offsets = [3], sizes = [1], strides = [1]} : vector<16xi32> to vector<1xi32>
          %squeeze3A_744 = vector.extract %slice3A_743[0] : i32 from vector<1xi32>
          %multiple_of3A_745 = tpu.assume_multiple %squeeze3A_744, 128 : i32
          %slice3A_746 = vector.extract_strided_slice %and3A_650 {offsets = [3], sizes = [1], strides = [1]} : vector<16xi32> to vector<1xi32>
          %squeeze3A_747 = vector.extract %slice3A_746[0] : i32 from vector<1xi32>
          %multiple_of3A_748 = tpu.assume_multiple %squeeze3A_747, 128 : i32
          %dma_start3A_749 = arith.constant 0 : i32
          %dma_start3A_750 = arith.constant 3 : i32
          %dma_start3A_751 = arith.constant 0 : i32
          %dma_start3A_752 = arith.constant 0 : i32
          %dma_start3A_753 = tpu.memref_slice %arg12[%dma_start3A_749, %dma_start3A_750, %dma_start3A_751, %dma_start3A_752] : memref<2x16x8x128xf32, #tpu.memory_space<vmem>> -> memref<1x1x8x128xf32, #tpu.memory_space<vmem>>
          %dma_start3A_754 = tpu.memref_squeeze %dma_start3A_753 : memref<1x1x8x128xf32, #tpu.memory_space<vmem>> -> memref<8x128xf32, #tpu.memory_space<vmem>>
          %dma_start3A_755 = tpu.memref_slice %arg4[%mul3A_652, %multiple_of3A_745] : memref<32x1000000xf32, #tpu.memory_space<hbm>> -> memref<8x128xf32, #tpu.memory_space<hbm>>
          %dma_start3A_756 = arith.constant 0 : i32
          %dma_start3A_757 = arith.constant 0 : i32
          %dma_start3A_758 = tpu.memref_slice %arg12[%dma_start3A_749, %dma_start3A_750, %dma_start3A_756, %dma_start3A_757] : memref<2x16x8x128xf32, #tpu.memory_space<vmem>> -> memref<1x1x8x128xf32, #tpu.memory_space<vmem>>
          %dma_start3A_759 = tpu.memref_squeeze %dma_start3A_758 : memref<1x1x8x128xf32, #tpu.memory_space<vmem>> -> memref<8x128xf32, #tpu.memory_space<vmem>>
          %dma_start3A_760 = tpu.memref_slice %arg4[%mul3A_652, %multiple_of3A_745] : memref<32x1000000xf32, #tpu.memory_space<hbm>> -> memref<8x128xf32, #tpu.memory_space<hbm>>
          tpu.enqueue_dma source(%dma_start3A_760 : memref<8x128xf32, #tpu.memory_space<hbm>>) target(%dma_start3A_759 : memref<8x128xf32, #tpu.memory_space<vmem>>) target_semaphore(%arg18 : memref<!tpu.dma_semaphore, #tpu.memory_space<semaphore_mem>>)
          %dma_start3A_761 = arith.constant 0 : i32
          %dma_start3A_762 = arith.constant 3 : i32
          %dma_start3A_763 = arith.constant 0 : i32
          %dma_start3A_764 = arith.constant 0 : i32
          %dma_start3A_765 = tpu.memref_slice %arg13[%dma_start3A_761, %dma_start3A_762, %dma_start3A_763, %dma_start3A_764] : memref<2x16x8x128xf32, #tpu.memory_space<vmem>> -> memref<1x1x8x128xf32, #tpu.memory_space<vmem>>
          %dma_start3A_766 = tpu.memref_squeeze %dma_start3A_765 : memref<1x1x8x128xf32, #tpu.memory_space<vmem>> -> memref<8x128xf32, #tpu.memory_space<vmem>>
          %dma_start3A_767 = tpu.memref_slice %arg5[%mul3A_652, %multiple_of3A_748] : memref<32x1000000xf32, #tpu.memory_space<hbm>> -> memref<8x128xf32, #tpu.memory_space<hbm>>
          %dma_start3A_768 = arith.constant 0 : i32
          %dma_start3A_769 = arith.constant 0 : i32
          %dma_start3A_770 = tpu.memref_slice %arg13[%dma_start3A_761, %dma_start3A_762, %dma_start3A_768, %dma_start3A_769] : memref<2x16x8x128xf32, #tpu.memory_space<vmem>> -> memref<1x1x8x128xf32, #tpu.memory_space<vmem>>
          %dma_start3A_771 = tpu.memref_squeeze %dma_start3A_770 : memref<1x1x8x128xf32, #tpu.memory_space<vmem>> -> memref<8x128xf32, #tpu.memory_space<vmem>>
          %dma_start3A_772 = tpu.memref_slice %arg5[%mul3A_652, %multiple_of3A_748] : memref<32x1000000xf32, #tpu.memory_space<hbm>> -> memref<8x128xf32, #tpu.memory_space<hbm>>
          tpu.enqueue_dma source(%dma_start3A_772 : memref<8x128xf32, #tpu.memory_space<hbm>>) target(%dma_start3A_771 : memref<8x128xf32, #tpu.memory_space<vmem>>) target_semaphore(%arg18 : memref<!tpu.dma_semaphore, #tpu.memory_space<semaphore_mem>>)
          %slice3A_773 = vector.extract_strided_slice %and3A_647 {offsets = [4], sizes = [1], strides = [1]} : vector<16xi32> to vector<1xi32>
          %squeeze3A_774 = vector.extract %slice3A_773[0] : i32 from vector<1xi32>
          %multiple_of3A_775 = tpu.assume_multiple %squeeze3A_774, 128 : i32
          %slice3A_776 = vector.extract_strided_slice %and3A_650 {offsets = [4], sizes = [1], strides = [1]} : vector<16xi32> to vector<1xi32>
          %squeeze3A_777 = vector.extract %slice3A_776[0] : i32 from vector<1xi32>
          %multiple_of3A_778 = tpu.assume_multiple %squeeze3A_777, 128 : i32
          %dma_start3A_779 = arith.constant 0 : i32
          %dma_start3A_780 = arith.constant 4 : i32
          %dma_start3A_781 = arith.constant 0 : i32
          %dma_start3A_782 = arith.constant 0 : i32
          %dma_start3A_783 = tpu.memref_slice %arg12[%dma_start3A_779, %dma_start3A_780, %dma_start3A_781, %dma_start3A_782] : memref<2x16x8x128xf32, #tpu.memory_space<vmem>> -> memref<1x1x8x128xf32, #tpu.memory_space<vmem>>
          %dma_start3A_784 = tpu.memref_squeeze %dma_start3A_783 : memref<1x1x8x128xf32, #tpu.memory_space<vmem>> -> memref<8x128xf32, #tpu.memory_space<vmem>>
          %dma_start3A_785 = tpu.memref_slice %arg4[%mul3A_652, %multiple_of3A_775] : memref<32x1000000xf32, #tpu.memory_space<hbm>> -> memref<8x128xf32, #tpu.memory_space<hbm>>
          %dma_start3A_786 = arith.constant 0 : i32
          %dma_start3A_787 = arith.constant 0 : i32
          %dma_start3A_788 = tpu.memref_slice %arg12[%dma_start3A_779, %dma_start3A_780, %dma_start3A_786, %dma_start3A_787] : memref<2x16x8x128xf32, #tpu.memory_space<vmem>> -> memref<1x1x8x128xf32, #tpu.memory_space<vmem>>
          %dma_start3A_789 = tpu.memref_squeeze %dma_start3A_788 : memref<1x1x8x128xf32, #tpu.memory_space<vmem>> -> memref<8x128xf32, #tpu.memory_space<vmem>>
          %dma_start3A_790 = tpu.memref_slice %arg4[%mul3A_652, %multiple_of3A_775] : memref<32x1000000xf32, #tpu.memory_space<hbm>> -> memref<8x128xf32, #tpu.memory_space<hbm>>
          tpu.enqueue_dma source(%dma_start3A_790 : memref<8x128xf32, #tpu.memory_space<hbm>>) target(%dma_start3A_789 : memref<8x128xf32, #tpu.memory_space<vmem>>) target_semaphore(%arg18 : memref<!tpu.dma_semaphore, #tpu.memory_space<semaphore_mem>>)
          %dma_start3A_791 = arith.constant 0 : i32
          %dma_start3A_792 = arith.constant 4 : i32
          %dma_start3A_793 = arith.constant 0 : i32
          %dma_start3A_794 = arith.constant 0 : i32
          %dma_start3A_795 = tpu.memref_slice %arg13[%dma_start3A_791, %dma_start3A_792, %dma_start3A_793, %dma_start3A_794] : memref<2x16x8x128xf32, #tpu.memory_space<vmem>> -> memref<1x1x8x128xf32, #tpu.memory_space<vmem>>
          %dma_start3A_796 = tpu.memref_squeeze %dma_start3A_795 : memref<1x1x8x128xf32, #tpu.memory_space<vmem>> -> memref<8x128xf32, #tpu.memory_space<vmem>>
          %dma_start3A_797 = tpu.memref_slice %arg5[%mul3A_652, %multiple_of3A_778] : memref<32x1000000xf32, #tpu.memory_space<hbm>> -> memref<8x128xf32, #tpu.memory_space<hbm>>
          %dma_start3A_798 = arith.constant 0 : i32
          %dma_start3A_799 = arith.constant 0 : i32
          %dma_start3A_800 = tpu.memref_slice %arg13[%dma_start3A_791, %dma_start3A_792, %dma_start3A_798, %dma_start3A_799] : memref<2x16x8x128xf32, #tpu.memory_space<vmem>> -> memref<1x1x8x128xf32, #tpu.memory_space<vmem>>
          %dma_start3A_801 = tpu.memref_squeeze %dma_start3A_800 : memref<1x1x8x128xf32, #tpu.memory_space<vmem>> -> memref<8x128xf32, #tpu.memory_space<vmem>>
          %dma_start3A_802 = tpu.memref_slice %arg5[%mul3A_652, %multiple_of3A_778] : memref<32x1000000xf32, #tpu.memory_space<hbm>> -> memref<8x128xf32, #tpu.memory_space<hbm>>
          tpu.enqueue_dma source(%dma_start3A_802 : memref<8x128xf32, #tpu.memory_space<hbm>>) target(%dma_start3A_801 : memref<8x128xf32, #tpu.memory_space<vmem>>) target_semaphore(%arg18 : memref<!tpu.dma_semaphore, #tpu.memory_space<semaphore_mem>>)
          %slice3A_803 = vector.extract_strided_slice %and3A_647 {offsets = [5], sizes = [1], strides = [1]} : vector<16xi32> to vector<1xi32>
          %squeeze3A_804 = vector.extract %slice3A_803[0] : i32 from vector<1xi32>
          %multiple_of3A_805 = tpu.assume_multiple %squeeze3A_804, 128 : i32
          %slice3A_806 = vector.extract_strided_slice %and3A_650 {offsets = [5], sizes = [1], strides = [1]} : vector<16xi32> to vector<1xi32>
          %squeeze3A_807 = vector.extract %slice3A_806[0] : i32 from vector<1xi32>
          %multiple_of3A_808 = tpu.assume_multiple %squeeze3A_807, 128 : i32
          %dma_start3A_809 = arith.constant 0 : i32
          %dma_start3A_810 = arith.constant 5 : i32
          %dma_start3A_811 = arith.constant 0 : i32
          %dma_start3A_812 = arith.constant 0 : i32
          %dma_start3A_813 = tpu.memref_slice %arg12[%dma_start3A_809, %dma_start3A_810, %dma_start3A_811, %dma_start3A_812] : memref<2x16x8x128xf32, #tpu.memory_space<vmem>> -> memref<1x1x8x128xf32, #tpu.memory_space<vmem>>
          %dma_start3A_814 = tpu.memref_squeeze %dma_start3A_813 : memref<1x1x8x128xf32, #tpu.memory_space<vmem>> -> memref<8x128xf32, #tpu.memory_space<vmem>>
          %dma_start3A_815 = tpu.memref_slice %arg4[%mul3A_652, %multiple_of3A_805] : memref<32x1000000xf32, #tpu.memory_space<hbm>> -> memref<8x128xf32, #tpu.memory_space<hbm>>
          %dma_start3A_816 = arith.constant 0 : i32
          %dma_start3A_817 = arith.constant 0 : i32
          %dma_start3A_818 = tpu.memref_slice %arg12[%dma_start3A_809, %dma_start3A_810, %dma_start3A_816, %dma_start3A_817] : memref<2x16x8x128xf32, #tpu.memory_space<vmem>> -> memref<1x1x8x128xf32, #tpu.memory_space<vmem>>
          %dma_start3A_819 = tpu.memref_squeeze %dma_start3A_818 : memref<1x1x8x128xf32, #tpu.memory_space<vmem>> -> memref<8x128xf32, #tpu.memory_space<vmem>>
          %dma_start3A_820 = tpu.memref_slice %arg4[%mul3A_652, %multiple_of3A_805] : memref<32x1000000xf32, #tpu.memory_space<hbm>> -> memref<8x128xf32, #tpu.memory_space<hbm>>
          tpu.enqueue_dma source(%dma_start3A_820 : memref<8x128xf32, #tpu.memory_space<hbm>>) target(%dma_start3A_819 : memref<8x128xf32, #tpu.memory_space<vmem>>) target_semaphore(%arg18 : memref<!tpu.dma_semaphore, #tpu.memory_space<semaphore_mem>>)
          %dma_start3A_821 = arith.constant 0 : i32
          %dma_start3A_822 = arith.constant 5 : i32
          %dma_start3A_823 = arith.constant 0 : i32
          %dma_start3A_824 = arith.constant 0 : i32
          %dma_start3A_825 = tpu.memref_slice %arg13[%dma_start3A_821, %dma_start3A_822, %dma_start3A_823, %dma_start3A_824] : memref<2x16x8x128xf32, #tpu.memory_space<vmem>> -> memref<1x1x8x128xf32, #tpu.memory_space<vmem>>
          %dma_start3A_826 = tpu.memref_squeeze %dma_start3A_825 : memref<1x1x8x128xf32, #tpu.memory_space<vmem>> -> memref<8x128xf32, #tpu.memory_space<vmem>>
          %dma_start3A_827 = tpu.memref_slice %arg5[%mul3A_652, %multiple_of3A_808] : memref<32x1000000xf32, #tpu.memory_space<hbm>> -> memref<8x128xf32, #tpu.memory_space<hbm>>
          %dma_start3A_828 = arith.constant 0 : i32
          %dma_start3A_829 = arith.constant 0 : i32
          %dma_start3A_830 = tpu.memref_slice %arg13[%dma_start3A_821, %dma_start3A_822, %dma_start3A_828, %dma_start3A_829] : memref<2x16x8x128xf32, #tpu.memory_space<vmem>> -> memref<1x1x8x128xf32, #tpu.memory_space<vmem>>
          %dma_start3A_831 = tpu.memref_squeeze %dma_start3A_830 : memref<1x1x8x128xf32, #tpu.memory_space<vmem>> -> memref<8x128xf32, #tpu.memory_space<vmem>>
          %dma_start3A_832 = tpu.memref_slice %arg5[%mul3A_652, %multiple_of3A_808] : memref<32x1000000xf32, #tpu.memory_space<hbm>> -> memref<8x128xf32, #tpu.memory_space<hbm>>
          tpu.enqueue_dma source(%dma_start3A_832 : memref<8x128xf32, #tpu.memory_space<hbm>>) target(%dma_start3A_831 : memref<8x128xf32, #tpu.memory_space<vmem>>) target_semaphore(%arg18 : memref<!tpu.dma_semaphore, #tpu.memory_space<semaphore_mem>>)
          %slice3A_833 = vector.extract_strided_slice %and3A_647 {offsets = [6], sizes = [1], strides = [1]} : vector<16xi32> to vector<1xi32>
          %squeeze3A_834 = vector.extract %slice3A_833[0] : i32 from vector<1xi32>
          %multiple_of3A_835 = tpu.assume_multiple %squeeze3A_834, 128 : i32
          %slice3A_836 = vector.extract_strided_slice %and3A_650 {offsets = [6], sizes = [1], strides = [1]} : vector<16xi32> to vector<1xi32>
          %squeeze3A_837 = vector.extract %slice3A_836[0] : i32 from vector<1xi32>
          %multiple_of3A_838 = tpu.assume_multiple %squeeze3A_837, 128 : i32
          %dma_start3A_839 = arith.constant 0 : i32
          %dma_start3A_840 = arith.constant 6 : i32
          %dma_start3A_841 = arith.constant 0 : i32
          %dma_start3A_842 = arith.constant 0 : i32
          %dma_start3A_843 = tpu.memref_slice %arg12[%dma_start3A_839, %dma_start3A_840, %dma_start3A_841, %dma_start3A_842] : memref<2x16x8x128xf32, #tpu.memory_space<vmem>> -> memref<1x1x8x128xf32, #tpu.memory_space<vmem>>
          %dma_start3A_844 = tpu.memref_squeeze %dma_start3A_843 : memref<1x1x8x128xf32, #tpu.memory_space<vmem>> -> memref<8x128xf32, #tpu.memory_space<vmem>>
          %dma_start3A_845 = tpu.memref_slice %arg4[%mul3A_652, %multiple_of3A_835] : memref<32x1000000xf32, #tpu.memory_space<hbm>> -> memref<8x128xf32, #tpu.memory_space<hbm>>
          %dma_start3A_846 = arith.constant 0 : i32
          %dma_start3A_847 = arith.constant 0 : i32
          %dma_start3A_848 = tpu.memref_slice %arg12[%dma_start3A_839, %dma_start3A_840, %dma_start3A_846, %dma_start3A_847] : memref<2x16x8x128xf32, #tpu.memory_space<vmem>> -> memref<1x1x8x128xf32, #tpu.memory_space<vmem>>
          %dma_start3A_849 = tpu.memref_squeeze %dma_start3A_848 : memref<1x1x8x128xf32, #tpu.memory_space<vmem>> -> memref<8x128xf32, #tpu.memory_space<vmem>>
          %dma_start3A_850 = tpu.memref_slice %arg4[%mul3A_652, %multiple_of3A_835] : memref<32x1000000xf32, #tpu.memory_space<hbm>> -> memref<8x128xf32, #tpu.memory_space<hbm>>
          tpu.enqueue_dma source(%dma_start3A_850 : memref<8x128xf32, #tpu.memory_space<hbm>>) target(%dma_start3A_849 : memref<8x128xf32, #tpu.memory_space<vmem>>) target_semaphore(%arg18 : memref<!tpu.dma_semaphore, #tpu.memory_space<semaphore_mem>>)
          %dma_start3A_851 = arith.constant 0 : i32
          %dma_start3A_852 = arith.constant 6 : i32
          %dma_start3A_853 = arith.constant 0 : i32
          %dma_start3A_854 = arith.constant 0 : i32
          %dma_start3A_855 = tpu.memref_slice %arg13[%dma_start3A_851, %dma_start3A_852, %dma_start3A_853, %dma_start3A_854] : memref<2x16x8x128xf32, #tpu.memory_space<vmem>> -> memref<1x1x8x128xf32, #tpu.memory_space<vmem>>
          %dma_start3A_856 = tpu.memref_squeeze %dma_start3A_855 : memref<1x1x8x128xf32, #tpu.memory_space<vmem>> -> memref<8x128xf32, #tpu.memory_space<vmem>>
          %dma_start3A_857 = tpu.memref_slice %arg5[%mul3A_652, %multiple_of3A_838] : memref<32x1000000xf32, #tpu.memory_space<hbm>> -> memref<8x128xf32, #tpu.memory_space<hbm>>
          %dma_start3A_858 = arith.constant 0 : i32
          %dma_start3A_859 = arith.constant 0 : i32
          %dma_start3A_860 = tpu.memref_slice %arg13[%dma_start3A_851, %dma_start3A_852, %dma_start3A_858, %dma_start3A_859] : memref<2x16x8x128xf32, #tpu.memory_space<vmem>> -> memref<1x1x8x128xf32, #tpu.memory_space<vmem>>
          %dma_start3A_861 = tpu.memref_squeeze %dma_start3A_860 : memref<1x1x8x128xf32, #tpu.memory_space<vmem>> -> memref<8x128xf32, #tpu.memory_space<vmem>>
          %dma_start3A_862 = tpu.memref_slice %arg5[%mul3A_652, %multiple_of3A_838] : memref<32x1000000xf32, #tpu.memory_space<hbm>> -> memref<8x128xf32, #tpu.memory_space<hbm>>
          tpu.enqueue_dma source(%dma_start3A_862 : memref<8x128xf32, #tpu.memory_space<hbm>>) target(%dma_start3A_861 : memref<8x128xf32, #tpu.memory_space<vmem>>) target_semaphore(%arg18 : memref<!tpu.dma_semaphore, #tpu.memory_space<semaphore_mem>>)
          %slice3A_863 = vector.extract_strided_slice %and3A_647 {offsets = [7], sizes = [1], strides = [1]} : vector<16xi32> to vector<1xi32>
          %squeeze3A_864 = vector.extract %slice3A_863[0] : i32 from vector<1xi32>
          %multiple_of3A_865 = tpu.assume_multiple %squeeze3A_864, 128 : i32
          %slice3A_866 = vector.extract_strided_slice %and3A_650 {offsets = [7], sizes = [1], strides = [1]} : vector<16xi32> to vector<1xi32>
          %squeeze3A_867 = vector.extract %slice3A_866[0] : i32 from vector<1xi32>
          %multiple_of3A_868 = tpu.assume_multiple %squeeze3A_867, 128 : i32
          %dma_start3A_869 = arith.constant 0 : i32
          %dma_start3A_870 = arith.constant 7 : i32
          %dma_start3A_871 = arith.constant 0 : i32
          %dma_start3A_872 = arith.constant 0 : i32
          %dma_start3A_873 = tpu.memref_slice %arg12[%dma_start3A_869, %dma_start3A_870, %dma_start3A_871, %dma_start3A_872] : memref<2x16x8x128xf32, #tpu.memory_space<vmem>> -> memref<1x1x8x128xf32, #tpu.memory_space<vmem>>
          %dma_start3A_874 = tpu.memref_squeeze %dma_start3A_873 : memref<1x1x8x128xf32, #tpu.memory_space<vmem>> -> memref<8x128xf32, #tpu.memory_space<vmem>>
          %dma_start3A_875 = tpu.memref_slice %arg4[%mul3A_652, %multiple_of3A_865] : memref<32x1000000xf32, #tpu.memory_space<hbm>> -> memref<8x128xf32, #tpu.memory_space<hbm>>
          %dma_start3A_876 = arith.constant 0 : i32
          %dma_start3A_877 = arith.constant 0 : i32
          %dma_start3A_878 = tpu.memref_slice %arg12[%dma_start3A_869, %dma_start3A_870, %dma_start3A_876, %dma_start3A_877] : memref<2x16x8x128xf32, #tpu.memory_space<vmem>> -> memref<1x1x8x128xf32, #tpu.memory_space<vmem>>
          %dma_start3A_879 = tpu.memref_squeeze %dma_start3A_878 : memref<1x1x8x128xf32, #tpu.memory_space<vmem>> -> memref<8x128xf32, #tpu.memory_space<vmem>>
          %dma_start3A_880 = tpu.memref_slice %arg4[%mul3A_652, %multiple_of3A_865] : memref<32x1000000xf32, #tpu.memory_space<hbm>> -> memref<8x128xf32, #tpu.memory_space<hbm>>
          tpu.enqueue_dma source(%dma_start3A_880 : memref<8x128xf32, #tpu.memory_space<hbm>>) target(%dma_start3A_879 : memref<8x128xf32, #tpu.memory_space<vmem>>) target_semaphore(%arg18 : memref<!tpu.dma_semaphore, #tpu.memory_space<semaphore_mem>>)
          %dma_start3A_881 = arith.constant 0 : i32
          %dma_start3A_882 = arith.constant 7 : i32
          %dma_start3A_883 = arith.constant 0 : i32
          %dma_start3A_884 = arith.constant 0 : i32
          %dma_start3A_885 = tpu.memref_slice %arg13[%dma_start3A_881, %dma_start3A_882, %dma_start3A_883, %dma_start3A_884] : memref<2x16x8x128xf32, #tpu.memory_space<vmem>> -> memref<1x1x8x128xf32, #tpu.memory_space<vmem>>
          %dma_start3A_886 = tpu.memref_squeeze %dma_start3A_885 : memref<1x1x8x128xf32, #tpu.memory_space<vmem>> -> memref<8x128xf32, #tpu.memory_space<vmem>>
          %dma_start3A_887 = tpu.memref_slice %arg5[%mul3A_652, %multiple_of3A_868] : memref<32x1000000xf32, #tpu.memory_space<hbm>> -> memref<8x128xf32, #tpu.memory_space<hbm>>
          %dma_start3A_888 = arith.constant 0 : i32
          %dma_start3A_889 = arith.constant 0 : i32
          %dma_start3A_890 = tpu.memref_slice %arg13[%dma_start3A_881, %dma_start3A_882, %dma_start3A_888, %dma_start3A_889] : memref<2x16x8x128xf32, #tpu.memory_space<vmem>> -> memref<1x1x8x128xf32, #tpu.memory_space<vmem>>
          %dma_start3A_891 = tpu.memref_squeeze %dma_start3A_890 : memref<1x1x8x128xf32, #tpu.memory_space<vmem>> -> memref<8x128xf32, #tpu.memory_space<vmem>>
          %dma_start3A_892 = tpu.memref_slice %arg5[%mul3A_652, %multiple_of3A_868] : memref<32x1000000xf32, #tpu.memory_space<hbm>> -> memref<8x128xf32, #tpu.memory_space<hbm>>
          tpu.enqueue_dma source(%dma_start3A_892 : memref<8x128xf32, #tpu.memory_space<hbm>>) target(%dma_start3A_891 : memref<8x128xf32, #tpu.memory_space<vmem>>) target_semaphore(%arg18 : memref<!tpu.dma_semaphore, #tpu.memory_space<semaphore_mem>>)
          %slice3A_893 = vector.extract_strided_slice %and3A_647 {offsets = [8], sizes = [1], strides = [1]} : vector<16xi32> to vector<1xi32>
          %squeeze3A_894 = vector.extract %slice3A_893[0] : i32 from vector<1xi32>
          %multiple_of3A_895 = tpu.assume_multiple %squeeze3A_894, 128 : i32
          %slice3A_896 = vector.extract_strided_slice %and3A_650 {offsets = [8], sizes = [1], strides = [1]} : vector<16xi32> to vector<1xi32>
          %squeeze3A_897 = vector.extract %slice3A_896[0] : i32 from vector<1xi32>
          %multiple_of3A_898 = tpu.assume_multiple %squeeze3A_897, 128 : i32
          %dma_start3A_899 = arith.constant 0 : i32
          %dma_start3A_900 = arith.constant 8 : i32
          %dma_start3A_901 = arith.constant 0 : i32
          %dma_start3A_902 = arith.constant 0 : i32
          %dma_start3A_903 = tpu.memref_slice %arg12[%dma_start3A_899, %dma_start3A_900, %dma_start3A_901, %dma_start3A_902] : memref<2x16x8x128xf32, #tpu.memory_space<vmem>> -> memref<1x1x8x128xf32, #tpu.memory_space<vmem>>
          %dma_start3A_904 = tpu.memref_squeeze %dma_start3A_903 : memref<1x1x8x128xf32, #tpu.memory_space<vmem>> -> memref<8x128xf32, #tpu.memory_space<vmem>>
          %dma_start3A_905 = tpu.memref_slice %arg4[%mul3A_652, %multiple_of3A_895] : memref<32x1000000xf32, #tpu.memory_space<hbm>> -> memref<8x128xf32, #tpu.memory_space<hbm>>
          %dma_start3A_906 = arith.constant 0 : i32
          %dma_start3A_907 = arith.constant 0 : i32
          %dma_start3A_908 = tpu.memref_slice %arg12[%dma_start3A_899, %dma_start3A_900, %dma_start3A_906, %dma_start3A_907] : memref<2x16x8x128xf32, #tpu.memory_space<vmem>> -> memref<1x1x8x128xf32, #tpu.memory_space<vmem>>
          %dma_start3A_909 = tpu.memref_squeeze %dma_start3A_908 : memref<1x1x8x128xf32, #tpu.memory_space<vmem>> -> memref<8x128xf32, #tpu.memory_space<vmem>>
          %dma_start3A_910 = tpu.memref_slice %arg4[%mul3A_652, %multiple_of3A_895] : memref<32x1000000xf32, #tpu.memory_space<hbm>> -> memref<8x128xf32, #tpu.memory_space<hbm>>
          tpu.enqueue_dma source(%dma_start3A_910 : memref<8x128xf32, #tpu.memory_space<hbm>>) target(%dma_start3A_909 : memref<8x128xf32, #tpu.memory_space<vmem>>) target_semaphore(%arg18 : memref<!tpu.dma_semaphore, #tpu.memory_space<semaphore_mem>>)
          %dma_start3A_911 = arith.constant 0 : i32
          %dma_start3A_912 = arith.constant 8 : i32
          %dma_start3A_913 = arith.constant 0 : i32
          %dma_start3A_914 = arith.constant 0 : i32
          %dma_start3A_915 = tpu.memref_slice %arg13[%dma_start3A_911, %dma_start3A_912, %dma_start3A_913, %dma_start3A_914] : memref<2x16x8x128xf32, #tpu.memory_space<vmem>> -> memref<1x1x8x128xf32, #tpu.memory_space<vmem>>
          %dma_start3A_916 = tpu.memref_squeeze %dma_start3A_915 : memref<1x1x8x128xf32, #tpu.memory_space<vmem>> -> memref<8x128xf32, #tpu.memory_space<vmem>>
          %dma_start3A_917 = tpu.memref_slice %arg5[%mul3A_652, %multiple_of3A_898] : memref<32x1000000xf32, #tpu.memory_space<hbm>> -> memref<8x128xf32, #tpu.memory_space<hbm>>
          %dma_start3A_918 = arith.constant 0 : i32
          %dma_start3A_919 = arith.constant 0 : i32
          %dma_start3A_920 = tpu.memref_slice %arg13[%dma_start3A_911, %dma_start3A_912, %dma_start3A_918, %dma_start3A_919] : memref<2x16x8x128xf32, #tpu.memory_space<vmem>> -> memref<1x1x8x128xf32, #tpu.memory_space<vmem>>
          %dma_start3A_921 = tpu.memref_squeeze %dma_start3A_920 : memref<1x1x8x128xf32, #tpu.memory_space<vmem>> -> memref<8x128xf32, #tpu.memory_space<vmem>>
          %dma_start3A_922 = tpu.memref_slice %arg5[%mul3A_652, %multiple_of3A_898] : memref<32x1000000xf32, #tpu.memory_space<hbm>> -> memref<8x128xf32, #tpu.memory_space<hbm>>
          tpu.enqueue_dma source(%dma_start3A_922 : memref<8x128xf32, #tpu.memory_space<hbm>>) target(%dma_start3A_921 : memref<8x128xf32, #tpu.memory_space<vmem>>) target_semaphore(%arg18 : memref<!tpu.dma_semaphore, #tpu.memory_space<semaphore_mem>>)
          %slice3A_923 = vector.extract_strided_slice %and3A_647 {offsets = [9], sizes = [1], strides = [1]} : vector<16xi32> to vector<1xi32>
          %squeeze3A_924 = vector.extract %slice3A_923[0] : i32 from vector<1xi32>
          %multiple_of3A_925 = tpu.assume_multiple %squeeze3A_924, 128 : i32
          %slice3A_926 = vector.extract_strided_slice %and3A_650 {offsets = [9], sizes = [1], strides = [1]} : vector<16xi32> to vector<1xi32>
          %squeeze3A_927 = vector.extract %slice3A_926[0] : i32 from vector<1xi32>
          %multiple_of3A_928 = tpu.assume_multiple %squeeze3A_927, 128 : i32
          %dma_start3A_929 = arith.constant 0 : i32
          %dma_start3A_930 = arith.constant 9 : i32
          %dma_start3A_931 = arith.constant 0 : i32
          %dma_start3A_932 = arith.constant 0 : i32
          %dma_start3A_933 = tpu.memref_slice %arg12[%dma_start3A_929, %dma_start3A_930, %dma_start3A_931, %dma_start3A_932] : memref<2x16x8x128xf32, #tpu.memory_space<vmem>> -> memref<1x1x8x128xf32, #tpu.memory_space<vmem>>
          %dma_start3A_934 = tpu.memref_squeeze %dma_start3A_933 : memref<1x1x8x128xf32, #tpu.memory_space<vmem>> -> memref<8x128xf32, #tpu.memory_space<vmem>>
          %dma_start3A_935 = tpu.memref_slice %arg4[%mul3A_652, %multiple_of3A_925] : memref<32x1000000xf32, #tpu.memory_space<hbm>> -> memref<8x128xf32, #tpu.memory_space<hbm>>
          %dma_start3A_936 = arith.constant 0 : i32
          %dma_start3A_937 = arith.constant 0 : i32
          %dma_start3A_938 = tpu.memref_slice %arg12[%dma_start3A_929, %dma_start3A_930, %dma_start3A_936, %dma_start3A_937] : memref<2x16x8x128xf32, #tpu.memory_space<vmem>> -> memref<1x1x8x128xf32, #tpu.memory_space<vmem>>
          %dma_start3A_939 = tpu.memref_squeeze %dma_start3A_938 : memref<1x1x8x128xf32, #tpu.memory_space<vmem>> -> memref<8x128xf32, #tpu.memory_space<vmem>>
          %dma_start3A_940 = tpu.memref_slice %arg4[%mul3A_652, %multiple_of3A_925] : memref<32x1000000xf32, #tpu.memory_space<hbm>> -> memref<8x128xf32, #tpu.memory_space<hbm>>
          tpu.enqueue_dma source(%dma_start3A_940 : memref<8x128xf32, #tpu.memory_space<hbm>>) target(%dma_start3A_939 : memref<8x128xf32, #tpu.memory_space<vmem>>) target_semaphore(%arg18 : memref<!tpu.dma_semaphore, #tpu.memory_space<semaphore_mem>>)
          %dma_start3A_941 = arith.constant 0 : i32
          %dma_start3A_942 = arith.constant 9 : i32
          %dma_start3A_943 = arith.constant 0 : i32
          %dma_start3A_944 = arith.constant 0 : i32
          %dma_start3A_945 = tpu.memref_slice %arg13[%dma_start3A_941, %dma_start3A_942, %dma_start3A_943, %dma_start3A_944] : memref<2x16x8x128xf32, #tpu.memory_space<vmem>> -> memref<1x1x8x128xf32, #tpu.memory_space<vmem>>
          %dma_start3A_946 = tpu.memref_squeeze %dma_start3A_945 : memref<1x1x8x128xf32, #tpu.memory_space<vmem>> -> memref<8x128xf32, #tpu.memory_space<vmem>>
          %dma_start3A_947 = tpu.memref_slice %arg5[%mul3A_652, %multiple_of3A_928] : memref<32x1000000xf32, #tpu.memory_space<hbm>> -> memref<8x128xf32, #tpu.memory_space<hbm>>
          %dma_start3A_948 = arith.constant 0 : i32
          %dma_start3A_949 = arith.constant 0 : i32
          %dma_start3A_950 = tpu.memref_slice %arg13[%dma_start3A_941, %dma_start3A_942, %dma_start3A_948, %dma_start3A_949] : memref<2x16x8x128xf32, #tpu.memory_space<vmem>> -> memref<1x1x8x128xf32, #tpu.memory_space<vmem>>
          %dma_start3A_951 = tpu.memref_squeeze %dma_start3A_950 : memref<1x1x8x128xf32, #tpu.memory_space<vmem>> -> memref<8x128xf32, #tpu.memory_space<vmem>>
          %dma_start3A_952 = tpu.memref_slice %arg5[%mul3A_652, %multiple_of3A_928] : memref<32x1000000xf32, #tpu.memory_space<hbm>> -> memref<8x128xf32, #tpu.memory_space<hbm>>
          tpu.enqueue_dma source(%dma_start3A_952 : memref<8x128xf32, #tpu.memory_space<hbm>>) target(%dma_start3A_951 : memref<8x128xf32, #tpu.memory_space<vmem>>) target_semaphore(%arg18 : memref<!tpu.dma_semaphore, #tpu.memory_space<semaphore_mem>>)
          %slice3A_953 = vector.extract_strided_slice %and3A_647 {offsets = [10], sizes = [1], strides = [1]} : vector<16xi32> to vector<1xi32>
          %squeeze3A_954 = vector.extract %slice3A_953[0] : i32 from vector<1xi32>
          %multiple_of3A_955 = tpu.assume_multiple %squeeze3A_954, 128 : i32
          %slice3A_956 = vector.extract_strided_slice %and3A_650 {offsets = [10], sizes = [1], strides = [1]} : vector<16xi32> to vector<1xi32>
          %squeeze3A_957 = vector.extract %slice3A_956[0] : i32 from vector<1xi32>
          %multiple_of3A_958 = tpu.assume_multiple %squeeze3A_957, 128 : i32
          %dma_start3A_959 = arith.constant 0 : i32
          %dma_start3A_960 = arith.constant 10 : i32
          %dma_start3A_961 = arith.constant 0 : i32
          %dma_start3A_962 = arith.constant 0 : i32
          %dma_start3A_963 = tpu.memref_slice %arg12[%dma_start3A_959, %dma_start3A_960, %dma_start3A_961, %dma_start3A_962] : memref<2x16x8x128xf32, #tpu.memory_space<vmem>> -> memref<1x1x8x128xf32, #tpu.memory_space<vmem>>
          %dma_start3A_964 = tpu.memref_squeeze %dma_start3A_963 : memref<1x1x8x128xf32, #tpu.memory_space<vmem>> -> memref<8x128xf32, #tpu.memory_space<vmem>>
          %dma_start3A_965 = tpu.memref_slice %arg4[%mul3A_652, %multiple_of3A_955] : memref<32x1000000xf32, #tpu.memory_space<hbm>> -> memref<8x128xf32, #tpu.memory_space<hbm>>
          %dma_start3A_966 = arith.constant 0 : i32
          %dma_start3A_967 = arith.constant 0 : i32
          %dma_start3A_968 = tpu.memref_slice %arg12[%dma_start3A_959, %dma_start3A_960, %dma_start3A_966, %dma_start3A_967] : memref<2x16x8x128xf32, #tpu.memory_space<vmem>> -> memref<1x1x8x128xf32, #tpu.memory_space<vmem>>
          %dma_start3A_969 = tpu.memref_squeeze %dma_start3A_968 : memref<1x1x8x128xf32, #tpu.memory_space<vmem>> -> memref<8x128xf32, #tpu.memory_space<vmem>>
          %dma_start3A_970 = tpu.memref_slice %arg4[%mul3A_652, %multiple_of3A_955] : memref<32x1000000xf32, #tpu.memory_space<hbm>> -> memref<8x128xf32, #tpu.memory_space<hbm>>
          tpu.enqueue_dma source(%dma_start3A_970 : memref<8x128xf32, #tpu.memory_space<hbm>>) target(%dma_start3A_969 : memref<8x128xf32, #tpu.memory_space<vmem>>) target_semaphore(%arg18 : memref<!tpu.dma_semaphore, #tpu.memory_space<semaphore_mem>>)
          %dma_start3A_971 = arith.constant 0 : i32
          %dma_start3A_972 = arith.constant 10 : i32
          %dma_start3A_973 = arith.constant 0 : i32
          %dma_start3A_974 = arith.constant 0 : i32
          %dma_start3A_975 = tpu.memref_slice %arg13[%dma_start3A_971, %dma_start3A_972, %dma_start3A_973, %dma_start3A_974] : memref<2x16x8x128xf32, #tpu.memory_space<vmem>> -> memref<1x1x8x128xf32, #tpu.memory_space<vmem>>
          %dma_start3A_976 = tpu.memref_squeeze %dma_start3A_975 : memref<1x1x8x128xf32, #tpu.memory_space<vmem>> -> memref<8x128xf32, #tpu.memory_space<vmem>>
          %dma_start3A_977 = tpu.memref_slice %arg5[%mul3A_652, %multiple_of3A_958] : memref<32x1000000xf32, #tpu.memory_space<hbm>> -> memref<8x128xf32, #tpu.memory_space<hbm>>
          %dma_start3A_978 = arith.constant 0 : i32
          %dma_start3A_979 = arith.constant 0 : i32
          %dma_start3A_980 = tpu.memref_slice %arg13[%dma_start3A_971, %dma_start3A_972, %dma_start3A_978, %dma_start3A_979] : memref<2x16x8x128xf32, #tpu.memory_space<vmem>> -> memref<1x1x8x128xf32, #tpu.memory_space<vmem>>
          %dma_start3A_981 = tpu.memref_squeeze %dma_start3A_980 : memref<1x1x8x128xf32, #tpu.memory_space<vmem>> -> memref<8x128xf32, #tpu.memory_space<vmem>>
          %dma_start3A_982 = tpu.memref_slice %arg5[%mul3A_652, %multiple_of3A_958] : memref<32x1000000xf32, #tpu.memory_space<hbm>> -> memref<8x128xf32, #tpu.memory_space<hbm>>
          tpu.enqueue_dma source(%dma_start3A_982 : memref<8x128xf32, #tpu.memory_space<hbm>>) target(%dma_start3A_981 : memref<8x128xf32, #tpu.memory_space<vmem>>) target_semaphore(%arg18 : memref<!tpu.dma_semaphore, #tpu.memory_space<semaphore_mem>>)
          %slice3A_983 = vector.extract_strided_slice %and3A_647 {offsets = [11], sizes = [1], strides = [1]} : vector<16xi32> to vector<1xi32>
          %squeeze3A_984 = vector.extract %slice3A_983[0] : i32 from vector<1xi32>
          %multiple_of3A_985 = tpu.assume_multiple %squeeze3A_984, 128 : i32
          %slice3A_986 = vector.extract_strided_slice %and3A_650 {offsets = [11], sizes = [1], strides = [1]} : vector<16xi32> to vector<1xi32>
          %squeeze3A_987 = vector.extract %slice3A_986[0] : i32 from vector<1xi32>
          %multiple_of3A_988 = tpu.assume_multiple %squeeze3A_987, 128 : i32
          %dma_start3A_989 = arith.constant 0 : i32
          %dma_start3A_990 = arith.constant 11 : i32
          %dma_start3A_991 = arith.constant 0 : i32
          %dma_start3A_992 = arith.constant 0 : i32
          %dma_start3A_993 = tpu.memref_slice %arg12[%dma_start3A_989, %dma_start3A_990, %dma_start3A_991, %dma_start3A_992] : memref<2x16x8x128xf32, #tpu.memory_space<vmem>> -> memref<1x1x8x128xf32, #tpu.memory_space<vmem>>
          %dma_start3A_994 = tpu.memref_squeeze %dma_start3A_993 : memref<1x1x8x128xf32, #tpu.memory_space<vmem>> -> memref<8x128xf32, #tpu.memory_space<vmem>>
          %dma_start3A_995 = tpu.memref_slice %arg4[%mul3A_652, %multiple_of3A_985] : memref<32x1000000xf32, #tpu.memory_space<hbm>> -> memref<8x128xf32, #tpu.memory_space<hbm>>
          %dma_start3A_996 = arith.constant 0 : i32
          %dma_start3A_997 = arith.constant 0 : i32
          %dma_start3A_998 = tpu.memref_slice %arg12[%dma_start3A_989, %dma_start3A_990, %dma_start3A_996, %dma_start3A_997] : memref<2x16x8x128xf32, #tpu.memory_space<vmem>> -> memref<1x1x8x128xf32, #tpu.memory_space<vmem>>
          %dma_start3A_999 = tpu.memref_squeeze %dma_start3A_998 : memref<1x1x8x128xf32, #tpu.memory_space<vmem>> -> memref<8x128xf32, #tpu.memory_space<vmem>>
          %dma_start3A_1000 = tpu.memref_slice %arg4[%mul3A_652, %multiple_of3A_985] : memref<32x1000000xf32, #tpu.memory_space<hbm>> -> memref<8x128xf32, #tpu.memory_space<hbm>>
          tpu.enqueue_dma source(%dma_start3A_1000 : memref<8x128xf32, #tpu.memory_space<hbm>>) target(%dma_start3A_999 : memref<8x128xf32, #tpu.memory_space<vmem>>) target_semaphore(%arg18 : memref<!tpu.dma_semaphore, #tpu.memory_space<semaphore_mem>>)
          %dma_start3A_1001 = arith.constant 0 : i32
          %dma_start3A_1002 = arith.constant 11 : i32
          %dma_start3A_1003 = arith.constant 0 : i32
          %dma_start3A_1004 = arith.constant 0 : i32
          %dma_start3A_1005 = tpu.memref_slice %arg13[%dma_start3A_1001, %dma_start3A_1002, %dma_start3A_1003, %dma_start3A_1004] : memref<2x16x8x128xf32, #tpu.memory_space<vmem>> -> memref<1x1x8x128xf32, #tpu.memory_space<vmem>>
          %dma_start3A_1006 = tpu.memref_squeeze %dma_start3A_1005 : memref<1x1x8x128xf32, #tpu.memory_space<vmem>> -> memref<8x128xf32, #tpu.memory_space<vmem>>
          %dma_start3A_1007 = tpu.memref_slice %arg5[%mul3A_652, %multiple_of3A_988] : memref<32x1000000xf32, #tpu.memory_space<hbm>> -> memref<8x128xf32, #tpu.memory_space<hbm>>
          %dma_start3A_1008 = arith.constant 0 : i32
          %dma_start3A_1009 = arith.constant 0 : i32
          %dma_start3A_1010 = tpu.memref_slice %arg13[%dma_start3A_1001, %dma_start3A_1002, %dma_start3A_1008, %dma_start3A_1009] : memref<2x16x8x128xf32, #tpu.memory_space<vmem>> -> memref<1x1x8x128xf32, #tpu.memory_space<vmem>>
          %dma_start3A_1011 = tpu.memref_squeeze %dma_start3A_1010 : memref<1x1x8x128xf32, #tpu.memory_space<vmem>> -> memref<8x128xf32, #tpu.memory_space<vmem>>
          %dma_start3A_1012 = tpu.memref_slice %arg5[%mul3A_652, %multiple_of3A_988] : memref<32x1000000xf32, #tpu.memory_space<hbm>> -> memref<8x128xf32, #tpu.memory_space<hbm>>
          tpu.enqueue_dma source(%dma_start3A_1012 : memref<8x128xf32, #tpu.memory_space<hbm>>) target(%dma_start3A_1011 : memref<8x128xf32, #tpu.memory_space<vmem>>) target_semaphore(%arg18 : memref<!tpu.dma_semaphore, #tpu.memory_space<semaphore_mem>>)
          %slice3A_1013 = vector.extract_strided_slice %and3A_647 {offsets = [12], sizes = [1], strides = [1]} : vector<16xi32> to vector<1xi32>
          %squeeze3A_1014 = vector.extract %slice3A_1013[0] : i32 from vector<1xi32>
          %multiple_of3A_1015 = tpu.assume_multiple %squeeze3A_1014, 128 : i32
          %slice3A_1016 = vector.extract_strided_slice %and3A_650 {offsets = [12], sizes = [1], strides = [1]} : vector<16xi32> to vector<1xi32>
          %squeeze3A_1017 = vector.extract %slice3A_1016[0] : i32 from vector<1xi32>
          %multiple_of3A_1018 = tpu.assume_multiple %squeeze3A_1017, 128 : i32
          %dma_start3A_1019 = arith.constant 0 : i32
          %dma_start3A_1020 = arith.constant 12 : i32
          %dma_start3A_1021 = arith.constant 0 : i32
          %dma_start3A_1022 = arith.constant 0 : i32
          %dma_start3A_1023 = tpu.memref_slice %arg12[%dma_start3A_1019, %dma_start3A_1020, %dma_start3A_1021, %dma_start3A_1022] : memref<2x16x8x128xf32, #tpu.memory_space<vmem>> -> memref<1x1x8x128xf32, #tpu.memory_space<vmem>>
          %dma_start3A_1024 = tpu.memref_squeeze %dma_start3A_1023 : memref<1x1x8x128xf32, #tpu.memory_space<vmem>> -> memref<8x128xf32, #tpu.memory_space<vmem>>
          %dma_start3A_1025 = tpu.memref_slice %arg4[%mul3A_652, %multiple_of3A_1015] : memref<32x1000000xf32, #tpu.memory_space<hbm>> -> memref<8x128xf32, #tpu.memory_space<hbm>>
          %dma_start3A_1026 = arith.constant 0 : i32
          %dma_start3A_1027 = arith.constant 0 : i32
          %dma_start3A_1028 = tpu.memref_slice %arg12[%dma_start3A_1019, %dma_start3A_1020, %dma_start3A_1026, %dma_start3A_1027] : memref<2x16x8x128xf32, #tpu.memory_space<vmem>> -> memref<1x1x8x128xf32, #tpu.memory_space<vmem>>
          %dma_start3A_1029 = tpu.memref_squeeze %dma_start3A_1028 : memref<1x1x8x128xf32, #tpu.memory_space<vmem>> -> memref<8x128xf32, #tpu.memory_space<vmem>>
          %dma_start3A_1030 = tpu.memref_slice %arg4[%mul3A_652, %multiple_of3A_1015] : memref<32x1000000xf32, #tpu.memory_space<hbm>> -> memref<8x128xf32, #tpu.memory_space<hbm>>
          tpu.enqueue_dma source(%dma_start3A_1030 : memref<8x128xf32, #tpu.memory_space<hbm>>) target(%dma_start3A_1029 : memref<8x128xf32, #tpu.memory_space<vmem>>) target_semaphore(%arg18 : memref<!tpu.dma_semaphore, #tpu.memory_space<semaphore_mem>>)
          %dma_start3A_1031 = arith.constant 0 : i32
          %dma_start3A_1032 = arith.constant 12 : i32
          %dma_start3A_1033 = arith.constant 0 : i32
          %dma_start3A_1034 = arith.constant 0 : i32
          %dma_start3A_1035 = tpu.memref_slice %arg13[%dma_start3A_1031, %dma_start3A_1032, %dma_start3A_1033, %dma_start3A_1034] : memref<2x16x8x128xf32, #tpu.memory_space<vmem>> -> memref<1x1x8x128xf32, #tpu.memory_space<vmem>>
          %dma_start3A_1036 = tpu.memref_squeeze %dma_start3A_1035 : memref<1x1x8x128xf32, #tpu.memory_space<vmem>> -> memref<8x128xf32, #tpu.memory_space<vmem>>
          %dma_start3A_1037 = tpu.memref_slice %arg5[%mul3A_652, %multiple_of3A_1018] : memref<32x1000000xf32, #tpu.memory_space<hbm>> -> memref<8x128xf32, #tpu.memory_space<hbm>>
          %dma_start3A_1038 = arith.constant 0 : i32
          %dma_start3A_1039 = arith.constant 0 : i32
          %dma_start3A_1040 = tpu.memref_slice %arg13[%dma_start3A_1031, %dma_start3A_1032, %dma_start3A_1038, %dma_start3A_1039] : memref<2x16x8x128xf32, #tpu.memory_space<vmem>> -> memref<1x1x8x128xf32, #tpu.memory_space<vmem>>
          %dma_start3A_1041 = tpu.memref_squeeze %dma_start3A_1040 : memref<1x1x8x128xf32, #tpu.memory_space<vmem>> -> memref<8x128xf32, #tpu.memory_space<vmem>>
          %dma_start3A_1042 = tpu.memref_slice %arg5[%mul3A_652, %multiple_of3A_1018] : memref<32x1000000xf32, #tpu.memory_space<hbm>> -> memref<8x128xf32, #tpu.memory_space<hbm>>
          tpu.enqueue_dma source(%dma_start3A_1042 : memref<8x128xf32, #tpu.memory_space<hbm>>) target(%dma_start3A_1041 : memref<8x128xf32, #tpu.memory_space<vmem>>) target_semaphore(%arg18 : memref<!tpu.dma_semaphore, #tpu.memory_space<semaphore_mem>>)
          %slice3A_1043 = vector.extract_strided_slice %and3A_647 {offsets = [13], sizes = [1], strides = [1]} : vector<16xi32> to vector<1xi32>
          %squeeze3A_1044 = vector.extract %slice3A_1043[0] : i32 from vector<1xi32>
          %multiple_of3A_1045 = tpu.assume_multiple %squeeze3A_1044, 128 : i32
          %slice3A_1046 = vector.extract_strided_slice %and3A_650 {offsets = [13], sizes = [1], strides = [1]} : vector<16xi32> to vector<1xi32>
          %squeeze3A_1047 = vector.extract %slice3A_1046[0] : i32 from vector<1xi32>
          %multiple_of3A_1048 = tpu.assume_multiple %squeeze3A_1047, 128 : i32
          %dma_start3A_1049 = arith.constant 0 : i32
          %dma_start3A_1050 = arith.constant 13 : i32
          %dma_start3A_1051 = arith.constant 0 : i32
          %dma_start3A_1052 = arith.constant 0 : i32
          %dma_start3A_1053 = tpu.memref_slice %arg12[%dma_start3A_1049, %dma_start3A_1050, %dma_start3A_1051, %dma_start3A_1052] : memref<2x16x8x128xf32, #tpu.memory_space<vmem>> -> memref<1x1x8x128xf32, #tpu.memory_space<vmem>>
          %dma_start3A_1054 = tpu.memref_squeeze %dma_start3A_1053 : memref<1x1x8x128xf32, #tpu.memory_space<vmem>> -> memref<8x128xf32, #tpu.memory_space<vmem>>
          %dma_start3A_1055 = tpu.memref_slice %arg4[%mul3A_652, %multiple_of3A_1045] : memref<32x1000000xf32, #tpu.memory_space<hbm>> -> memref<8x128xf32, #tpu.memory_space<hbm>>
          %dma_start3A_1056 = arith.constant 0 : i32
          %dma_start3A_1057 = arith.constant 0 : i32
          %dma_start3A_1058 = tpu.memref_slice %arg12[%dma_start3A_1049, %dma_start3A_1050, %dma_start3A_1056, %dma_start3A_1057] : memref<2x16x8x128xf32, #tpu.memory_space<vmem>> -> memref<1x1x8x128xf32, #tpu.memory_space<vmem>>
          %dma_start3A_1059 = tpu.memref_squeeze %dma_start3A_1058 : memref<1x1x8x128xf32, #tpu.memory_space<vmem>> -> memref<8x128xf32, #tpu.memory_space<vmem>>
          %dma_start3A_1060 = tpu.memref_slice %arg4[%mul3A_652, %multiple_of3A_1045] : memref<32x1000000xf32, #tpu.memory_space<hbm>> -> memref<8x128xf32, #tpu.memory_space<hbm>>
          tpu.enqueue_dma source(%dma_start3A_1060 : memref<8x128xf32, #tpu.memory_space<hbm>>) target(%dma_start3A_1059 : memref<8x128xf32, #tpu.memory_space<vmem>>) target_semaphore(%arg18 : memref<!tpu.dma_semaphore, #tpu.memory_space<semaphore_mem>>)
          %dma_start3A_1061 = arith.constant 0 : i32
          %dma_start3A_1062 = arith.constant 13 : i32
          %dma_start3A_1063 = arith.constant 0 : i32
          %dma_start3A_1064 = arith.constant 0 : i32
          %dma_start3A_1065 = tpu.memref_slice %arg13[%dma_start3A_1061, %dma_start3A_1062, %dma_start3A_1063, %dma_start3A_1064] : memref<2x16x8x128xf32, #tpu.memory_space<vmem>> -> memref<1x1x8x128xf32, #tpu.memory_space<vmem>>
          %dma_start3A_1066 = tpu.memref_squeeze %dma_start3A_1065 : memref<1x1x8x128xf32, #tpu.memory_space<vmem>> -> memref<8x128xf32, #tpu.memory_space<vmem>>
          %dma_start3A_1067 = tpu.memref_slice %arg5[%mul3A_652, %multiple_of3A_1048] : memref<32x1000000xf32, #tpu.memory_space<hbm>> -> memref<8x128xf32, #tpu.memory_space<hbm>>
          %dma_start3A_1068 = arith.constant 0 : i32
          %dma_start3A_1069 = arith.constant 0 : i32
          %dma_start3A_1070 = tpu.memref_slice %arg13[%dma_start3A_1061, %dma_start3A_1062, %dma_start3A_1068, %dma_start3A_1069] : memref<2x16x8x128xf32, #tpu.memory_space<vmem>> -> memref<1x1x8x128xf32, #tpu.memory_space<vmem>>
          %dma_start3A_1071 = tpu.memref_squeeze %dma_start3A_1070 : memref<1x1x8x128xf32, #tpu.memory_space<vmem>> -> memref<8x128xf32, #tpu.memory_space<vmem>>
          %dma_start3A_1072 = tpu.memref_slice %arg5[%mul3A_652, %multiple_of3A_1048] : memref<32x1000000xf32, #tpu.memory_space<hbm>> -> memref<8x128xf32, #tpu.memory_space<hbm>>
          tpu.enqueue_dma source(%dma_start3A_1072 : memref<8x128xf32, #tpu.memory_space<hbm>>) target(%dma_start3A_1071 : memref<8x128xf32, #tpu.memory_space<vmem>>) target_semaphore(%arg18 : memref<!tpu.dma_semaphore, #tpu.memory_space<semaphore_mem>>)
          %slice3A_1073 = vector.extract_strided_slice %and3A_647 {offsets = [14], sizes = [1], strides = [1]} : vector<16xi32> to vector<1xi32>
          %squeeze3A_1074 = vector.extract %slice3A_1073[0] : i32 from vector<1xi32>
          %multiple_of3A_1075 = tpu.assume_multiple %squeeze3A_1074, 128 : i32
          %slice3A_1076 = vector.extract_strided_slice %and3A_650 {offsets = [14], sizes = [1], strides = [1]} : vector<16xi32> to vector<1xi32>
          %squeeze3A_1077 = vector.extract %slice3A_1076[0] : i32 from vector<1xi32>
          %multiple_of3A_1078 = tpu.assume_multiple %squeeze3A_1077, 128 : i32
          %dma_start3A_1079 = arith.constant 0 : i32
          %dma_start3A_1080 = arith.constant 14 : i32
          %dma_start3A_1081 = arith.constant 0 : i32
          %dma_start3A_1082 = arith.constant 0 : i32
          %dma_start3A_1083 = tpu.memref_slice %arg12[%dma_start3A_1079, %dma_start3A_1080, %dma_start3A_1081, %dma_start3A_1082] : memref<2x16x8x128xf32, #tpu.memory_space<vmem>> -> memref<1x1x8x128xf32, #tpu.memory_space<vmem>>
          %dma_start3A_1084 = tpu.memref_squeeze %dma_start3A_1083 : memref<1x1x8x128xf32, #tpu.memory_space<vmem>> -> memref<8x128xf32, #tpu.memory_space<vmem>>
          %dma_start3A_1085 = tpu.memref_slice %arg4[%mul3A_652, %multiple_of3A_1075] : memref<32x1000000xf32, #tpu.memory_space<hbm>> -> memref<8x128xf32, #tpu.memory_space<hbm>>
          %dma_start3A_1086 = arith.constant 0 : i32
          %dma_start3A_1087 = arith.constant 0 : i32
          %dma_start3A_1088 = tpu.memref_slice %arg12[%dma_start3A_1079, %dma_start3A_1080, %dma_start3A_1086, %dma_start3A_1087] : memref<2x16x8x128xf32, #tpu.memory_space<vmem>> -> memref<1x1x8x128xf32, #tpu.memory_space<vmem>>
          %dma_start3A_1089 = tpu.memref_squeeze %dma_start3A_1088 : memref<1x1x8x128xf32, #tpu.memory_space<vmem>> -> memref<8x128xf32, #tpu.memory_space<vmem>>
          %dma_start3A_1090 = tpu.memref_slice %arg4[%mul3A_652, %multiple_of3A_1075] : memref<32x1000000xf32, #tpu.memory_space<hbm>> -> memref<8x128xf32, #tpu.memory_space<hbm>>
          tpu.enqueue_dma source(%dma_start3A_1090 : memref<8x128xf32, #tpu.memory_space<hbm>>) target(%dma_start3A_1089 : memref<8x128xf32, #tpu.memory_space<vmem>>) target_semaphore(%arg18 : memref<!tpu.dma_semaphore, #tpu.memory_space<semaphore_mem>>)
          %dma_start3A_1091 = arith.constant 0 : i32
          %dma_start3A_1092 = arith.constant 14 : i32
          %dma_start3A_1093 = arith.constant 0 : i32
          %dma_start3A_1094 = arith.constant 0 : i32
          %dma_start3A_1095 = tpu.memref_slice %arg13[%dma_start3A_1091, %dma_start3A_1092, %dma_start3A_1093, %dma_start3A_1094] : memref<2x16x8x128xf32, #tpu.memory_space<vmem>> -> memref<1x1x8x128xf32, #tpu.memory_space<vmem>>
          %dma_start3A_1096 = tpu.memref_squeeze %dma_start3A_1095 : memref<1x1x8x128xf32, #tpu.memory_space<vmem>> -> memref<8x128xf32, #tpu.memory_space<vmem>>
          %dma_start3A_1097 = tpu.memref_slice %arg5[%mul3A_652, %multiple_of3A_1078] : memref<32x1000000xf32, #tpu.memory_space<hbm>> -> memref<8x128xf32, #tpu.memory_space<hbm>>
          %dma_start3A_1098 = arith.constant 0 : i32
          %dma_start3A_1099 = arith.constant 0 : i32
          %dma_start3A_1100 = tpu.memref_slice %arg13[%dma_start3A_1091, %dma_start3A_1092, %dma_start3A_1098, %dma_start3A_1099] : memref<2x16x8x128xf32, #tpu.memory_space<vmem>> -> memref<1x1x8x128xf32, #tpu.memory_space<vmem>>
          %dma_start3A_1101 = tpu.memref_squeeze %dma_start3A_1100 : memref<1x1x8x128xf32, #tpu.memory_space<vmem>> -> memref<8x128xf32, #tpu.memory_space<vmem>>
          %dma_start3A_1102 = tpu.memref_slice %arg5[%mul3A_652, %multiple_of3A_1078] : memref<32x1000000xf32, #tpu.memory_space<hbm>> -> memref<8x128xf32, #tpu.memory_space<hbm>>
          tpu.enqueue_dma source(%dma_start3A_1102 : memref<8x128xf32, #tpu.memory_space<hbm>>) target(%dma_start3A_1101 : memref<8x128xf32, #tpu.memory_space<vmem>>) target_semaphore(%arg18 : memref<!tpu.dma_semaphore, #tpu.memory_space<semaphore_mem>>)
          %slice3A_1103 = vector.extract_strided_slice %and3A_647 {offsets = [15], sizes = [1], strides = [1]} : vector<16xi32> to vector<1xi32>
          %squeeze3A_1104 = vector.extract %slice3A_1103[0] : i32 from vector<1xi32>
          %multiple_of3A_1105 = tpu.assume_multiple %squeeze3A_1104, 128 : i32
          %slice3A_1106 = vector.extract_strided_slice %and3A_650 {offsets = [15], sizes = [1], strides = [1]} : vector<16xi32> to vector<1xi32>
          %squeeze3A_1107 = vector.extract %slice3A_1106[0] : i32 from vector<1xi32>
          %multiple_of3A_1108 = tpu.assume_multiple %squeeze3A_1107, 128 : i32
          %dma_start3A_1109 = arith.constant 0 : i32
          %dma_start3A_1110 = arith.constant 15 : i32
          %dma_start3A_1111 = arith.constant 0 : i32
          %dma_start3A_1112 = arith.constant 0 : i32
          %dma_start3A_1113 = tpu.memref_slice %arg12[%dma_start3A_1109, %dma_start3A_1110, %dma_start3A_1111, %dma_start3A_1112] : memref<2x16x8x128xf32, #tpu.memory_space<vmem>> -> memref<1x1x8x128xf32, #tpu.memory_space<vmem>>
          %dma_start3A_1114 = tpu.memref_squeeze %dma_start3A_1113 : memref<1x1x8x128xf32, #tpu.memory_space<vmem>> -> memref<8x128xf32, #tpu.memory_space<vmem>>
          %dma_start3A_1115 = tpu.memref_slice %arg4[%mul3A_652, %multiple_of3A_1105] : memref<32x1000000xf32, #tpu.memory_space<hbm>> -> memref<8x128xf32, #tpu.memory_space<hbm>>
          %dma_start3A_1116 = arith.constant 0 : i32
          %dma_start3A_1117 = arith.constant 0 : i32
          %dma_start3A_1118 = tpu.memref_slice %arg12[%dma_start3A_1109, %dma_start3A_1110, %dma_start3A_1116, %dma_start3A_1117] : memref<2x16x8x128xf32, #tpu.memory_space<vmem>> -> memref<1x1x8x128xf32, #tpu.memory_space<vmem>>
          %dma_start3A_1119 = tpu.memref_squeeze %dma_start3A_1118 : memref<1x1x8x128xf32, #tpu.memory_space<vmem>> -> memref<8x128xf32, #tpu.memory_space<vmem>>
          %dma_start3A_1120 = tpu.memref_slice %arg4[%mul3A_652, %multiple_of3A_1105] : memref<32x1000000xf32, #tpu.memory_space<hbm>> -> memref<8x128xf32, #tpu.memory_space<hbm>>
          tpu.enqueue_dma source(%dma_start3A_1120 : memref<8x128xf32, #tpu.memory_space<hbm>>) target(%dma_start3A_1119 : memref<8x128xf32, #tpu.memory_space<vmem>>) target_semaphore(%arg18 : memref<!tpu.dma_semaphore, #tpu.memory_space<semaphore_mem>>)
          %dma_start3A_1121 = arith.constant 0 : i32
          %dma_start3A_1122 = arith.constant 15 : i32
          %dma_start3A_1123 = arith.constant 0 : i32
          %dma_start3A_1124 = arith.constant 0 : i32
          %dma_start3A_1125 = tpu.memref_slice %arg13[%dma_start3A_1121, %dma_start3A_1122, %dma_start3A_1123, %dma_start3A_1124] : memref<2x16x8x128xf32, #tpu.memory_space<vmem>> -> memref<1x1x8x128xf32, #tpu.memory_space<vmem>>
          %dma_start3A_1126 = tpu.memref_squeeze %dma_start3A_1125 : memref<1x1x8x128xf32, #tpu.memory_space<vmem>> -> memref<8x128xf32, #tpu.memory_space<vmem>>
          %dma_start3A_1127 = tpu.memref_slice %arg5[%mul3A_652, %multiple_of3A_1108] : memref<32x1000000xf32, #tpu.memory_space<hbm>> -> memref<8x128xf32, #tpu.memory_space<hbm>>
          %dma_start3A_1128 = arith.constant 0 : i32
          %dma_start3A_1129 = arith.constant 0 : i32
          %dma_start3A_1130 = tpu.memref_slice %arg13[%dma_start3A_1121, %dma_start3A_1122, %dma_start3A_1128, %dma_start3A_1129] : memref<2x16x8x128xf32, #tpu.memory_space<vmem>> -> memref<1x1x8x128xf32, #tpu.memory_space<vmem>>
          %dma_start3A_1131 = tpu.memref_squeeze %dma_start3A_1130 : memref<1x1x8x128xf32, #tpu.memory_space<vmem>> -> memref<8x128xf32, #tpu.memory_space<vmem>>
          %dma_start3A_1132 = tpu.memref_slice %arg5[%mul3A_652, %multiple_of3A_1108] : memref<32x1000000xf32, #tpu.memory_space<hbm>> -> memref<8x128xf32, #tpu.memory_space<hbm>>
          tpu.enqueue_dma source(%dma_start3A_1132 : memref<8x128xf32, #tpu.memory_space<hbm>>) target(%dma_start3A_1131 : memref<8x128xf32, #tpu.memory_space<vmem>>) target_semaphore(%arg18 : memref<!tpu.dma_semaphore, #tpu.memory_space<semaphore_mem>>)
        } else {
        }
      } else {
      }
      %eq3A = arith.constant 0 : i32
      %eq3A_584 = arith.cmpi eq, %rem3A_579, %eq3A : i32
      %convert_element_type3A_585 = arith.extui %eq3A_584 : i1 to i32
      %cond3A_586 = arith.constant 0 : i32
      %cond3A_587 = arith.cmpi ne, %convert_element_type3A_585, %cond3A_586 : i32
      scf.if %cond3A_587 {
        %scan3A_593 = arith.constant 0 : i32
        %scan3A_594 = arith.constant 0 : i32
        %scan3A_595 = arith.constant 16 : i32
        %scan3A_596 = arith.addi %scan3A_594, %scan3A_595 : i32
        %scan3A_597 = arith.constant 1 : i32
        scf.for %scan3A_697 = %scan3A_594 to %scan3A_596 step %scan3A_597  : i32 {
          %dma_wait3A_698 = arith.constant 0 : i32
          %dma_wait3A_699 = arith.constant 0 : i32
          %dma_wait3A_700 = arith.constant 0 : i32
          %dma_wait3A_701 = tpu.memref_slice %arg12[%dma_wait3A_698, %scan3A_697, %dma_wait3A_699, %dma_wait3A_700] : memref<2x16x8x128xf32, #tpu.memory_space<vmem>> -> memref<1x1x8x128xf32, #tpu.memory_space<vmem>>
          %dma_wait3A_702 = tpu.memref_squeeze %dma_wait3A_701 : memref<1x1x8x128xf32, #tpu.memory_space<vmem>> -> memref<8x128xf32, #tpu.memory_space<vmem>>
          %dma_wait3A_703 = arith.constant 0 : i32
          %dma_wait3A_704 = arith.constant 0 : i32
          %dma_wait3A_705 = tpu.memref_slice %arg4[%dma_wait3A_703, %dma_wait3A_704] : memref<32x1000000xf32, #tpu.memory_space<hbm>> -> memref<8x128xf32, #tpu.memory_space<hbm>>
          %dma_wait3A_706 = arith.constant 0 : i32
          %dma_wait3A_707 = arith.constant 0 : i32
          %dma_wait3A_708 = tpu.memref_slice %arg12[%dma_wait3A_698, %scan3A_697, %dma_wait3A_706, %dma_wait3A_707] : memref<2x16x8x128xf32, #tpu.memory_space<vmem>> -> memref<1x1x8x128xf32, #tpu.memory_space<vmem>>
          %dma_wait3A_709 = tpu.memref_squeeze %dma_wait3A_708 : memref<1x1x8x128xf32, #tpu.memory_space<vmem>> -> memref<8x128xf32, #tpu.memory_space<vmem>>
          %dma_wait3A_710 = arith.constant 0 : i32
          %dma_wait3A_711 = arith.constant 0 : i32
          %dma_wait3A_712 = tpu.memref_slice %arg4[%dma_wait3A_710, %dma_wait3A_711] : memref<32x1000000xf32, #tpu.memory_space<hbm>> -> memref<8x128xf32, #tpu.memory_space<hbm>>
          tpu.wait_dma2 semaphore(%arg18 : memref<!tpu.dma_semaphore, #tpu.memory_space<semaphore_mem>>) src(%dma_wait3A_712 : memref<8x128xf32, #tpu.memory_space<hbm>>) dst(%dma_wait3A_709 : memref<8x128xf32, #tpu.memory_space<vmem>>)
          %dma_wait3A_713 = arith.constant 0 : i32
          %dma_wait3A_714 = arith.constant 0 : i32
          %dma_wait3A_715 = arith.constant 0 : i32
          %dma_wait3A_716 = tpu.memref_slice %arg13[%dma_wait3A_713, %scan3A_697, %dma_wait3A_714, %dma_wait3A_715] : memref<2x16x8x128xf32, #tpu.memory_space<vmem>> -> memref<1x1x8x128xf32, #tpu.memory_space<vmem>>
          %dma_wait3A_717 = tpu.memref_squeeze %dma_wait3A_716 : memref<1x1x8x128xf32, #tpu.memory_space<vmem>> -> memref<8x128xf32, #tpu.memory_space<vmem>>
          %dma_wait3A_718 = arith.constant 0 : i32
          %dma_wait3A_719 = arith.constant 0 : i32
          %dma_wait3A_720 = tpu.memref_slice %arg5[%dma_wait3A_718, %dma_wait3A_719] : memref<32x1000000xf32, #tpu.memory_space<hbm>> -> memref<8x128xf32, #tpu.memory_space<hbm>>
          %dma_wait3A_721 = arith.constant 0 : i32
          %dma_wait3A_722 = arith.constant 0 : i32
          %dma_wait3A_723 = tpu.memref_slice %arg13[%dma_wait3A_713, %scan3A_697, %dma_wait3A_721, %dma_wait3A_722] : memref<2x16x8x128xf32, #tpu.memory_space<vmem>> -> memref<1x1x8x128xf32, #tpu.memory_space<vmem>>
          %dma_wait3A_724 = tpu.memref_squeeze %dma_wait3A_723 : memref<1x1x8x128xf32, #tpu.memory_space<vmem>> -> memref<8x128xf32, #tpu.memory_space<vmem>>
          %dma_wait3A_725 = arith.constant 0 : i32
          %dma_wait3A_726 = arith.constant 0 : i32
          %dma_wait3A_727 = tpu.memref_slice %arg5[%dma_wait3A_725, %dma_wait3A_726] : memref<32x1000000xf32, #tpu.memory_space<hbm>> -> memref<8x128xf32, #tpu.memory_space<hbm>>
          tpu.wait_dma2 semaphore(%arg18 : memref<!tpu.dma_semaphore, #tpu.memory_space<semaphore_mem>>) src(%dma_wait3A_727 : memref<8x128xf32, #tpu.memory_space<hbm>>) dst(%dma_wait3A_724 : memref<8x128xf32, #tpu.memory_space<vmem>>)
        }
        %scan3A_598 = arith.constant 16 : i32
        %jit3A = arith.constant 4 : i32
        %div3A = arith.divsi %scan3A_578, %jit3A : i32
        %sign3A = arith.constant 0 : i32
        %sign3A_599 = arith.cmpi sgt, %scan3A_578, %sign3A : i32
        %sign3A_600 = arith.extui %sign3A_599 : i1 to i32
        %sign3A_601 = arith.constant 0 : i32
        %sign3A_602 = arith.cmpi slt, %scan3A_578, %sign3A_601 : i32
        %sign3A_603 = arith.extui %sign3A_602 : i1 to i32
        %sign3A_604 = arith.subi %sign3A_600, %sign3A_603 : i32
        %sign3A_605 = arith.constant 0 : i32
        %sign3A_606 = arith.cmpi sgt, %jit3A, %sign3A_605 : i32
        %sign3A_607 = arith.extui %sign3A_606 : i1 to i32
        %sign3A_608 = arith.constant 0 : i32
        %sign3A_609 = arith.cmpi slt, %jit3A, %sign3A_608 : i32
        %sign3A_610 = arith.extui %sign3A_609 : i1 to i32
        %sign3A_611 = arith.subi %sign3A_607, %sign3A_610 : i32
        %ne3A = arith.cmpi ne, %sign3A_604, %sign3A_611 : i32
        %rem3A_612 = arith.remsi %scan3A_578, %jit3A : i32
        %ne3A_613 = arith.constant 0 : i32
        %ne3A_614 = arith.cmpi ne, %rem3A_612, %ne3A_613 : i32
        %and3A_615 = arith.andi %ne3A, %ne3A_614 : i1
        %sub3A = arith.constant 1 : i32
        %sub3A_616 = arith.subi %div3A, %sub3A : i32
        %select_n3A = arith.select %and3A_615, %sub3A_616, %div3A : i32
        %jit3A_617 = arith.constant 4 : i32
        %eq3A_618 = arith.constant 0 : i32
        %eq3A_619 = arith.cmpi eq, %jit3A_617, %eq3A_618 : i32
        %jit3A_620 = arith.constant 1 : i32
        %select_n3A_621 = arith.select %eq3A_619, %jit3A_620, %jit3A_617 : i32
        %rem3A_622 = arith.remsi %scan3A_578, %select_n3A_621 : i32
        %ne3A_623 = arith.constant 0 : i32
        %ne3A_624 = arith.cmpi ne, %rem3A_622, %ne3A_623 : i32
        %lt3A_625 = arith.constant 0 : i32
        %lt3A_626 = arith.cmpi slt, %rem3A_622, %lt3A_625 : i32
        %lt3A_627 = arith.constant 0 : i32
        %lt3A_628 = arith.cmpi slt, %select_n3A_621, %lt3A_627 : i32
        %ne3A_629 = arith.xori %lt3A_626, %lt3A_628 : i1
        %and3A_630 = arith.andi %ne3A_629, %ne3A_624 : i1
        %add3A_631 = arith.addi %rem3A_622, %select_n3A_621 : i32
        %select_n3A_632 = arith.select %and3A_630, %add3A_631, %rem3A_622 : i32
        %mul3A_633 = arith.constant 16 : i32
        %mul3A_634 = arith.muli %select_n3A, %mul3A_633 : i32
        %get3A_635 = arith.index_cast %mul3A_634 : i32 to index
        %get3A_636 = tpu.vector_load %arg10[%get3A_635] {strides = array<i32>} : memref<512xi32, #tpu.memory_space<vmem>>, vector<16xi32>,
        %and3A_637 = arith.constant 127 : i32
        %and3A_638 = vector.broadcast %and3A_637 : i32 to vector<16xi32>
        %and3A_639 = arith.andi %get3A_636, %and3A_638 : vector<16xi32>
        %get3A_640 = arith.index_cast %mul3A_634 : i32 to index
        %get3A_641 = tpu.vector_load %arg11[%get3A_640] {strides = array<i32>} : memref<512xi32, #tpu.memory_space<vmem>>, vector<16xi32>,
        %and3A_642 = arith.constant 127 : i32
        %and3A_643 = vector.broadcast %and3A_642 : i32 to vector<16xi32>
        %and3A_644 = arith.andi %get3A_641, %and3A_643 : vector<16xi32>
        %get3A_645 = arith.index_cast %mul3A_634 : i32 to index
        %get3A_646 = tpu.vector_load %arg17[%get3A_645] {strides = array<i32>} : memref<512xf32, #tpu.memory_space<vmem>>, vector<16xf32>,
        %broadcast_in_dim3A_647 = arith.constant 0 : i32
        %broadcast_in_dim3A_648 = vector.broadcast %broadcast_in_dim3A_647 : i32 to vector<16xi32>
        %broadcast_in_dim3A_649 = arith.constant 0 : i32
        %broadcast_in_dim3A_650 = vector.broadcast %broadcast_in_dim3A_649 : i32 to vector<16xi32>
        %gather3A = tpu.vector_load_idx %arg12[%broadcast_in_dim3A_648, %iota3A, %broadcast_in_dim3A_650, %and3A_639] : memref<2x16x8x128xf32, #tpu.memory_space<vmem>>[vector<16xi32>, vector<16xi32>, vector<16xi32>, vector<16xi32>], vector<16xf32>,
        %gather3A_651 = tpu.vector_load_idx %arg13[%broadcast_in_dim3A_648, %iota3A, %broadcast_in_dim3A_650, %and3A_644] : memref<2x16x8x128xf32, #tpu.memory_space<vmem>>[vector<16xi32>, vector<16xi32>, vector<16xi32>, vector<16xi32>], vector<16xf32>,
        %mul3A_652 = arith.mulf %gather3A, %gather3A_651 : vector<16xf32>
        %add3A_653 = arith.addf %get3A_646, %mul3A_652 : vector<16xf32>
        %broadcast_in_dim3A_654 = arith.constant 1 : i32
        %broadcast_in_dim3A_655 = vector.broadcast %broadcast_in_dim3A_654 : i32 to vector<16xi32>
        %gather3A_656 = tpu.vector_load_idx %arg12[%broadcast_in_dim3A_648, %iota3A, %broadcast_in_dim3A_655, %and3A_639] : memref<2x16x8x128xf32, #tpu.memory_space<vmem>>[vector<16xi32>, vector<16xi32>, vector<16xi32>, vector<16xi32>], vector<16xf32>,
        %gather3A_657 = tpu.vector_load_idx %arg13[%broadcast_in_dim3A_648, %iota3A, %broadcast_in_dim3A_655, %and3A_644] : memref<2x16x8x128xf32, #tpu.memory_space<vmem>>[vector<16xi32>, vector<16xi32>, vector<16xi32>, vector<16xi32>], vector<16xf32>,
        %mul3A_658 = arith.mulf %gather3A_656, %gather3A_657 : vector<16xf32>
        %add3A_659 = arith.addf %add3A_653, %mul3A_658 : vector<16xf32>
        %broadcast_in_dim3A_660 = arith.constant 2 : i32
        %broadcast_in_dim3A_661 = vector.broadcast %broadcast_in_dim3A_660 : i32 to vector<16xi32>
        %gather3A_662 = tpu.vector_load_idx %arg12[%broadcast_in_dim3A_648, %iota3A, %broadcast_in_dim3A_661, %and3A_639] : memref<2x16x8x128xf32, #tpu.memory_space<vmem>>[vector<16xi32>, vector<16xi32>, vector<16xi32>, vector<16xi32>], vector<16xf32>,
        %gather3A_663 = tpu.vector_load_idx %arg13[%broadcast_in_dim3A_648, %iota3A, %broadcast_in_dim3A_661, %and3A_644] : memref<2x16x8x128xf32, #tpu.memory_space<vmem>>[vector<16xi32>, vector<16xi32>, vector<16xi32>, vector<16xi32>], vector<16xf32>,
        %mul3A_664 = arith.mulf %gather3A_662, %gather3A_663 : vector<16xf32>
        %add3A_665 = arith.addf %add3A_659, %mul3A_664 : vector<16xf32>
        %broadcast_in_dim3A_666 = arith.constant 3 : i32
        %broadcast_in_dim3A_667 = vector.broadcast %broadcast_in_dim3A_666 : i32 to vector<16xi32>
        %gather3A_668 = tpu.vector_load_idx %arg12[%broadcast_in_dim3A_648, %iota3A, %broadcast_in_dim3A_667, %and3A_639] : memref<2x16x8x128xf32, #tpu.memory_space<vmem>>[vector<16xi32>, vector<16xi32>, vector<16xi32>, vector<16xi32>], vector<16xf32>,
        %gather3A_669 = tpu.vector_load_idx %arg13[%broadcast_in_dim3A_648, %iota3A, %broadcast_in_dim3A_667, %and3A_644] : memref<2x16x8x128xf32, #tpu.memory_space<vmem>>[vector<16xi32>, vector<16xi32>, vector<16xi32>, vector<16xi32>], vector<16xf32>,
        %mul3A_670 = arith.mulf %gather3A_668, %gather3A_669 : vector<16xf32>
        %add3A_671 = arith.addf %add3A_665, %mul3A_670 : vector<16xf32>
        %broadcast_in_dim3A_672 = arith.constant 4 : i32
        %broadcast_in_dim3A_673 = vector.broadcast %broadcast_in_dim3A_672 : i32 to vector<16xi32>
        %gather3A_674 = tpu.vector_load_idx %arg12[%broadcast_in_dim3A_648, %iota3A, %broadcast_in_dim3A_673, %and3A_639] : memref<2x16x8x128xf32, #tpu.memory_space<vmem>>[vector<16xi32>, vector<16xi32>, vector<16xi32>, vector<16xi32>], vector<16xf32>,
        %gather3A_675 = tpu.vector_load_idx %arg13[%broadcast_in_dim3A_648, %iota3A, %broadcast_in_dim3A_673, %and3A_644] : memref<2x16x8x128xf32, #tpu.memory_space<vmem>>[vector<16xi32>, vector<16xi32>, vector<16xi32>, vector<16xi32>], vector<16xf32>,
        %mul3A_676 = arith.mulf %gather3A_674, %gather3A_675 : vector<16xf32>
        %add3A_677 = arith.addf %add3A_671, %mul3A_676 : vector<16xf32>
        %broadcast_in_dim3A_678 = arith.constant 5 : i32
        %broadcast_in_dim3A_679 = vector.broadcast %broadcast_in_dim3A_678 : i32 to vector<16xi32>
        %gather3A_680 = tpu.vector_load_idx %arg12[%broadcast_in_dim3A_648, %iota3A, %broadcast_in_dim3A_679, %and3A_639] : memref<2x16x8x128xf32, #tpu.memory_space<vmem>>[vector<16xi32>, vector<16xi32>, vector<16xi32>, vector<16xi32>], vector<16xf32>,
        %gather3A_681 = tpu.vector_load_idx %arg13[%broadcast_in_dim3A_648, %iota3A, %broadcast_in_dim3A_679, %and3A_644] : memref<2x16x8x128xf32, #tpu.memory_space<vmem>>[vector<16xi32>, vector<16xi32>, vector<16xi32>, vector<16xi32>], vector<16xf32>,
        %mul3A_682 = arith.mulf %gather3A_680, %gather3A_681 : vector<16xf32>
        %add3A_683 = arith.addf %add3A_677, %mul3A_682 : vector<16xf32>
        %broadcast_in_dim3A_684 = arith.constant 6 : i32
        %broadcast_in_dim3A_685 = vector.broadcast %broadcast_in_dim3A_684 : i32 to vector<16xi32>
        %gather3A_686 = tpu.vector_load_idx %arg12[%broadcast_in_dim3A_648, %iota3A, %broadcast_in_dim3A_685, %and3A_639] : memref<2x16x8x128xf32, #tpu.memory_space<vmem>>[vector<16xi32>, vector<16xi32>, vector<16xi32>, vector<16xi32>], vector<16xf32>,
        %gather3A_687 = tpu.vector_load_idx %arg13[%broadcast_in_dim3A_648, %iota3A, %broadcast_in_dim3A_685, %and3A_644] : memref<2x16x8x128xf32, #tpu.memory_space<vmem>>[vector<16xi32>, vector<16xi32>, vector<16xi32>, vector<16xi32>], vector<16xf32>,
        %mul3A_688 = arith.mulf %gather3A_686, %gather3A_687 : vector<16xf32>
        %add3A_689 = arith.addf %add3A_683, %mul3A_688 : vector<16xf32>
        %broadcast_in_dim3A_690 = arith.constant 7 : i32
        %broadcast_in_dim3A_691 = vector.broadcast %broadcast_in_dim3A_690 : i32 to vector<16xi32>
        %gather3A_692 = tpu.vector_load_idx %arg12[%broadcast_in_dim3A_648, %iota3A, %broadcast_in_dim3A_691, %and3A_639] : memref<2x16x8x128xf32, #tpu.memory_space<vmem>>[vector<16xi32>, vector<16xi32>, vector<16xi32>, vector<16xi32>], vector<16xf32>,
        %gather3A_693 = tpu.vector_load_idx %arg13[%broadcast_in_dim3A_648, %iota3A, %broadcast_in_dim3A_691, %and3A_644] : memref<2x16x8x128xf32, #tpu.memory_space<vmem>>[vector<16xi32>, vector<16xi32>, vector<16xi32>, vector<16xi32>], vector<16xf32>,
        %mul3A_694 = arith.mulf %gather3A_692, %gather3A_693 : vector<16xf32>
        %add3A_695 = arith.addf %add3A_689, %mul3A_694 : vector<16xf32>
        %swap3A = arith.index_cast %mul3A_634 : i32 to index
        %swap3A_696 = tpu.vector_load %arg17[%swap3A] {strides = array<i32>} : memref<512xf32, #tpu.memory_space<vmem>>, vector<16xf32>,
        tpu.vector_store %arg17[%swap3A], %add3A_695 {strides = array<i32>} : memref<512xf32, #tpu.memory_space<vmem>>, vector<16xf32>,
      } else {
      }
      %eq3A_588 = arith.constant 1 : i32
      %eq3A_589 = arith.cmpi eq, %rem3A_579, %eq3A_588 : i32
      %convert_element_type3A_590 = arith.extui %eq3A_589 : i1 to i32
      %cond3A_591 = arith.constant 0 : i32
      %cond3A_592 = arith.cmpi ne, %convert_element_type3A_590, %cond3A_591 : i32
      scf.if %cond3A_592 {
        %scan3A_593 = arith.constant 0 : i32
        %scan3A_594 = arith.constant 0 : i32
        %scan3A_595 = arith.constant 16 : i32
        %scan3A_596 = arith.addi %scan3A_594, %scan3A_595 : i32
        %scan3A_597 = arith.constant 1 : i32
        scf.for %scan3A_697 = %scan3A_594 to %scan3A_596 step %scan3A_597  : i32 {
          %dma_wait3A_698 = arith.constant 1 : i32
          %dma_wait3A_699 = arith.constant 0 : i32
          %dma_wait3A_700 = arith.constant 0 : i32
          %dma_wait3A_701 = tpu.memref_slice %arg12[%dma_wait3A_698, %scan3A_697, %dma_wait3A_699, %dma_wait3A_700] : memref<2x16x8x128xf32, #tpu.memory_space<vmem>> -> memref<1x1x8x128xf32, #tpu.memory_space<vmem>>
          %dma_wait3A_702 = tpu.memref_squeeze %dma_wait3A_701 : memref<1x1x8x128xf32, #tpu.memory_space<vmem>> -> memref<8x128xf32, #tpu.memory_space<vmem>>
          %dma_wait3A_703 = arith.constant 0 : i32
          %dma_wait3A_704 = arith.constant 0 : i32
          %dma_wait3A_705 = tpu.memref_slice %arg4[%dma_wait3A_703, %dma_wait3A_704] : memref<32x1000000xf32, #tpu.memory_space<hbm>> -> memref<8x128xf32, #tpu.memory_space<hbm>>
          %dma_wait3A_706 = arith.constant 0 : i32
          %dma_wait3A_707 = arith.constant 0 : i32
          %dma_wait3A_708 = tpu.memref_slice %arg12[%dma_wait3A_698, %scan3A_697, %dma_wait3A_706, %dma_wait3A_707] : memref<2x16x8x128xf32, #tpu.memory_space<vmem>> -> memref<1x1x8x128xf32, #tpu.memory_space<vmem>>
          %dma_wait3A_709 = tpu.memref_squeeze %dma_wait3A_708 : memref<1x1x8x128xf32, #tpu.memory_space<vmem>> -> memref<8x128xf32, #tpu.memory_space<vmem>>
          %dma_wait3A_710 = arith.constant 0 : i32
          %dma_wait3A_711 = arith.constant 0 : i32
          %dma_wait3A_712 = tpu.memref_slice %arg4[%dma_wait3A_710, %dma_wait3A_711] : memref<32x1000000xf32, #tpu.memory_space<hbm>> -> memref<8x128xf32, #tpu.memory_space<hbm>>
          tpu.wait_dma2 semaphore(%arg19 : memref<!tpu.dma_semaphore, #tpu.memory_space<semaphore_mem>>) src(%dma_wait3A_712 : memref<8x128xf32, #tpu.memory_space<hbm>>) dst(%dma_wait3A_709 : memref<8x128xf32, #tpu.memory_space<vmem>>)
          %dma_wait3A_713 = arith.constant 1 : i32
          %dma_wait3A_714 = arith.constant 0 : i32
          %dma_wait3A_715 = arith.constant 0 : i32
          %dma_wait3A_716 = tpu.memref_slice %arg13[%dma_wait3A_713, %scan3A_697, %dma_wait3A_714, %dma_wait3A_715] : memref<2x16x8x128xf32, #tpu.memory_space<vmem>> -> memref<1x1x8x128xf32, #tpu.memory_space<vmem>>
          %dma_wait3A_717 = tpu.memref_squeeze %dma_wait3A_716 : memref<1x1x8x128xf32, #tpu.memory_space<vmem>> -> memref<8x128xf32, #tpu.memory_space<vmem>>
          %dma_wait3A_718 = arith.constant 0 : i32
          %dma_wait3A_719 = arith.constant 0 : i32
          %dma_wait3A_720 = tpu.memref_slice %arg5[%dma_wait3A_718, %dma_wait3A_719] : memref<32x1000000xf32, #tpu.memory_space<hbm>> -> memref<8x128xf32, #tpu.memory_space<hbm>>
          %dma_wait3A_721 = arith.constant 0 : i32
          %dma_wait3A_722 = arith.constant 0 : i32
          %dma_wait3A_723 = tpu.memref_slice %arg13[%dma_wait3A_713, %scan3A_697, %dma_wait3A_721, %dma_wait3A_722] : memref<2x16x8x128xf32, #tpu.memory_space<vmem>> -> memref<1x1x8x128xf32, #tpu.memory_space<vmem>>
          %dma_wait3A_724 = tpu.memref_squeeze %dma_wait3A_723 : memref<1x1x8x128xf32, #tpu.memory_space<vmem>> -> memref<8x128xf32, #tpu.memory_space<vmem>>
          %dma_wait3A_725 = arith.constant 0 : i32
          %dma_wait3A_726 = arith.constant 0 : i32
          %dma_wait3A_727 = tpu.memref_slice %arg5[%dma_wait3A_725, %dma_wait3A_726] : memref<32x1000000xf32, #tpu.memory_space<hbm>> -> memref<8x128xf32, #tpu.memory_space<hbm>>
          tpu.wait_dma2 semaphore(%arg19 : memref<!tpu.dma_semaphore, #tpu.memory_space<semaphore_mem>>) src(%dma_wait3A_727 : memref<8x128xf32, #tpu.memory_space<hbm>>) dst(%dma_wait3A_724 : memref<8x128xf32, #tpu.memory_space<vmem>>)
        }
        %scan3A_598 = arith.constant 16 : i32
        %jit3A = arith.constant 4 : i32
        %div3A = arith.divsi %scan3A_578, %jit3A : i32
        %sign3A = arith.constant 0 : i32
        %sign3A_599 = arith.cmpi sgt, %scan3A_578, %sign3A : i32
        %sign3A_600 = arith.extui %sign3A_599 : i1 to i32
        %sign3A_601 = arith.constant 0 : i32
        %sign3A_602 = arith.cmpi slt, %scan3A_578, %sign3A_601 : i32
        %sign3A_603 = arith.extui %sign3A_602 : i1 to i32
        %sign3A_604 = arith.subi %sign3A_600, %sign3A_603 : i32
        %sign3A_605 = arith.constant 0 : i32
        %sign3A_606 = arith.cmpi sgt, %jit3A, %sign3A_605 : i32
        %sign3A_607 = arith.extui %sign3A_606 : i1 to i32
        %sign3A_608 = arith.constant 0 : i32
        %sign3A_609 = arith.cmpi slt, %jit3A, %sign3A_608 : i32
        %sign3A_610 = arith.extui %sign3A_609 : i1 to i32
        %sign3A_611 = arith.subi %sign3A_607, %sign3A_610 : i32
        %ne3A = arith.cmpi ne, %sign3A_604, %sign3A_611 : i32
        %rem3A_612 = arith.remsi %scan3A_578, %jit3A : i32
        %ne3A_613 = arith.constant 0 : i32
        %ne3A_614 = arith.cmpi ne, %rem3A_612, %ne3A_613 : i32
        %and3A_615 = arith.andi %ne3A, %ne3A_614 : i1
        %sub3A = arith.constant 1 : i32
        %sub3A_616 = arith.subi %div3A, %sub3A : i32
        %select_n3A = arith.select %and3A_615, %sub3A_616, %div3A : i32
        %jit3A_617 = arith.constant 4 : i32
        %eq3A_618 = arith.constant 0 : i32
        %eq3A_619 = arith.cmpi eq, %jit3A_617, %eq3A_618 : i32
        %jit3A_620 = arith.constant 1 : i32
        %select_n3A_621 = arith.select %eq3A_619, %jit3A_620, %jit3A_617 : i32
        %rem3A_622 = arith.remsi %scan3A_578, %select_n3A_621 : i32
        %ne3A_623 = arith.constant 0 : i32
        %ne3A_624 = arith.cmpi ne, %rem3A_622, %ne3A_623 : i32
        %lt3A_625 = arith.constant 0 : i32
        %lt3A_626 = arith.cmpi slt, %rem3A_622, %lt3A_625 : i32
        %lt3A_627 = arith.constant 0 : i32
        %lt3A_628 = arith.cmpi slt, %select_n3A_621, %lt3A_627 : i32
        %ne3A_629 = arith.xori %lt3A_626, %lt3A_628 : i1
        %and3A_630 = arith.andi %ne3A_629, %ne3A_624 : i1
        %add3A_631 = arith.addi %rem3A_622, %select_n3A_621 : i32
        %select_n3A_632 = arith.select %and3A_630, %add3A_631, %rem3A_622 : i32
        %mul3A_633 = arith.constant 16 : i32
        %mul3A_634 = arith.muli %select_n3A, %mul3A_633 : i32
        %get3A_635 = arith.index_cast %mul3A_634 : i32 to index
        %get3A_636 = tpu.vector_load %arg10[%get3A_635] {strides = array<i32>} : memref<512xi32, #tpu.memory_space<vmem>>, vector<16xi32>,
        %and3A_637 = arith.constant 127 : i32
        %and3A_638 = vector.broadcast %and3A_637 : i32 to vector<16xi32>
        %and3A_639 = arith.andi %get3A_636, %and3A_638 : vector<16xi32>
        %get3A_640 = arith.index_cast %mul3A_634 : i32 to index
        %get3A_641 = tpu.vector_load %arg11[%get3A_640] {strides = array<i32>} : memref<512xi32, #tpu.memory_space<vmem>>, vector<16xi32>,
        %and3A_642 = arith.constant 127 : i32
        %and3A_643 = vector.broadcast %and3A_642 : i32 to vector<16xi32>
        %and3A_644 = arith.andi %get3A_641, %and3A_643 : vector<16xi32>
        %get3A_645 = arith.index_cast %mul3A_634 : i32 to index
        %get3A_646 = tpu.vector_load %arg17[%get3A_645] {strides = array<i32>} : memref<512xf32, #tpu.memory_space<vmem>>, vector<16xf32>,
        %broadcast_in_dim3A_647 = arith.constant 1 : i32
        %broadcast_in_dim3A_648 = vector.broadcast %broadcast_in_dim3A_647 : i32 to vector<16xi32>
        %broadcast_in_dim3A_649 = arith.constant 0 : i32
        %broadcast_in_dim3A_650 = vector.broadcast %broadcast_in_dim3A_649 : i32 to vector<16xi32>
        %gather3A = tpu.vector_load_idx %arg12[%broadcast_in_dim3A_648, %iota3A, %broadcast_in_dim3A_650, %and3A_639] : memref<2x16x8x128xf32, #tpu.memory_space<vmem>>[vector<16xi32>, vector<16xi32>, vector<16xi32>, vector<16xi32>], vector<16xf32>,
        %gather3A_651 = tpu.vector_load_idx %arg13[%broadcast_in_dim3A_648, %iota3A, %broadcast_in_dim3A_650, %and3A_644] : memref<2x16x8x128xf32, #tpu.memory_space<vmem>>[vector<16xi32>, vector<16xi32>, vector<16xi32>, vector<16xi32>], vector<16xf32>,
        %mul3A_652 = arith.mulf %gather3A, %gather3A_651 : vector<16xf32>
        %add3A_653 = arith.addf %get3A_646, %mul3A_652 : vector<16xf32>
        %broadcast_in_dim3A_654 = arith.constant 1 : i32
        %broadcast_in_dim3A_655 = vector.broadcast %broadcast_in_dim3A_654 : i32 to vector<16xi32>
        %gather3A_656 = tpu.vector_load_idx %arg12[%broadcast_in_dim3A_648, %iota3A, %broadcast_in_dim3A_655, %and3A_639] : memref<2x16x8x128xf32, #tpu.memory_space<vmem>>[vector<16xi32>, vector<16xi32>, vector<16xi32>, vector<16xi32>], vector<16xf32>,
        %gather3A_657 = tpu.vector_load_idx %arg13[%broadcast_in_dim3A_648, %iota3A, %broadcast_in_dim3A_655, %and3A_644] : memref<2x16x8x128xf32, #tpu.memory_space<vmem>>[vector<16xi32>, vector<16xi32>, vector<16xi32>, vector<16xi32>], vector<16xf32>,
        %mul3A_658 = arith.mulf %gather3A_656, %gather3A_657 : vector<16xf32>
        %add3A_659 = arith.addf %add3A_653, %mul3A_658 : vector<16xf32>
        %broadcast_in_dim3A_660 = arith.constant 2 : i32
        %broadcast_in_dim3A_661 = vector.broadcast %broadcast_in_dim3A_660 : i32 to vector<16xi32>
        %gather3A_662 = tpu.vector_load_idx %arg12[%broadcast_in_dim3A_648, %iota3A, %broadcast_in_dim3A_661, %and3A_639] : memref<2x16x8x128xf32, #tpu.memory_space<vmem>>[vector<16xi32>, vector<16xi32>, vector<16xi32>, vector<16xi32>], vector<16xf32>,
        %gather3A_663 = tpu.vector_load_idx %arg13[%broadcast_in_dim3A_648, %iota3A, %broadcast_in_dim3A_661, %and3A_644] : memref<2x16x8x128xf32, #tpu.memory_space<vmem>>[vector<16xi32>, vector<16xi32>, vector<16xi32>, vector<16xi32>], vector<16xf32>,
        %mul3A_664 = arith.mulf %gather3A_662, %gather3A_663 : vector<16xf32>
        %add3A_665 = arith.addf %add3A_659, %mul3A_664 : vector<16xf32>
        %broadcast_in_dim3A_666 = arith.constant 3 : i32
        %broadcast_in_dim3A_667 = vector.broadcast %broadcast_in_dim3A_666 : i32 to vector<16xi32>
        %gather3A_668 = tpu.vector_load_idx %arg12[%broadcast_in_dim3A_648, %iota3A, %broadcast_in_dim3A_667, %and3A_639] : memref<2x16x8x128xf32, #tpu.memory_space<vmem>>[vector<16xi32>, vector<16xi32>, vector<16xi32>, vector<16xi32>], vector<16xf32>,
        %gather3A_669 = tpu.vector_load_idx %arg13[%broadcast_in_dim3A_648, %iota3A, %broadcast_in_dim3A_667, %and3A_644] : memref<2x16x8x128xf32, #tpu.memory_space<vmem>>[vector<16xi32>, vector<16xi32>, vector<16xi32>, vector<16xi32>], vector<16xf32>,
        %mul3A_670 = arith.mulf %gather3A_668, %gather3A_669 : vector<16xf32>
        %add3A_671 = arith.addf %add3A_665, %mul3A_670 : vector<16xf32>
        %broadcast_in_dim3A_672 = arith.constant 4 : i32
        %broadcast_in_dim3A_673 = vector.broadcast %broadcast_in_dim3A_672 : i32 to vector<16xi32>
        %gather3A_674 = tpu.vector_load_idx %arg12[%broadcast_in_dim3A_648, %iota3A, %broadcast_in_dim3A_673, %and3A_639] : memref<2x16x8x128xf32, #tpu.memory_space<vmem>>[vector<16xi32>, vector<16xi32>, vector<16xi32>, vector<16xi32>], vector<16xf32>,
        %gather3A_675 = tpu.vector_load_idx %arg13[%broadcast_in_dim3A_648, %iota3A, %broadcast_in_dim3A_673, %and3A_644] : memref<2x16x8x128xf32, #tpu.memory_space<vmem>>[vector<16xi32>, vector<16xi32>, vector<16xi32>, vector<16xi32>], vector<16xf32>,
        %mul3A_676 = arith.mulf %gather3A_674, %gather3A_675 : vector<16xf32>
        %add3A_677 = arith.addf %add3A_671, %mul3A_676 : vector<16xf32>
        %broadcast_in_dim3A_678 = arith.constant 5 : i32
        %broadcast_in_dim3A_679 = vector.broadcast %broadcast_in_dim3A_678 : i32 to vector<16xi32>
        %gather3A_680 = tpu.vector_load_idx %arg12[%broadcast_in_dim3A_648, %iota3A, %broadcast_in_dim3A_679, %and3A_639] : memref<2x16x8x128xf32, #tpu.memory_space<vmem>>[vector<16xi32>, vector<16xi32>, vector<16xi32>, vector<16xi32>], vector<16xf32>,
        %gather3A_681 = tpu.vector_load_idx %arg13[%broadcast_in_dim3A_648, %iota3A, %broadcast_in_dim3A_679, %and3A_644] : memref<2x16x8x128xf32, #tpu.memory_space<vmem>>[vector<16xi32>, vector<16xi32>, vector<16xi32>, vector<16xi32>], vector<16xf32>,
        %mul3A_682 = arith.mulf %gather3A_680, %gather3A_681 : vector<16xf32>
        %add3A_683 = arith.addf %add3A_677, %mul3A_682 : vector<16xf32>
        %broadcast_in_dim3A_684 = arith.constant 6 : i32
        %broadcast_in_dim3A_685 = vector.broadcast %broadcast_in_dim3A_684 : i32 to vector<16xi32>
        %gather3A_686 = tpu.vector_load_idx %arg12[%broadcast_in_dim3A_648, %iota3A, %broadcast_in_dim3A_685, %and3A_639] : memref<2x16x8x128xf32, #tpu.memory_space<vmem>>[vector<16xi32>, vector<16xi32>, vector<16xi32>, vector<16xi32>], vector<16xf32>,
        %gather3A_687 = tpu.vector_load_idx %arg13[%broadcast_in_dim3A_648, %iota3A, %broadcast_in_dim3A_685, %and3A_644] : memref<2x16x8x128xf32, #tpu.memory_space<vmem>>[vector<16xi32>, vector<16xi32>, vector<16xi32>, vector<16xi32>], vector<16xf32>,
        %mul3A_688 = arith.mulf %gather3A_686, %gather3A_687 : vector<16xf32>
        %add3A_689 = arith.addf %add3A_683, %mul3A_688 : vector<16xf32>
        %broadcast_in_dim3A_690 = arith.constant 7 : i32
        %broadcast_in_dim3A_691 = vector.broadcast %broadcast_in_dim3A_690 : i32 to vector<16xi32>
        %gather3A_692 = tpu.vector_load_idx %arg12[%broadcast_in_dim3A_648, %iota3A, %broadcast_in_dim3A_691, %and3A_639] : memref<2x16x8x128xf32, #tpu.memory_space<vmem>>[vector<16xi32>, vector<16xi32>, vector<16xi32>, vector<16xi32>], vector<16xf32>,
        %gather3A_693 = tpu.vector_load_idx %arg13[%broadcast_in_dim3A_648, %iota3A, %broadcast_in_dim3A_691, %and3A_644] : memref<2x16x8x128xf32, #tpu.memory_space<vmem>>[vector<16xi32>, vector<16xi32>, vector<16xi32>, vector<16xi32>], vector<16xf32>,
        %mul3A_694 = arith.mulf %gather3A_692, %gather3A_693 : vector<16xf32>
        %add3A_695 = arith.addf %add3A_689, %mul3A_694 : vector<16xf32>
        %swap3A = arith.index_cast %mul3A_634 : i32 to index
        %swap3A_696 = tpu.vector_load %arg17[%swap3A] {strides = array<i32>} : memref<512xf32, #tpu.memory_space<vmem>>, vector<16xf32>,
        tpu.vector_store %arg17[%swap3A], %add3A_695 {strides = array<i32>} : memref<512xf32, #tpu.memory_space<vmem>>, vector<16xf32>,
      } else {
      }
    }
    %scan3A_566 = arith.constant 128 : i32
    %dma_wait3A = arith.constant 0 : i32
    %dma_wait3A_567 = tpu.memref_slice %arg6[%dma_wait3A] : memref<1000000xf32, #tpu.memory_space<hbm>> -> memref<1000000xf32, #tpu.memory_space<hbm>>
    tpu.wait_indirect_dma semaphore(%arg20 : memref<!tpu.dma_semaphore, #tpu.memory_space<semaphore_mem>>) src(%dma_wait3A_567 : memref<1000000xf32, #tpu.memory_space<hbm>>) dst(%arg14 : memref<512xf32, #tpu.memory_space<vmem>>)
    %dma_wait3A_568 = arith.constant 0 : i32
    %dma_wait3A_569 = tpu.memref_slice %arg7[%dma_wait3A_568] : memref<1000000xf32, #tpu.memory_space<hbm>> -> memref<1000000xf32, #tpu.memory_space<hbm>>
    tpu.wait_indirect_dma semaphore(%arg20 : memref<!tpu.dma_semaphore, #tpu.memory_space<semaphore_mem>>) src(%dma_wait3A_569 : memref<1000000xf32, #tpu.memory_space<hbm>>) dst(%arg15 : memref<512xf32, #tpu.memory_space<vmem>>)
    %get3A_570 = arith.constant 0 : index
    %get3A_571 = tpu.vector_load %arg16[%get3A_570] {strides = array<i32>} : memref<16xf32, #tpu.memory_space<vmem>>, vector<16xf32>,
    %scan3A_572 = arith.constant 0 : i32
    %scan3A_573 = arith.constant 0 : i32
    %scan3A_574 = arith.constant 32 : i32
    %scan3A_575 = arith.addi %scan3A_573, %scan3A_574 : i32
    %scan3A_576 = arith.constant 1 : i32
    scf.for %scan3A_578 = %scan3A_573 to %scan3A_575 step %scan3A_576  : i32 {
      %mul3A_579 = arith.constant 16 : i32
      %mul3A_580 = arith.muli %scan3A_578, %mul3A_579 : i32
      %get3A_581 = arith.index_cast %mul3A_580 : i32 to index
      %get3A_582 = tpu.vector_load %arg17[%get3A_581] {strides = array<i32>} : memref<512xf32, #tpu.memory_space<vmem>>, vector<16xf32>,
      %add3A_583 = arith.addf %get3A_582, %get3A_571 : vector<16xf32>
      %get3A_584 = arith.index_cast %mul3A_580 : i32 to index
      %get3A_585 = tpu.vector_load %arg14[%get3A_584] {strides = array<i32>} : memref<512xf32, #tpu.memory_space<vmem>>, vector<16xf32>,
      %add3A_586 = arith.addf %add3A_583, %get3A_585 : vector<16xf32>
      %get3A_587 = arith.index_cast %mul3A_580 : i32 to index
      %get3A_588 = tpu.vector_load %arg15[%get3A_587] {strides = array<i32>} : memref<512xf32, #tpu.memory_space<vmem>>, vector<16xf32>,
      %add3A_589 = arith.addf %add3A_586, %get3A_588 : vector<16xf32>
      %swap3A = arith.index_cast %mul3A_580 : i32 to index
      %swap3A_590 = tpu.vector_load %arg17[%swap3A] {strides = array<i32>} : memref<512xf32, #tpu.memory_space<vmem>>, vector<16xf32>,
      tpu.vector_store %arg17[%swap3A], %add3A_589 {strides = array<i32>} : memref<512xf32, #tpu.memory_space<vmem>>, vector<16xf32>,
    }
    %scan3A_577 = arith.constant 32 : i32
    "tpu.region"() ({
      %run_scoped3A = tpu.sem_alloc : memref<!tpu.dma_semaphore, #tpu.memory_space<semaphore_mem>>
      %dma_start3A_578 = tpu.memref_slice %arg9[%mul3A_2] : memref<16384xf32, #tpu.memory_space<hbm>> -> memref<512xf32, #tpu.memory_space<hbm>>
      %dma_start3A_579 = tpu.memref_slice %arg9[%mul3A_2] : memref<16384xf32, #tpu.memory_space<hbm>> -> memref<512xf32, #tpu.memory_space<hbm>>
      tpu.enqueue_dma source(%arg17 : memref<512xf32, #tpu.memory_space<vmem>>) target(%dma_start3A_579 : memref<512xf32, #tpu.memory_space<hbm>>) target_semaphore(%run_scoped3A : memref<!tpu.dma_semaphore, #tpu.memory_space<semaphore_mem>>)
      %dma_wait3A_580 = tpu.memref_slice %arg9[%mul3A_2] : memref<16384xf32, #tpu.memory_space<hbm>> -> memref<512xf32, #tpu.memory_space<hbm>>
      %dma_wait3A_581 = tpu.memref_slice %arg9[%mul3A_2] : memref<16384xf32, #tpu.memory_space<hbm>> -> memref<512xf32, #tpu.memory_space<hbm>>
      tpu.wait_dma2 semaphore(%run_scoped3A : memref<!tpu.dma_semaphore, #tpu.memory_space<semaphore_mem>>) src(%arg17 : memref<512xf32, #tpu.memory_space<vmem>>) dst(%dma_wait3A_581 : memref<512xf32, #tpu.memory_space<hbm>>)
      tpu.yield
    }) : () -> ()
    return
  }
}

</mosaic_0001>

<sc_bundles>
// kernel: kernel.3.cloned.1.call-start
scs
__scs_entry_jumppad:
0x0: {  	(pc) =	sbr.rel $0x88, $3  }
0x1: {  	(tag) =	ssettag $0x0;
	lr =	simm.s32 $0x1  }
0x2: {  	[smem:$0x3F9A] =	sst lr;
	_ =	strace $0xD0000000  }
0x3: {  	_ = 	snop  }
0x4: {  	_ = 	snop  }
0x5: {  	_ = 	snop  }
0x6: {  	_ = 	snop  }
0x7: {  	_ = 	snop  }
__scs_overlays_trampoline_lowered:
0x8: {  	[smem:$0x3FA9] =	sst s0  }
0x9: {  	[smem:$0x3FAA] =	sst s1  }
0xa: {  	[smem:$0x3FAB] =	sst s2  }
0xb: {  	[smem:$0x3FAC] =	sst s3  }
0xc: {  	[smem:$0x3FAD] =	sst s4  }
0xd: {  	[smem:$0x3FAE] =	sst s5  }
0xe: {  	[smem:$0x3FAF] =	sst s6  }
0xf: {  	[smem:$0x3FB0] =	sst s7  }
0x10: {  	[smem:$0x3FB1] =	sst s8  }
0x11: {  	[smem:$0x3FB2] =	sst s9;
	s0 =	simm.s32 @!p0 $0x0  }
0x12: {  	s1 =	sld [smem:$0x3F98];
	s0 =	simm.s32 @p0 $0x1  }
0x13: {  	[smem:$0x3FB3] =	sst s0;
	s0 =	simm.s32 @!p1 $0x0  }
0x14: {  	s2 =	sld [smem:$0x3F97];
	s0 =	simm.s32 @p1 $0x1  }
0x15: {  	[smem:$0x3FB4] =	sst s0;
	s0 =	simm.s32 @!p2 $0x0  }
0x16: {  	s3 =	sld [smem:$0x3FDB];
	s0 =	simm.s32 @p2 $0x1  }
0x17: {  	s4 =	simm.s32 $0x1BF5;
	[smem:$0x3FB6] =	sst s0  }
0x18: {  	s0 =	sld [smem:$0x3F99];
	_ =	swait.ge [sflag:s4], $0x0  }
0x19: {  	s7 =	sld [smem:$0x3F9A]  }
0x1a: {  	s8 =	sadd.s32 $0xFFFFE003, lr  }
0x1b: {  	s9 =	sadd.s32 $0xFFFFFEF7, lr;
	s5 =	simm.s32 $0xFFFFFFFF;
	p2 =	slt.u32 s8, $0xFFFFF086  }
0x1c: {  	p1 =	slt.u32 s9, $0xF7A;
	s5 =	simm.s32 @!p2 $0x0  }
0x1d: {  	s5 =	simm.s32 @p1 $0x1;
	p0 =	seq.s32 s7, s2  }
0x1e: {  	s7 =	smul.u32 @!p0 $0xF7A, s2;
	p2 =	seq.s32 @!p0 s5, $0x0  }
0x1f: {  	s9 =	smul.u32 $0xF7A, s1;
	s8 =	simm.s32 @!p0 $0x1BF5;
	p2 =	por !p2, p0  }
0x20: {  	[sflag:s8] =	ssyncset.s32 @!p0 $0xFFFFF086;
	s6 =	sadd.s32 @!p0 s3, s7;
	s7 =	simm.s32 @!p0 $0x108  }
0x21: {  	s3 =	sadd.s32 s3, s9;
	s6 =	sadd.s32 @!p0 $0x88, s6;
	s7 =	simm.s32 @p2 $0x1082  }
0x22: {  	[simem:s7], [sflag:s8] =	dma.local @!p0 [hbm:s6], $0xF7A  }
0x23: {  	s9 =	sor.u32 $0xD0000000, s2;
	s6 =	simm.s32 $0x108;
	_ =	swait.ge @!p0 [sflag:s8], $0x0  }
0x24: {  	s3 =	sadd.s32 $0x88, s3;
	s6 =	simm.s32 @!p1 $0x1082;
	[sflag:s4] =	ssyncset.s32 $0xFFFFF086  }
0x25: {  	[simem:s6], [sflag:s4] =	dma.local [hbm:s3], $0xF7A  }
0x26: {  	[smem:$0x3F9A] =	sst s1;
	(tag) =	ssettag s2;
	_ =	strace s9  }
0x27: {  	s1 =	sld [smem:$0x3FAA]  }
0x28: {  	s2 =	sld [smem:$0x3FAB]  }
0x29: {  	s4 =	sld [smem:$0x3FAD]  }
0x2a: {  	p0 =	seq.s32 s5, $0x0;
	s5 =	sld [smem:$0x3FAE]  }
0x2b: {  	s6 =	sld [smem:$0x3FAF]  }
0x2c: {  	s7 =	sld [smem:$0x3FB0]  }
0x2d: {  	s3 =	simm.s32 $0x108;
	s8 =	sld [smem:$0x3FB1]  }
0x2e: {  	s3 =	simm.s32 @!p0 $0x1082;
	s9 =	sld [smem:$0x3FB2]  }
0x2f: {  	lr =	sadd.s32 s0, s3;
	s0 =	sld [smem:$0x3FA9]  }
0x30: {  	s3 =	sld [smem:$0x3FAC]  }
0x31: {  	[smem:$0x3FB5] =	sst s10  }
0x32: {  	s10 =	sld [smem:$0x3FB3];
	_ =	sdelay $0x3  }
0x33: {  	p0 =	seq.s32 s10, $0x1;
	s10 =	sld [smem:$0x3FB5];
	_ =	sdelay $0x3  }
0x34: {  	[smem:$0x3FB5] =	sst s10  }
0x35: {  	s10 =	sld [smem:$0x3FB4];
	_ =	sdelay $0x3  }
0x36: {  	p1 =	seq.s32 s10, $0x1;
	s10 =	sld [smem:$0x3FB5];
	_ =	sdelay $0x3  }
0x37: {  	[smem:$0x3FB5] =	sst s10  }
0x38: {  	s10 =	sld [smem:$0x3FB6]  }
0x39: {  	_ = 	snop;
	(pc) =	sbr.ind lr, $3  }
0x3a: {  	_ = 	snop  }
0x3b: {  	_ = 	snop  }
0x3c: {  	p2 =	seq.s32 s10, $0x1;
	s10 =	sld [smem:$0x3FB5]  }
0x3d: {  	_ =	shalt  }
0x3e: {  	_ =	shalt  }
0x3f: {  	_ =	shalt  }
0x40: {  	_ =	shalt  }
0x41: {  	_ =	shalt  }
0x42: {  	_ =	shalt  }
0x43: {  	_ =	shalt  }
0x44: {  	_ =	shalt  }
0x45: {  	_ =	shalt  }
0x46: {  	_ =	shalt  }
0x47: {  	_ =	shalt  }
0x48: {  	_ =	shalt  }
0x49: {  	_ =	shalt  }
0x4a: {  	_ =	shalt  }
0x4b: {  	_ =	shalt  }
0x4c: {  	_ =	shalt  }
0x4d: {  	_ =	shalt  }
0x4e: {  	_ =	shalt  }
0x4f: {  	_ =	shalt  }
0x50: {  	_ =	shalt  }
0x51: {  	_ =	shalt  }
0x52: {  	_ =	shalt  }
0x53: {  	_ =	shalt  }
0x54: {  	_ =	shalt  }
0x55: {  	_ =	shalt  }
0x56: {  	_ =	shalt  }
0x57: {  	_ =	shalt  }
0x58: {  	_ =	shalt  }
0x59: {  	_ =	shalt  }
0x5a: {  	_ =	shalt  }
0x5b: {  	_ =	shalt  }
0x5c: {  	_ =	shalt  }
0x5d: {  	_ =	shalt  }
0x5e: {  	_ =	shalt  }
0x5f: {  	_ =	shalt  }
0x60: {  	_ =	shalt  }
0x61: {  	_ =	shalt  }
0x62: {  	_ =	shalt  }
0x63: {  	_ =	shalt  }
0x64: {  	_ =	shalt  }
0x65: {  	_ =	shalt  }
0x66: {  	_ =	shalt  }
0x67: {  	_ =	shalt  }
0x68: {  	_ =	shalt  }
0x69: {  	_ =	shalt  }
0x6a: {  	_ =	shalt  }
0x6b: {  	_ =	shalt  }
0x6c: {  	_ =	shalt  }
0x6d: {  	_ =	shalt  }
0x6e: {  	_ =	shalt  }
0x6f: {  	_ =	shalt  }
0x70: {  	_ =	shalt  }
0x71: {  	_ =	shalt  }
0x72: {  	_ =	shalt  }
0x73: {  	_ =	shalt  }
0x74: {  	_ =	shalt  }
0x75: {  	_ =	shalt  }
0x76: {  	_ =	shalt  }
0x77: {  	_ =	shalt  }
0x78: {  	_ =	shalt  }
0x79: {  	_ =	shalt  }
0x7a: {  	_ =	shalt  }
0x7b: {  	_ =	shalt  }
0x7c: {  	_ =	shalt  }
0x7d: {  	_ =	shalt  }
0x7e: {  	_ =	shalt  }
0x7f: {  	_ =	shalt  }
0x80: {  	_ =	shalt  }
0x81: {  	_ =	shalt  }
0x82: {  	_ =	shalt  }
0x83: {  	_ =	shalt  }
0x84: {  	_ =	shalt  }
0x85: {  	_ =	shalt  }
0x86: {  	_ =	shalt  }
0x87: {  	_ =	shalt  }
.Lfunc_end0:
.L_simem_size_0:
called_computation_lowered:
.L_overlay_start_0:
0x88: {  	s2 =	sld [smem:$0x3FD9]  }
0x89: {  	s3 =	sld [smem:$0x3FFE];
	_ =	sdelay $0x1  }
0x8a: {  	s1 =	srdreg.scid  }
0x8b: {  	s0 =	sand.u32 $0x1, s1  }
0x8c: {  	s17 =	sshll.u32 s0, $0xA;
	s2 =	sadd.s32 s3, s2  }
0x8d: {  	s2 =	sadd.s32 s2, s17  }
0x8e: {  	[smem:$0x3FC1] =	sst s2  }
0x8f: {  	_ = 	snop  }
0x90: {  	s2 =	sld [smem:$0x3FC9]  }
0x91: {  	s18 =	sld [smem:$0x3FC8]  }
0x92: {  	s4 =	sld [smem:$0x3FC7]  }
0x93: {  	s5 =	sld [smem:$0x3FC6]  }
0x94: {  	s6 =	sld [smem:$0x3FC5]  }
0x95: {  	s7 =	sld [smem:$0x3FC4]  }
0x96: {  	s8 =	sld [smem:$0x3FD0];
	(tm) =	ssettm $0x1  }
0x97: {  	s9 =	sld [smem:$0x3FFB];
	_ =	sdelay $0x3  }
0x98: {  	_ =	strace s9  }
0x99: {  	s9 =	sld [smem:$0x3FFC];
	_ =	sdelay $0x3  }
0x9a: {  	_ =	strace s9  }
0x9b: {  	s9 =	sld [smem:$0x3FFD];
	_ =	sdelay $0x3  }
0x9c: {  	_ =	strace s9  }
0x9d: {  	_ =	strace $0x8FFFFFFF  }
0x9e: {  	s19 =	sld [smem:$0x3FDB];
	_ =	sdelay $0x1  }
0x9f: {  	s10 =	simm.s32 $_scs_section_size  }
0xa0: {  	s11 =	simm.s32 $_size__tile_overlayer_lowered;
	s12 =	simm.s32 $_tile_overlayer_lowered  }
0xa1: {  	s22 =	simm.s32 $0x1BFF;
	s21 =	sshll.u32 s12, $0x1;
	s9 =	sadd.s32 s10, s19  }
0xa2: {  	s13 =	simm.s32 $0x0;
	s20 =	sshll.u32 s11, $0x1;
	s11 =	sadd.s32 s21, s9  }
0xa3: {  	[timem:s13], [sflag:s22] =	dma.local [hbm:s11], s20  }
0xa4: {  	_ =	swait.ge [sflag:s22], s20  }
0xa5: {  	s10 =	ssub.s32 $0x0, s20;
	[sflag:s22] =	ssyncset.done $0x0  }
0xa6: {  	[sflag:s22] =	ssyncadd.s32 s10;
	_ =	sdelay $0x1  }
0xa7: {  	s23 =	simm.s32 $0x1B8B  }
0xa8: {  	_ =	swait.ge [sflag:s23], $0x1  }
0xa9: {  	[sflag:s23] =	ssyncset.done $0x0  }
0xaa: {  	s25 =	simm.s32 $0x1B8E;
	s24 =	sld [smem:$0x3FFE];
	[sflag:s23] =	ssyncadd.s32 $0xFFFFFFFF  }
0xab: {  	s26 =	simm.s32 $execute0_lowered;
	[smem:$0x3FD2] =	sst s25  }
0xac: {  	s11 =	sshll.u32 s26, $0x1;
	_ =	strace $0x80000046;
	[dreg:$0x1] =	wrdreg $0xFFFFFFFF  }
0xad: {  	s28 =	simm.s32 $_size_execute0_lowered;
	s9 =	sadd.s32 s9, s11;
	[dreg:$0x0] =	wrdreg $0x0  }
0xae: {  	s11 =	sshll.u32 s28, $0x1;
	[dreg:$0x2] =	wrdreg s9  }
0xaf: {  	[dreg:$0x3] =	wrdreg s11  }
0xb0: {  	[dreg:$0x4] =	wrdreg $0xC0  }
0xb1: {  	_ =	task [dreg:s13], $0x5FFFF  }
0xb2: {  	[dreg:$0x1] =	wrdreg $0xFFFFFFFF  }
0xb3: {  	[dreg:$0x0] =	wrdreg $0x60  }
0xb4: {  	[dreg:$0x2] =	wrdreg s2  }
0xb5: {  	[dreg:$0x3] =	wrdreg s18  }
0xb6: {  	[dreg:$0x4] =	wrdreg s4  }
0xb7: {  	[dreg:$0x5] =	wrdreg s5  }
0xb8: {  	[dreg:$0x6] =	wrdreg s6  }
0xb9: {  	[dreg:$0x7] =	wrdreg s7  }
0xba: {  	[dreg:$0x8] =	wrdreg s24  }
0xbb: {  	[dreg:$0x9] =	wrdreg s8  }
0xbc: {  	[dreg:$0xa] =	wrdreg $0x9  }
0xbd: {  	_ =	task.clear_ibuf [dreg:s13], $0xBFFFF;
	_ =	strace $0x90000046  }
0xbe: {  	s29 =	simm.s32 $0x9;
	_ =	strace $0x80000048  }
0xbf: {  	_ =	swait.ge [sflag:s29], $0x1  }
0xc0: {  	[sflag:s29] =	ssyncadd.s32 $0xFFFFFFFF  }
0xc1: {  	_ =	strace $0x90000048  }
0xc2: {  	_ =	sfence  }
0xc3: {  	s30 =	sld [smem:$0x0];
	_ =	sdelay $0x2  }
0xc4: {  	s31 =	sshll.u32 s1, $0xD;
	s1 =	sshrl.u32 s1, $0x2  }
0xc5: {  	s3 =	sand.u32 $0x4000, s31;
	s1 =	sadd.s32 s1, s30  }
0xc6: {  	s0 =	sor.u32 s3, s0;
	s1 =	sshll.u32 s1, $0x11  }
0xc7: {  	s0 =	sor.u32 s1, s0  }
0xc8: {  	s0 =	sadd.s32 $0x8F2B, s0  }
0xc9: {  	[sflag:s0] =	ssyncadd.remote.s32 $0x1  }
0xca: {  	_ =	sfence.sel $0xFFFF  }
0xcb: {  	[dreg:$0x0] =	wrdreg $0xFFFFFFFF;
	(pc) =	sbr.abs _section_cstart, $3  }
0xcc: {  	[dreg:$0x1] =	wrdreg $0xFFFFFFFF  }
0xcd: {  	_ =	task.clear_ibuf [dreg:s13], $0x2FFFF;
	_ =	strace $0x9FFFFFFF  }
0xce: {  	(tm) =	ssettm $0x7FFFFFFF  }
0xcf: {  	_ =	shalt  }
tec
execute0_lowered:
.L_overlay_start_1:
0x0: {  	(tag) =	ssettag $0x1  }
0x1: {  	s0 =	rddreg [dreg:$0x0]  }
0x2: {  	s3 =	rddreg [dreg:$0x1]  }
0x3: {  	s1 =	rddreg [dreg:$0x2]  }
0x4: {  	s2 =	rddreg [dreg:$0x3]  }
0x5: {  	s4 =	rddreg [dreg:$0x6]  }
0x6: {  	s6 =	rddreg [dreg:$0x7]  }
0x7: {  	s5 =	simm.s32 $0x0;
	s7 =	srdreg.scid;
	s10 =	stileid.u32  }
0x8: {  	s12 =	simm.s32 $0x4;
	s17 =	simm.s32 $0x400;
	s18 =	simm.s32 $0x8400  }
0x9: {  	s14 =	simm.s32 $0x2800;
	s15 =	simm.s32 $0xA800;
	s16 =	simm.s32 $0x2C00  }
0xa: {  	s11 =	simm.s32 $0xB400;
	s13 =	simm.s32 $0x3800;
	s19 =	simm.s32 $0xB800  }
0xb: {  	s20 =	simm.s32 $0x3C00;
	s21 =	simm.s32 $0xBC00;
	s22 =	simm.s32 $0x4000  }
0xc: {  	s23 =	simm.s32 $0xC000;
	s24 =	simm.s32 $0x2;
	s25 =	simm.s32 $0x1  }
0xd: {  	s26 =	simm.s32 $0x0;
	[smem:$0x7FF] =	sst s5;
	s7 =	sand.u32 $0x1, s7  }
0xe: {  	v0 =	vlaneseq.u32;
	s10 =	sshll.u32 s10, $0x7;
	s4 =	sadd.s32 $0x400, s4;
	_ =	strace $0x80000047  }
0xf: {  	v0 =	vmul.u32 $0x400, v0;
	s8 =	ssub.s32 $0x2, s7;
	s7 =	sshll.u32 s7, $0x6;
	[dreg:$0x9] =	wrdreg s4  }
0x10: {  	v1 =	vimm.f32 $0.0e+00;
	s4 =	simm.s32 $0xA400;
	s9 =	sshrl.u32 s8, $0x1;
	s7 =	sor.u32 s7, s10  }
0x11: {  	s10 =	simm.s32 $0x3400;
	v2 =	vor.u32 $0x4000, v0;
	v3 =	vor.u32 $0x4080, v0;
	v4 =	vor.u32 $0x4100, v0;
	s28 =	ssub.s32 s8, s9;
	s0 =	sadd.s32 s0, s7  }
0x12: {  	v5 =	vor.u32 $0x4180, v0;
	v6 =	vor.u32 $0x4200, v0;
	v7 =	vor.u32 $0x4280, v0;
	s29 =	sadd.s32 s3, s7;
	s30 =	sadd.s32 s6, s7;
	[dreg:$0xa] =	wrdreg s0  }
0x13: {  	v8 =	vor.u32 $0x4300, v0;
	v9 =	vor.u32 $0x4380, v0;
	v10 =	vor.u32 $0x80, v0;
	s6 =	simm.s32 $0xA000;
	s3 =	simm.s32 $0x2400;
	[dreg:$0xb] =	wrdreg s29  }
0x14: {  	v11 =	vor.u32 $0x100, v0;
	v12 =	vor.u32 $0x180, v0;
	v13 =	vor.u32 $0x200, v0;
	s7 =	simm.s32 $0xAC00;
	[dreg:$0xc] =	wrdreg s30;
	s31 =	smax.u32 s28, $0x1  }
0x15: {  	v14 =	vor.u32 $0x280, v0;
	v15 =	vor.u32 $0x300, v0;
	v16 =	vor.u32 $0x380, v0;
	s8 =	simm.s32 $0x3000;
	s9 =	simm.s32 $0xB000;
	[dreg:$0xd] =	wrdreg s31  }
.LBB2_1:
0x16: {  	s0 =	rddreg [dreg:$0xa]  }
0x17: {  	[tilespmem:s5], [sflag:$0x4] =	stream.linear.gather [hbm4b:s0+s5], $0x200, $0x38;
	[tilespmem:$0x10A80] =	vst v63  }
0x18: {  	_ =	swait.ge [sflag:s12], $0x200  }
0x19: {  	[sflag:s12] =	ssyncset.done $0x0  }
0x1a: {  	s28 =	simm.s32 $0x200;
	s29 =	rddreg [dreg:$0xb];
	[sflag:s12] =	ssyncadd.s32 $0xFFFFFE00  }
0x1b: {  	[tilespmem:s28], [sflag:$0x4] =	stream.linear.gather [hbm4b:s29+s5], $0x200, $0x38;
	[tilespmem:$0x10A80] =	vst v63  }
0x1c: {  	_ =	swait.ge [sflag:s12], $0x200  }
0x1d: {  	[sflag:s12] =	ssyncset.done $0x0  }
0x1e: {  	s29 =	simm.s32 $0x10800;
	s31 =	rddreg [dreg:$0x9];
	[sflag:s12] =	ssyncadd.s32 $0xFFFFFE00  }
0x1f: {  	[tilespmem:s29], [sflag:$0x4] =	stream.linear.gather [hbm4b:s31+s5], $0x80, $0x38;
	[tilespmem:$0x10A80] =	vst v63  }
0x20: {  	_ =	swait.ge [sflag:s12], $0x80  }
0x21: {  	[sflag:s12] =	ssyncset.done $0x0  }
0x22: {  	[sflag:s12] =	ssyncadd.s32 $0xFFFFFF80  }
0x23: {  	s31 =	simm.s32 $0x10400;
	s0 =	rddreg [dreg:$0x4]  }
0x24: {  	[tilespmem:s31], [sflag:$0x3] =	stream.indirect.gather [hbm4b:s0+s28], $0x1, s5, s28, $0xb8;
	[tilespmem:$0x10A80] =	vst v63  }
0x25: {  	s0 =	rddreg [dreg:$0x5];
	s31 =	simm.s32 $0x10600  }
0x26: {  	[tilespmem:s31], [sflag:$0x3] =	stream.indirect.gather [hbm4b:s0+s28], $0x1, s28, s28, $0xb8;
	[tilespmem:$0x10A80] =	vst v63  }
0x27: {  	[tilespmem:$0x10880] =	vst v1  }
0x28: {  	[tilespmem:$0x10890] =	vst v1  }
0x29: {  	[tilespmem:$0x108A0] =	vst v1  }
0x2a: {  	[tilespmem:$0x108B0] =	vst v1  }
0x2b: {  	[tilespmem:$0x108C0] =	vst v1  }
0x2c: {  	[tilespmem:$0x108D0] =	vst v1  }
0x2d: {  	[tilespmem:$0x108E0] =	vst v1  }
0x2e: {  	[tilespmem:$0x108F0] =	vst v1  }
0x2f: {  	[tilespmem:$0x10900] =	vst v1  }
0x30: {  	[tilespmem:$0x10910] =	vst v1;
	v17 =	vld [tilespmem:$0x0]  }
0x31: {  	[tilespmem:$0x10920] =	vst v1  }
0x32: {  	[tilespmem:$0x10930] =	vst v1;
	v18 =	vld [tilespmem:$0x200]  }
0x33: {  	[tilespmem:$0x10940] =	vst v1  }
0x34: {  	[tilespmem:$0x10950] =	vst v1  }
0x35: {  	[tilespmem:$0x10960] =	vst v1;
	v17 =	vand.u32 $0xFFFFFF80, v17  }
0x36: {  	[tilespmem:$0x10970] =	vst v1;
	v17 =	vadd.s32 s1, v17  }
0x37: {  	[tilespmem:$0x10980] =	vst v1;
	v18 =	vand.u32 $0xFFFFFF80, v18;
	(v2sf) =	vpush v17, $0x0  }
0x38: {  	[tilespmem:$0x10990] =	vst v1;
	v18 =	vadd.s32 s2, v18  }
0x39: {  	[tilespmem:$0x109A0] =	vst v1;
	(v2sf) =	vpush v18, $0x0  }
0x3a: {  	[tilespmem:$0x109B0] =	vst v1  }
0x3b: {  	[tilespmem:$0x109C0] =	vst v1;
	(v2sf) =	vpush v17, $0x1  }
0x3c: {  	[tilespmem:$0x109D0] =	vst v1  }
0x3d: {  	[tilespmem:$0x109E0] =	vst v1;
	(v2sf) =	vpush v18, $0x1  }
0x3e: {  	[tilespmem:$0x109F0] =	vst v1  }
0x3f: {  	[tilespmem:$0x10A00] =	vst v1;
	(v2sf) =	vpush v17, $0x2  }
0x40: {  	[tilespmem:$0x10A10] =	vst v1  }
0x41: {  	[tilespmem:$0x10A20] =	vst v1;
	(v2sf) =	vpush v18, $0x2  }
0x42: {  	[tilespmem:$0x10A30] =	vst v1  }
0x43: {  	[tilespmem:$0x10A40] =	vst v1;
	(v2sf) =	vpush v17, $0x3  }
0x44: {  	[tilespmem:$0x10A50] =	vst v1  }
0x45: {  	[tilespmem:$0x10A60] =	vst v1;
	(v2sf) =	vpush v18, $0x3  }
0x46: {  	[tilespmem:$0x10A70] =	vst v1;
	s28 =	spop (v2sf)  }
0x47: {  	(v2sf) =	vpush v17, $0x4;
	[tilespmem:s17], [sflag:$0x1] =	stream.linear.gather [hbm4b:s28+s5], $0x400, $0x38;
	[tilespmem:$0x10A80] =	vst v63  }
0x48: {  	s28 =	spop (v2sf)  }
0x49: {  	(v2sf) =	vpush v18, $0x4;
	[tilespmem:s18], [sflag:$0x1] =	stream.linear.gather [hbm4b:s28+s5], $0x400, $0x38;
	[tilespmem:$0x10A80] =	vst v63  }
0x4a: {  	s31 =	simm.s32 $0x800;
	s28 =	spop (v2sf)  }
0x4b: {  	(v2sf) =	vpush v17, $0x5;
	[tilespmem:s31], [sflag:$0x1] =	stream.linear.gather [hbm4b:s28+s5], $0x400, $0x38;
	[tilespmem:$0x10A80] =	vst v63  }
0x4c: {  	s29 =	simm.s32 $0x8800;
	s28 =	spop (v2sf)  }
0x4d: {  	(v2sf) =	vpush v18, $0x5;
	[tilespmem:s29], [sflag:$0x1] =	stream.linear.gather [hbm4b:s28+s5], $0x400, $0x38;
	[tilespmem:$0x10A80] =	vst v63  }
0x4e: {  	s31 =	simm.s32 $0xC00;
	s28 =	spop (v2sf)  }
0x4f: {  	(v2sf) =	vpush v17, $0x6;
	[tilespmem:s31], [sflag:$0x1] =	stream.linear.gather [hbm4b:s28+s5], $0x400, $0x38;
	[tilespmem:$0x10A80] =	vst v63  }
0x50: {  	s29 =	simm.s32 $0x8C00;
	s28 =	spop (v2sf)  }
0x51: {  	(v2sf) =	vpush v18, $0x6;
	[tilespmem:s29], [sflag:$0x1] =	stream.linear.gather [hbm4b:s28+s5], $0x400, $0x38;
	[tilespmem:$0x10A80] =	vst v63  }
0x52: {  	s31 =	simm.s32 $0x1000;
	s28 =	spop (v2sf)  }
0x53: {  	(v2sf) =	vpush v17, $0x7;
	[tilespmem:s31], [sflag:$0x1] =	stream.linear.gather [hbm4b:s28+s5], $0x400, $0x38;
	[tilespmem:$0x10A80] =	vst v63  }
0x54: {  	s29 =	simm.s32 $0x9000;
	s28 =	spop (v2sf)  }
0x55: {  	(v2sf) =	vpush v18, $0x7;
	[tilespmem:s29], [sflag:$0x1] =	stream.linear.gather [hbm4b:s28+s5], $0x400, $0x38;
	[tilespmem:$0x10A80] =	vst v63  }
0x56: {  	s31 =	simm.s32 $0x1400;
	s28 =	spop (v2sf)  }
0x57: {  	(v2sf) =	vpush v17, $0x8;
	[tilespmem:s31], [sflag:$0x1] =	stream.linear.gather [hbm4b:s28+s5], $0x400, $0x38;
	[tilespmem:$0x10A80] =	vst v63  }
0x58: {  	s29 =	simm.s32 $0x9400;
	s28 =	spop (v2sf)  }
0x59: {  	(v2sf) =	vpush v18, $0x8;
	[tilespmem:s29], [sflag:$0x1] =	stream.linear.gather [hbm4b:s28+s5], $0x400, $0x38;
	[tilespmem:$0x10A80] =	vst v63  }
0x5a: {  	s31 =	simm.s32 $0x1800;
	s28 =	spop (v2sf)  }
0x5b: {  	(v2sf) =	vpush v17, $0x9;
	[tilespmem:s31], [sflag:$0x1] =	stream.linear.gather [hbm4b:s28+s5], $0x400, $0x38;
	[tilespmem:$0x10A80] =	vst v63  }
0x5c: {  	s29 =	simm.s32 $0x9800;
	s28 =	spop (v2sf)  }
0x5d: {  	(v2sf) =	vpush v18, $0x9;
	[tilespmem:s29], [sflag:$0x1] =	stream.linear.gather [hbm4b:s28+s5], $0x400, $0x38;
	[tilespmem:$0x10A80] =	vst v63  }
0x5e: {  	s31 =	simm.s32 $0x1C00;
	s28 =	spop (v2sf)  }
0x5f: {  	(v2sf) =	vpush v17, $0xA;
	[tilespmem:s31], [sflag:$0x1] =	stream.linear.gather [hbm4b:s28+s5], $0x400, $0x38;
	[tilespmem:$0x10A80] =	vst v63  }
0x60: {  	s29 =	simm.s32 $0x9C00;
	s28 =	spop (v2sf)  }
0x61: {  	(v2sf) =	vpush v18, $0xA;
	[tilespmem:s29], [sflag:$0x1] =	stream.linear.gather [hbm4b:s28+s5], $0x400, $0x38;
	[tilespmem:$0x10A80] =	vst v63  }
0x62: {  	s31 =	simm.s32 $0x2000;
	s28 =	spop (v2sf)  }
0x63: {  	(v2sf) =	vpush v17, $0xB;
	[tilespmem:s31], [sflag:$0x1] =	stream.linear.gather [hbm4b:s28+s5], $0x400, $0x38;
	[tilespmem:$0x10A80] =	vst v63  }
0x64: {  	s28 =	spop (v2sf)  }
0x65: {  	(v2sf) =	vpush v18, $0xB;
	[tilespmem:s6], [sflag:$0x1] =	stream.linear.gather [hbm4b:s28+s5], $0x400, $0x38;
	[tilespmem:$0x10A80] =	vst v63  }
0x66: {  	s28 =	spop (v2sf)  }
0x67: {  	(v2sf) =	vpush v17, $0xC;
	[tilespmem:s3], [sflag:$0x1] =	stream.linear.gather [hbm4b:s28+s5], $0x400, $0x38;
	[tilespmem:$0x10A80] =	vst v63  }
0x68: {  	s28 =	spop (v2sf)  }
0x69: {  	(v2sf) =	vpush v18, $0xC;
	[tilespmem:s4], [sflag:$0x1] =	stream.linear.gather [hbm4b:s28+s5], $0x400, $0x38;
	[tilespmem:$0x10A80] =	vst v63  }
0x6a: {  	s28 =	spop (v2sf)  }
0x6b: {  	(v2sf) =	vpush v17, $0xD;
	[tilespmem:s14], [sflag:$0x1] =	stream.linear.gather [hbm4b:s28+s5], $0x400, $0x38;
	[tilespmem:$0x10A80] =	vst v63  }
0x6c: {  	s28 =	spop (v2sf)  }
0x6d: {  	(v2sf) =	vpush v18, $0xD;
	[tilespmem:s15], [sflag:$0x1] =	stream.linear.gather [hbm4b:s28+s5], $0x400, $0x38;
	[tilespmem:$0x10A80] =	vst v63  }
0x6e: {  	s28 =	spop (v2sf)  }
0x6f: {  	(v2sf) =	vpush v17, $0xE;
	[tilespmem:s16], [sflag:$0x1] =	stream.linear.gather [hbm4b:s28+s5], $0x400, $0x38;
	[tilespmem:$0x10A80] =	vst v63  }
0x70: {  	s28 =	spop (v2sf)  }
0x71: {  	(v2sf) =	vpush v18, $0xE;
	[tilespmem:s7], [sflag:$0x1] =	stream.linear.gather [hbm4b:s28+s5], $0x400, $0x38;
	[tilespmem:$0x10A80] =	vst v63  }
0x72: {  	s28 =	spop (v2sf)  }
0x73: {  	(v2sf) =	vpush v17, $0xF;
	[tilespmem:s8], [sflag:$0x1] =	stream.linear.gather [hbm4b:s28+s5], $0x400, $0x38;
	[tilespmem:$0x10A80] =	vst v63  }
0x74: {  	s28 =	spop (v2sf)  }
0x75: {  	(v2sf) =	vpush v18, $0xF;
	[tilespmem:s9], [sflag:$0x1] =	stream.linear.gather [hbm4b:s28+s5], $0x400, $0x38;
	[tilespmem:$0x10A80] =	vst v63  }
0x76: {  	s28 =	spop (v2sf)  }
0x77: {  	[tilespmem:s10], [sflag:$0x1] =	stream.linear.gather [hbm4b:s28+s5], $0x400, $0x38;
	[tilespmem:$0x10A80] =	vst v63  }
0x78: {  	s28 =	spop (v2sf)  }
0x79: {  	[tilespmem:s11], [sflag:$0x1] =	stream.linear.gather [hbm4b:s28+s5], $0x400, $0x38;
	[tilespmem:$0x10A80] =	vst v63  }
0x7a: {  	s28 =	spop (v2sf)  }
0x7b: {  	[tilespmem:s13], [sflag:$0x1] =	stream.linear.gather [hbm4b:s28+s5], $0x400, $0x38;
	[tilespmem:$0x10A80] =	vst v63  }
0x7c: {  	s28 =	spop (v2sf)  }
0x7d: {  	[tilespmem:s19], [sflag:$0x1] =	stream.linear.gather [hbm4b:s28+s5], $0x400, $0x38;
	[tilespmem:$0x10A80] =	vst v63  }
0x7e: {  	s28 =	spop (v2sf)  }
0x7f: {  	[tilespmem:s20], [sflag:$0x1] =	stream.linear.gather [hbm4b:s28+s5], $0x400, $0x38;
	[tilespmem:$0x10A80] =	vst v63  }
0x80: {  	s28 =	spop (v2sf)  }
0x81: {  	[tilespmem:s21], [sflag:$0x1] =	stream.linear.gather [hbm4b:s28+s5], $0x400, $0x38;
	[tilespmem:$0x10A80] =	vst v63  }
.Ltmp0:
0x82: {  	s28 =	spop (v2sf);
	(pc) =	sbr.rel .LBB2_2-.Ltmp0, $4  }
0x83: {  	[tilespmem:s22], [sflag:$0x1] =	stream.linear.gather [hbm4b:s28+s5], $0x400, $0x38;
	[tilespmem:$0x10A80] =	vst v63  }
0x84: {  	s28 =	spop (v2sf)  }
0x85: {  	[tilespmem:s23], [sflag:$0x1] =	stream.linear.gather [hbm4b:s28+s5], $0x400, $0x38;
	[tilespmem:$0x10A80] =	vst v63  }
0x86: {  	s30 =	simm.s32 $0x0;
	s28 =	simm.s32 $0x0  }
.LBB2_5:
0x87: {  	s0 =	sand.u32 $0x3F0, s31  }
0x88: {  	v17 =	vld [tilespmem:s0+$0x0];
	_ =	sdelay $0x1  }
0x89: {  	s30 =	sand.u32 $0x2, s29;
	v18 =	vld [tilespmem:s0+$0x200]  }
0x8a: {  	s31 =	smul.u32 $0xF4280, s30;
	_ =	sdelay $0x1  }
0x8b: {  	s30 =	sadd.s32 s1, s31;
	v17 =	vand.u32 $0xFFFFFF80, v17  }
0x8c: {  	v17 =	vadd.s32 s30, v17  }
0x8d: {  	s0 =	sadd.s32 s2, s31;
	v18 =	vand.u32 $0xFFFFFF80, v18;
	(v2sf) =	vpush v17, $0x0  }
0x8e: {  	v18 =	vadd.s32 s0, v18  }
0x8f: {  	(v2sf) =	vpush v18, $0x0;
	_ =	sdelay $0x1  }
0x90: {  	(v2sf) =	vpush v17, $0x1;
	_ =	sdelay $0x1  }
0x91: {  	(v2sf) =	vpush v18, $0x1;
	_ =	sdelay $0x1  }
0x92: {  	(v2sf) =	vpush v17, $0x2;
	_ =	sdelay $0x1  }
0x93: {  	(v2sf) =	vpush v18, $0x2;
	_ =	sdelay $0x1  }
0x94: {  	(v2sf) =	vpush v17, $0x3;
	_ =	sdelay $0x1  }
0x95: {  	(v2sf) =	vpush v18, $0x3  }
0x96: {  	s31 =	spop (v2sf)  }
0x97: {  	(v2sf) =	vpush v17, $0x4;
	[tilespmem:s17], [sflag:$0x1] =	stream.linear.gather [hbm4b:s31+s5], $0x400, $0x38;
	[tilespmem:$0x10A80] =	vst v63  }
0x98: {  	s30 =	spop (v2sf)  }
0x99: {  	(v2sf) =	vpush v18, $0x4;
	[tilespmem:s18], [sflag:$0x1] =	stream.linear.gather [hbm4b:s30+s5], $0x400, $0x38;
	[tilespmem:$0x10A80] =	vst v63  }
0x9a: {  	s31 =	simm.s32 $0x800;
	s0 =	spop (v2sf)  }
0x9b: {  	(v2sf) =	vpush v17, $0x5;
	[tilespmem:s31], [sflag:$0x1] =	stream.linear.gather [hbm4b:s0+s5], $0x400, $0x38;
	[tilespmem:$0x10A80] =	vst v63  }
0x9c: {  	s0 =	spop (v2sf);
	s31 =	simm.s32 $0x8800  }
0x9d: {  	(v2sf) =	vpush v18, $0x5;
	[tilespmem:s31], [sflag:$0x1] =	stream.linear.gather [hbm4b:s0+s5], $0x400, $0x38;
	[tilespmem:$0x10A80] =	vst v63  }
0x9e: {  	s0 =	spop (v2sf);
	s31 =	simm.s32 $0xC00  }
0x9f: {  	(v2sf) =	vpush v17, $0x6;
	[tilespmem:s31], [sflag:$0x1] =	stream.linear.gather [hbm4b:s0+s5], $0x400, $0x38;
	[tilespmem:$0x10A80] =	vst v63  }
0xa0: {  	s0 =	spop (v2sf);
	s31 =	simm.s32 $0x8C00  }
0xa1: {  	(v2sf) =	vpush v18, $0x6;
	[tilespmem:s31], [sflag:$0x1] =	stream.linear.gather [hbm4b:s0+s5], $0x400, $0x38;
	[tilespmem:$0x10A80] =	vst v63  }
0xa2: {  	s0 =	spop (v2sf);
	s31 =	simm.s32 $0x1000  }
0xa3: {  	(v2sf) =	vpush v17, $0x7;
	[tilespmem:s31], [sflag:$0x1] =	stream.linear.gather [hbm4b:s0+s5], $0x400, $0x38;
	[tilespmem:$0x10A80] =	vst v63  }
0xa4: {  	s0 =	spop (v2sf);
	s31 =	simm.s32 $0x9000  }
0xa5: {  	(v2sf) =	vpush v18, $0x7;
	[tilespmem:s31], [sflag:$0x1] =	stream.linear.gather [hbm4b:s0+s5], $0x400, $0x38;
	[tilespmem:$0x10A80] =	vst v63  }
0xa6: {  	s0 =	spop (v2sf);
	s31 =	simm.s32 $0x1400  }
0xa7: {  	(v2sf) =	vpush v17, $0x8;
	[tilespmem:s31], [sflag:$0x1] =	stream.linear.gather [hbm4b:s0+s5], $0x400, $0x38;
	[tilespmem:$0x10A80] =	vst v63  }
0xa8: {  	s0 =	spop (v2sf);
	s31 =	simm.s32 $0x9400  }
0xa9: {  	(v2sf) =	vpush v18, $0x8;
	[tilespmem:s31], [sflag:$0x1] =	stream.linear.gather [hbm4b:s0+s5], $0x400, $0x38;
	[tilespmem:$0x10A80] =	vst v63  }
0xaa: {  	s0 =	spop (v2sf);
	s31 =	simm.s32 $0x1800  }
0xab: {  	(v2sf) =	vpush v17, $0x9;
	[tilespmem:s31], [sflag:$0x1] =	stream.linear.gather [hbm4b:s0+s5], $0x400, $0x38;
	[tilespmem:$0x10A80] =	vst v63  }
0xac: {  	s0 =	spop (v2sf);
	s31 =	simm.s32 $0x9800  }
0xad: {  	(v2sf) =	vpush v18, $0x9;
	[tilespmem:s31], [sflag:$0x1] =	stream.linear.gather [hbm4b:s0+s5], $0x400, $0x38;
	[tilespmem:$0x10A80] =	vst v63  }
0xae: {  	s0 =	spop (v2sf);
	s31 =	simm.s32 $0x1C00  }
0xaf: {  	(v2sf) =	vpush v17, $0xA;
	[tilespmem:s31], [sflag:$0x1] =	stream.linear.gather [hbm4b:s0+s5], $0x400, $0x38;
	[tilespmem:$0x10A80] =	vst v63  }
0xb0: {  	s0 =	spop (v2sf);
	s31 =	simm.s32 $0x9C00  }
0xb1: {  	(v2sf) =	vpush v18, $0xA;
	[tilespmem:s31], [sflag:$0x1] =	stream.linear.gather [hbm4b:s0+s5], $0x400, $0x38;
	[tilespmem:$0x10A80] =	vst v63  }
0xb2: {  	s0 =	spop (v2sf);
	s31 =	simm.s32 $0x2000  }
0xb3: {  	(v2sf) =	vpush v17, $0xB;
	[tilespmem:s31], [sflag:$0x1] =	stream.linear.gather [hbm4b:s0+s5], $0x400, $0x38;
	[tilespmem:$0x10A80] =	vst v63  }
0xb4: {  	s31 =	spop (v2sf)  }
0xb5: {  	(v2sf) =	vpush v18, $0xB;
	[tilespmem:s6], [sflag:$0x1] =	stream.linear.gather [hbm4b:s31+s5], $0x400, $0x38;
	[tilespmem:$0x10A80] =	vst v63  }
0xb6: {  	s30 =	spop (v2sf)  }
0xb7: {  	(v2sf) =	vpush v17, $0xC;
	[tilespmem:s3], [sflag:$0x1] =	stream.linear.gather [hbm4b:s30+s5], $0x400, $0x38;
	[tilespmem:$0x10A80] =	vst v63  }
0xb8: {  	s31 =	spop (v2sf)  }
0xb9: {  	(v2sf) =	vpush v18, $0xC;
	[tilespmem:s4], [sflag:$0x1] =	stream.linear.gather [hbm4b:s31+s5], $0x400, $0x38;
	[tilespmem:$0x10A80] =	vst v63  }
0xba: {  	s30 =	spop (v2sf)  }
0xbb: {  	(v2sf) =	vpush v17, $0xD;
	[tilespmem:s14], [sflag:$0x1] =	stream.linear.gather [hbm4b:s30+s5], $0x400, $0x38;
	[tilespmem:$0x10A80] =	vst v63  }
0xbc: {  	s31 =	spop (v2sf)  }
0xbd: {  	(v2sf) =	vpush v18, $0xD;
	[tilespmem:s15], [sflag:$0x1] =	stream.linear.gather [hbm4b:s31+s5], $0x400, $0x38;
	[tilespmem:$0x10A80] =	vst v63  }
0xbe: {  	s30 =	spop (v2sf)  }
0xbf: {  	(v2sf) =	vpush v17, $0xE;
	[tilespmem:s16], [sflag:$0x1] =	stream.linear.gather [hbm4b:s30+s5], $0x400, $0x38;
	[tilespmem:$0x10A80] =	vst v63  }
0xc0: {  	s31 =	spop (v2sf)  }
0xc1: {  	(v2sf) =	vpush v18, $0xE;
	[tilespmem:s7], [sflag:$0x1] =	stream.linear.gather [hbm4b:s31+s5], $0x400, $0x38;
	[tilespmem:$0x10A80] =	vst v63  }
0xc2: {  	s30 =	spop (v2sf)  }
0xc3: {  	(v2sf) =	vpush v17, $0xF;
	[tilespmem:s8], [sflag:$0x1] =	stream.linear.gather [hbm4b:s30+s5], $0x400, $0x38;
	[tilespmem:$0x10A80] =	vst v63  }
0xc4: {  	s31 =	spop (v2sf)  }
0xc5: {  	(v2sf) =	vpush v18, $0xF;
	[tilespmem:s9], [sflag:$0x1] =	stream.linear.gather [hbm4b:s31+s5], $0x400, $0x38;
	[tilespmem:$0x10A80] =	vst v63  }
0xc6: {  	s30 =	spop (v2sf)  }
0xc7: {  	[tilespmem:s10], [sflag:$0x1] =	stream.linear.gather [hbm4b:s30+s5], $0x400, $0x38;
	[tilespmem:$0x10A80] =	vst v63  }
0xc8: {  	s31 =	spop (v2sf)  }
0xc9: {  	[tilespmem:s11], [sflag:$0x1] =	stream.linear.gather [hbm4b:s31+s5], $0x400, $0x38;
	[tilespmem:$0x10A80] =	vst v63  }
0xca: {  	s30 =	spop (v2sf)  }
0xcb: {  	[tilespmem:s13], [sflag:$0x1] =	stream.linear.gather [hbm4b:s30+s5], $0x400, $0x38;
	[tilespmem:$0x10A80] =	vst v63  }
0xcc: {  	s31 =	spop (v2sf)  }
0xcd: {  	[tilespmem:s19], [sflag:$0x1] =	stream.linear.gather [hbm4b:s31+s5], $0x400, $0x38;
	[tilespmem:$0x10A80] =	vst v63  }
0xce: {  	s30 =	spop (v2sf)  }
0xcf: {  	[tilespmem:s20], [sflag:$0x1] =	stream.linear.gather [hbm4b:s30+s5], $0x400, $0x38;
	[tilespmem:$0x10A80] =	vst v63  }
0xd0: {  	s31 =	spop (v2sf)  }
0xd1: {  	[tilespmem:s21], [sflag:$0x1] =	stream.linear.gather [hbm4b:s31+s5], $0x400, $0x38;
	[tilespmem:$0x10A80] =	vst v63  }
0xd2: {  	s30 =	spop (v2sf)  }
0xd3: {  	[tilespmem:s22], [sflag:$0x1] =	stream.linear.gather [hbm4b:s30+s5], $0x400, $0x38;
	[tilespmem:$0x10A80] =	vst v63  }
0xd4: {  	s31 =	spop (v2sf)  }
0xd5: {  	[tilespmem:s23], [sflag:$0x1] =	stream.linear.gather [hbm4b:s31+s5], $0x400, $0x38;
	[tilespmem:$0x10A80] =	vst v63  }
.LBB2_6:
0xd6: {  	_ =	swait.ge [sflag:s24], $0x400  }
0xd7: {  	[sflag:s24] =	ssyncset.done $0x0  }
0xd8: {  	[sflag:s24] =	ssyncadd.s32 $0xFFFFFC00  }
0xd9: {  	_ =	swait.ge [sflag:s24], $0x400  }
0xda: {  	[sflag:s24] =	ssyncset.done $0x0  }
0xdb: {  	[sflag:s24] =	ssyncadd.s32 $0xFFFFFC00  }
0xdc: {  	_ =	swait.ge [sflag:s24], $0x400  }
0xdd: {  	[sflag:s24] =	ssyncset.done $0x0  }
0xde: {  	[sflag:s24] =	ssyncadd.s32 $0xFFFFFC00  }
0xdf: {  	_ =	swait.ge [sflag:s24], $0x400  }
0xe0: {  	[sflag:s24] =	ssyncset.done $0x0  }
0xe1: {  	[sflag:s24] =	ssyncadd.s32 $0xFFFFFC00  }
0xe2: {  	_ =	swait.ge [sflag:s24], $0x400  }
0xe3: {  	[sflag:s24] =	ssyncset.done $0x0  }
0xe4: {  	[sflag:s24] =	ssyncadd.s32 $0xFFFFFC00  }
0xe5: {  	_ =	swait.ge [sflag:s24], $0x400  }
0xe6: {  	[sflag:s24] =	ssyncset.done $0x0  }
0xe7: {  	[sflag:s24] =	ssyncadd.s32 $0xFFFFFC00  }
0xe8: {  	_ =	swait.ge [sflag:s24], $0x400  }
0xe9: {  	[sflag:s24] =	ssyncset.done $0x0  }
0xea: {  	[sflag:s24] =	ssyncadd.s32 $0xFFFFFC00  }
0xeb: {  	_ =	swait.ge [sflag:s24], $0x400  }
0xec: {  	[sflag:s24] =	ssyncset.done $0x0  }
0xed: {  	[sflag:s24] =	ssyncadd.s32 $0xFFFFFC00  }
0xee: {  	_ =	swait.ge [sflag:s24], $0x400  }
0xef: {  	[sflag:s24] =	ssyncset.done $0x0  }
0xf0: {  	[sflag:s24] =	ssyncadd.s32 $0xFFFFFC00  }
0xf1: {  	_ =	swait.ge [sflag:s24], $0x400  }
0xf2: {  	[sflag:s24] =	ssyncset.done $0x0  }
0xf3: {  	[sflag:s24] =	ssyncadd.s32 $0xFFFFFC00  }
0xf4: {  	_ =	swait.ge [sflag:s24], $0x400  }
0xf5: {  	[sflag:s24] =	ssyncset.done $0x0  }
0xf6: {  	[sflag:s24] =	ssyncadd.s32 $0xFFFFFC00  }
0xf7: {  	_ =	swait.ge [sflag:s24], $0x400  }
0xf8: {  	[sflag:s24] =	ssyncset.done $0x0  }
0xf9: {  	[sflag:s24] =	ssyncadd.s32 $0xFFFFFC00  }
0xfa: {  	_ =	swait.ge [sflag:s24], $0x400  }
0xfb: {  	[sflag:s24] =	ssyncset.done $0x0  }
0xfc: {  	[sflag:s24] =	ssyncadd.s32 $0xFFFFFC00  }
0xfd: {  	_ =	swait.ge [sflag:s24], $0x400  }
0xfe: {  	[sflag:s24] =	ssyncset.done $0x0  }
0xff: {  	[sflag:s24] =	ssyncadd.s32 $0xFFFFFC00  }
0x100: {  	_ =	swait.ge [sflag:s24], $0x400  }
0x101: {  	[sflag:s24] =	ssyncset.done $0x0  }
0x102: {  	[sflag:s24] =	ssyncadd.s32 $0xFFFFFC00  }
0x103: {  	_ =	swait.ge [sflag:s24], $0x400  }
0x104: {  	[sflag:s24] =	ssyncset.done $0x0  }
0x105: {  	[sflag:s24] =	ssyncadd.s32 $0xFFFFFC00  }
0x106: {  	_ =	swait.ge [sflag:s24], $0x400  }
0x107: {  	[sflag:s24] =	ssyncset.done $0x0  }
0x108: {  	[sflag:s24] =	ssyncadd.s32 $0xFFFFFC00  }
0x109: {  	_ =	swait.ge [sflag:s24], $0x400  }
0x10a: {  	[sflag:s24] =	ssyncset.done $0x0  }
0x10b: {  	[sflag:s24] =	ssyncadd.s32 $0xFFFFFC00  }
0x10c: {  	_ =	swait.ge [sflag:s24], $0x400  }
0x10d: {  	[sflag:s24] =	ssyncset.done $0x0  }
0x10e: {  	[sflag:s24] =	ssyncadd.s32 $0xFFFFFC00  }
0x10f: {  	_ =	swait.ge [sflag:s24], $0x400  }
0x110: {  	[sflag:s24] =	ssyncset.done $0x0  }
0x111: {  	[sflag:s24] =	ssyncadd.s32 $0xFFFFFC00  }
0x112: {  	_ =	swait.ge [sflag:s24], $0x400  }
0x113: {  	[sflag:s24] =	ssyncset.done $0x0  }
0x114: {  	[sflag:s24] =	ssyncadd.s32 $0xFFFFFC00  }
0x115: {  	_ =	swait.ge [sflag:s24], $0x400  }
0x116: {  	[sflag:s24] =	ssyncset.done $0x0  }
0x117: {  	[sflag:s24] =	ssyncadd.s32 $0xFFFFFC00  }
0x118: {  	_ =	swait.ge [sflag:s24], $0x400  }
0x119: {  	[sflag:s24] =	ssyncset.done $0x0  }
0x11a: {  	[sflag:s24] =	ssyncadd.s32 $0xFFFFFC00  }
0x11b: {  	_ =	swait.ge [sflag:s24], $0x400  }
0x11c: {  	[sflag:s24] =	ssyncset.done $0x0  }
0x11d: {  	[sflag:s24] =	ssyncadd.s32 $0xFFFFFC00  }
0x11e: {  	_ =	swait.ge [sflag:s24], $0x400  }
0x11f: {  	[sflag:s24] =	ssyncset.done $0x0  }
0x120: {  	[sflag:s24] =	ssyncadd.s32 $0xFFFFFC00  }
0x121: {  	_ =	swait.ge [sflag:s24], $0x400  }
0x122: {  	[sflag:s24] =	ssyncset.done $0x0  }
0x123: {  	[sflag:s24] =	ssyncadd.s32 $0xFFFFFC00  }
0x124: {  	_ =	swait.ge [sflag:s24], $0x400  }
0x125: {  	[sflag:s24] =	ssyncset.done $0x0  }
0x126: {  	[sflag:s24] =	ssyncadd.s32 $0xFFFFFC00  }
0x127: {  	_ =	swait.ge [sflag:s24], $0x400  }
0x128: {  	[sflag:s24] =	ssyncset.done $0x0  }
0x129: {  	[sflag:s24] =	ssyncadd.s32 $0xFFFFFC00  }
0x12a: {  	_ =	swait.ge [sflag:s24], $0x400  }
0x12b: {  	[sflag:s24] =	ssyncset.done $0x0  }
0x12c: {  	[sflag:s24] =	ssyncadd.s32 $0xFFFFFC00  }
0x12d: {  	_ =	swait.ge [sflag:s24], $0x400  }
0x12e: {  	[sflag:s24] =	ssyncset.done $0x0  }
0x12f: {  	[sflag:s24] =	ssyncadd.s32 $0xFFFFFC00  }
0x130: {  	_ =	swait.ge [sflag:s24], $0x400  }
0x131: {  	[sflag:s24] =	ssyncset.done $0x0  }
0x132: {  	[sflag:s24] =	ssyncadd.s32 $0xFFFFFC00  }
0x133: {  	_ =	swait.ge [sflag:s24], $0x400  }
0x134: {  	[sflag:s24] =	ssyncset.done $0x0  }
0x135: {  	s0 =	sand.u32 $0x1F0, s28;
	[sflag:s24] =	ssyncadd.s32 $0xFFFFFC00  }
0x136: {  	v17 =	vld [tilespmem:s0+$0x0]  }
0x137: {  	v18 =	vld [tilespmem:s0+$0x200];
	_ =	sdelay $0x3  }
0x138: {  	v17 =	vand.u32 $0x7F, v17  }
0x139: {  	v18 =	vand.u32 $0x7F, v18;
	v19 =	vor.u32 v2, v17  }
0x13a: {  	v20 =	vor.u32 v2, v18  }
0x13b: {  	v21 =	vor.u32 v3, v17  }
0x13c: {  	v22 =	vor.u32 v3, v18  }
0x13d: {  	v23 =	vld [tilespmem:s0+$0x10880];
	v24 =	vor.u32 v4, v17  }
0x13e: {  	v25 =	vor.u32 v4, v18;
	v19 =	vld.idx.msk [tilespmem:v19+s17+$0x0], $0xffff  }
0x13f: {  	v26 =	vor.u32 v5, v17;
	v20 =	vld.idx.msk [tilespmem:v20+s18+$0x0], $0xffff  }
0x140: {  	v27 =	vor.u32 v5, v18;
	v21 =	vld.idx.msk [tilespmem:v21+s17+$0x0], $0xffff  }
0x141: {  	v28 =	vor.u32 v6, v17;
	v22 =	vld.idx.msk [tilespmem:v22+s18+$0x0], $0xffff  }
0x142: {  	v29 =	vor.u32 v6, v18;
	v24 =	vld.idx.msk [tilespmem:v24+s17+$0x0], $0xffff  }
0x143: {  	v30 =	vor.u32 v7, v17;
	v25 =	vld.idx.msk [tilespmem:v25+s18+$0x0], $0xffff  }
0x144: {  	v53 =	vor.u32 v7, v18;
	v52 =	vld.idx.msk [tilespmem:v26+s17+$0x0], $0xffff;
	v19 =	vmul.f32 v20, v19  }
0x145: {  	v31 =	vor.u32 v8, v17;
	v27 =	vld.idx.msk [tilespmem:v27+s18+$0x0], $0xffff  }
0x146: {  	v55 =	vor.u32 v8, v18;
	v54 =	vld.idx.msk [tilespmem:v28+s17+$0x0], $0xffff;
	v21 =	vmul.f32 v22, v21;
	v19 =	vadd.f32 v19, v23  }
0x147: {  	v17 =	vor.u32 v9, v17;
	v56 =	vld.idx.msk [tilespmem:v29+s18+$0x0], $0xffff  }
0x148: {  	v18 =	vor.u32 v9, v18;
	v58 =	vld.idx.msk [tilespmem:v30+s17+$0x0], $0xffff;
	v57 =	vmul.f32 v25, v24;
	v19 =	vadd.f32 v21, v19  }
0x149: {  	v59 =	vld.idx.msk [tilespmem:v53+s18+$0x0], $0xffff  }
0x14a: {  	v60 =	vld.idx.msk [tilespmem:v31+s17+$0x0], $0xffff;
	v20 =	vmul.f32 v27, v52;
	v19 =	vadd.f32 v57, v19  }
0x14b: {  	v23 =	vld.idx.msk [tilespmem:v55+s18+$0x0], $0xffff  }
0x14c: {  	v17 =	vld.idx.msk [tilespmem:v17+s17+$0x0], $0xffff;
	v61 =	vmul.f32 v56, v54;
	v19 =	vadd.f32 v20, v19  }
0x14d: {  	v18 =	vld.idx.msk [tilespmem:v18+s18+$0x0], $0xffff  }
0x14e: {  	v62 =	vmul.f32 v59, v58;
	v19 =	vadd.f32 v61, v19;
	_ =	sdelay $0x1  }
0x14f: {  	v63 =	vmul.f32 v23, v60;
	v19 =	vadd.f32 v62, v19;
	_ =	sdelay $0x1  }
0x150: {  	v17 =	vmul.f32 v18, v17;
	v19 =	vadd.f32 v63, v19;
	_ =	sdelay $0x1  }
0x151: {  	v17 =	vadd.f32 v17, v19;
	_ =	sdelay $0x1  }
0x152: {  	[tilespmem:s0+$0x10880] =	vst v17  }
.LBB2_7:
0x153: {  	p0 =	sne.s32 s29, $0x80  }
.Ltmp1:
0x154: {  	_ = 	snop;
	(pc) =	sbr.rel @!p0 .LBB2_8-.Ltmp1, $2  }
0x155: {  	_ =	sdelay $0x2  }
0x156: {  	s28 =	sadd.s32 $0x4, s28;
	s30 =	smov.u32 s29  }
.LBB2_2:
0x157: {  	p0 =	seq.s32 s30, $0x7F  }
.Ltmp2:
0x158: {  	_ = 	snop;
	(pc) =	sbr.rel @p0 .LBB2_6-.Ltmp2, $2  }
0x159: {  	_ =	sdelay $0x2  }
0x15a: {  	s29 =	sadd.s32 $0x1, s30  }
0x15b: {  	s30 =	sand.u32 $0x1, s30  }
0x15c: {  	p0 =	seq.s32 s30, $0x1  }
.Ltmp3:
0x15d: {  	_ = 	snop;
	(pc) =	sbr.rel @p0 .LBB2_5-.Ltmp3, $2  }
0x15e: {  	_ =	sdelay $0x2  }
0x15f: {  	s31 =	sadd.s32 $0x4, s28  }
0x160: {  	s31 =	sand.u32 $0x1F0, s31  }
0x161: {  	v17 =	vld [tilespmem:s31+$0x0];
	_ =	sdelay $0x1  }
0x162: {  	s0 =	sand.u32 $0x3, s29;
	v18 =	vld [tilespmem:s31+$0x200]  }
0x163: {  	s0 =	smul.u32 $0xF4280, s0;
	_ =	sdelay $0x1  }
0x164: {  	s31 =	sadd.s32 s1, s0;
	v17 =	vand.u32 $0xFFFFFF80, v17  }
0x165: {  	v17 =	vadd.s32 s31, v17  }
0x166: {  	s0 =	sadd.s32 s2, s0;
	v18 =	vand.u32 $0xFFFFFF80, v18;
	(v2sf) =	vpush v17, $0x0  }
0x167: {  	v18 =	vadd.s32 s0, v18  }
0x168: {  	(v2sf) =	vpush v18, $0x0;
	_ =	sdelay $0x1  }
0x169: {  	(v2sf) =	vpush v17, $0x1;
	_ =	sdelay $0x1  }
0x16a: {  	(v2sf) =	vpush v18, $0x1;
	_ =	sdelay $0x1  }
0x16b: {  	(v2sf) =	vpush v17, $0x2;
	_ =	sdelay $0x1  }
0x16c: {  	(v2sf) =	vpush v18, $0x2;
	_ =	sdelay $0x1  }
0x16d: {  	(v2sf) =	vpush v17, $0x3;
	_ =	sdelay $0x1  }
0x16e: {  	(v2sf) =	vpush v18, $0x3  }
0x16f: {  	s31 =	simm.s32 $0x4400;
	s0 =	spop (v2sf)  }
0x170: {  	(v2sf) =	vpush v17, $0x4;
	[tilespmem:s31], [sflag:$0x2] =	stream.linear.gather [hbm4b:s0+s5], $0x400, $0x38;
	[tilespmem:$0x10A80] =	vst v63  }
0x171: {  	s0 =	spop (v2sf);
	s31 =	simm.s32 $0xC400  }
0x172: {  	(v2sf) =	vpush v18, $0x4;
	[tilespmem:s31], [sflag:$0x2] =	stream.linear.gather [hbm4b:s0+s5], $0x400, $0x38;
	[tilespmem:$0x10A80] =	vst v63  }
0x173: {  	s0 =	spop (v2sf);
	s31 =	simm.s32 $0x4800  }
0x174: {  	(v2sf) =	vpush v17, $0x5;
	[tilespmem:s31], [sflag:$0x2] =	stream.linear.gather [hbm4b:s0+s5], $0x400, $0x38;
	[tilespmem:$0x10A80] =	vst v63  }
0x175: {  	s0 =	spop (v2sf);
	s31 =	simm.s32 $0xC800  }
0x176: {  	(v2sf) =	vpush v18, $0x5;
	[tilespmem:s31], [sflag:$0x2] =	stream.linear.gather [hbm4b:s0+s5], $0x400, $0x38;
	[tilespmem:$0x10A80] =	vst v63  }
0x177: {  	s0 =	spop (v2sf);
	s31 =	simm.s32 $0x4C00  }
0x178: {  	(v2sf) =	vpush v17, $0x6;
	[tilespmem:s31], [sflag:$0x2] =	stream.linear.gather [hbm4b:s0+s5], $0x400, $0x38;
	[tilespmem:$0x10A80] =	vst v63  }
0x179: {  	s0 =	spop (v2sf);
	s31 =	simm.s32 $0xCC00  }
0x17a: {  	(v2sf) =	vpush v18, $0x6;
	[tilespmem:s31], [sflag:$0x2] =	stream.linear.gather [hbm4b:s0+s5], $0x400, $0x38;
	[tilespmem:$0x10A80] =	vst v63  }
0x17b: {  	s0 =	spop (v2sf);
	s31 =	simm.s32 $0x5000  }
0x17c: {  	(v2sf) =	vpush v17, $0x7;
	[tilespmem:s31], [sflag:$0x2] =	stream.linear.gather [hbm4b:s0+s5], $0x400, $0x38;
	[tilespmem:$0x10A80] =	vst v63  }
0x17d: {  	s0 =	spop (v2sf);
	s31 =	simm.s32 $0xD000  }
0x17e: {  	(v2sf) =	vpush v18, $0x7;
	[tilespmem:s31], [sflag:$0x2] =	stream.linear.gather [hbm4b:s0+s5], $0x400, $0x38;
	[tilespmem:$0x10A80] =	vst v63  }
0x17f: {  	s0 =	spop (v2sf);
	s31 =	simm.s32 $0x5400  }
0x180: {  	(v2sf) =	vpush v17, $0x8;
	[tilespmem:s31], [sflag:$0x2] =	stream.linear.gather [hbm4b:s0+s5], $0x400, $0x38;
	[tilespmem:$0x10A80] =	vst v63  }
0x181: {  	s0 =	spop (v2sf);
	s31 =	simm.s32 $0xD400  }
0x182: {  	(v2sf) =	vpush v18, $0x8;
	[tilespmem:s31], [sflag:$0x2] =	stream.linear.gather [hbm4b:s0+s5], $0x400, $0x38;
	[tilespmem:$0x10A80] =	vst v63  }
0x183: {  	s0 =	spop (v2sf);
	s31 =	simm.s32 $0x5800  }
0x184: {  	(v2sf) =	vpush v17, $0x9;
	[tilespmem:s31], [sflag:$0x2] =	stream.linear.gather [hbm4b:s0+s5], $0x400, $0x38;
	[tilespmem:$0x10A80] =	vst v63  }
0x185: {  	s0 =	spop (v2sf);
	s31 =	simm.s32 $0xD800  }
0x186: {  	(v2sf) =	vpush v18, $0x9;
	[tilespmem:s31], [sflag:$0x2] =	stream.linear.gather [hbm4b:s0+s5], $0x400, $0x38;
	[tilespmem:$0x10A80] =	vst v63  }
0x187: {  	s0 =	spop (v2sf);
	s31 =	simm.s32 $0x5C00  }
0x188: {  	(v2sf) =	vpush v17, $0xA;
	[tilespmem:s31], [sflag:$0x2] =	stream.linear.gather [hbm4b:s0+s5], $0x400, $0x38;
	[tilespmem:$0x10A80] =	vst v63  }
0x189: {  	s0 =	spop (v2sf);
	s31 =	simm.s32 $0xDC00  }
0x18a: {  	(v2sf) =	vpush v18, $0xA;
	[tilespmem:s31], [sflag:$0x2] =	stream.linear.gather [hbm4b:s0+s5], $0x400, $0x38;
	[tilespmem:$0x10A80] =	vst v63  }
0x18b: {  	s0 =	spop (v2sf);
	s31 =	simm.s32 $0x6000  }
0x18c: {  	(v2sf) =	vpush v17, $0xB;
	[tilespmem:s31], [sflag:$0x2] =	stream.linear.gather [hbm4b:s0+s5], $0x400, $0x38;
	[tilespmem:$0x10A80] =	vst v63  }
0x18d: {  	s0 =	spop (v2sf);
	s31 =	simm.s32 $0xE000  }
0x18e: {  	(v2sf) =	vpush v18, $0xB;
	[tilespmem:s31], [sflag:$0x2] =	stream.linear.gather [hbm4b:s0+s5], $0x400, $0x38;
	[tilespmem:$0x10A80] =	vst v63  }
0x18f: {  	s0 =	spop (v2sf);
	s31 =	simm.s32 $0x6400  }
0x190: {  	(v2sf) =	vpush v17, $0xC;
	[tilespmem:s31], [sflag:$0x2] =	stream.linear.gather [hbm4b:s0+s5], $0x400, $0x38;
	[tilespmem:$0x10A80] =	vst v63  }
0x191: {  	s0 =	spop (v2sf);
	s31 =	simm.s32 $0xE400  }
0x192: {  	(v2sf) =	vpush v18, $0xC;
	[tilespmem:s31], [sflag:$0x2] =	stream.linear.gather [hbm4b:s0+s5], $0x400, $0x38;
	[tilespmem:$0x10A80] =	vst v63  }
0x193: {  	s0 =	spop (v2sf);
	s31 =	simm.s32 $0x6800  }
0x194: {  	(v2sf) =	vpush v17, $0xD;
	[tilespmem:s31], [sflag:$0x2] =	stream.linear.gather [hbm4b:s0+s5], $0x400, $0x38;
	[tilespmem:$0x10A80] =	vst v63  }
0x195: {  	s0 =	spop (v2sf);
	s31 =	simm.s32 $0xE800  }
0x196: {  	(v2sf) =	vpush v18, $0xD;
	[tilespmem:s31], [sflag:$0x2] =	stream.linear.gather [hbm4b:s0+s5], $0x400, $0x38;
	[tilespmem:$0x10A80] =	vst v63  }
0x197: {  	s0 =	spop (v2sf);
	s31 =	simm.s32 $0x6C00  }
0x198: {  	(v2sf) =	vpush v17, $0xE;
	[tilespmem:s31], [sflag:$0x2] =	stream.linear.gather [hbm4b:s0+s5], $0x400, $0x38;
	[tilespmem:$0x10A80] =	vst v63  }
0x199: {  	s0 =	spop (v2sf);
	s31 =	simm.s32 $0xEC00  }
0x19a: {  	(v2sf) =	vpush v18, $0xE;
	[tilespmem:s31], [sflag:$0x2] =	stream.linear.gather [hbm4b:s0+s5], $0x400, $0x38;
	[tilespmem:$0x10A80] =	vst v63  }
0x19b: {  	s0 =	spop (v2sf);
	s31 =	simm.s32 $0x7000  }
0x19c: {  	(v2sf) =	vpush v17, $0xF;
	[tilespmem:s31], [sflag:$0x2] =	stream.linear.gather [hbm4b:s0+s5], $0x400, $0x38;
	[tilespmem:$0x10A80] =	vst v63  }
0x19d: {  	s0 =	spop (v2sf);
	s31 =	simm.s32 $0xF000  }
0x19e: {  	(v2sf) =	vpush v18, $0xF;
	[tilespmem:s31], [sflag:$0x2] =	stream.linear.gather [hbm4b:s0+s5], $0x400, $0x38;
	[tilespmem:$0x10A80] =	vst v63  }
0x19f: {  	s0 =	spop (v2sf);
	s31 =	simm.s32 $0x7400  }
0x1a0: {  	[tilespmem:s31], [sflag:$0x2] =	stream.linear.gather [hbm4b:s0+s5], $0x400, $0x38;
	[tilespmem:$0x10A80] =	vst v63  }
0x1a1: {  	s0 =	spop (v2sf);
	s31 =	simm.s32 $0xF400  }
0x1a2: {  	[tilespmem:s31], [sflag:$0x2] =	stream.linear.gather [hbm4b:s0+s5], $0x400, $0x38;
	[tilespmem:$0x10A80] =	vst v63  }
0x1a3: {  	s0 =	spop (v2sf);
	s31 =	simm.s32 $0x7800  }
0x1a4: {  	[tilespmem:s31], [sflag:$0x2] =	stream.linear.gather [hbm4b:s0+s5], $0x400, $0x38;
	[tilespmem:$0x10A80] =	vst v63  }
0x1a5: {  	s0 =	spop (v2sf);
	s31 =	simm.s32 $0xF800  }
0x1a6: {  	[tilespmem:s31], [sflag:$0x2] =	stream.linear.gather [hbm4b:s0+s5], $0x400, $0x38;
	[tilespmem:$0x10A80] =	vst v63  }
0x1a7: {  	s0 =	spop (v2sf);
	s31 =	simm.s32 $0x7C00  }
0x1a8: {  	[tilespmem:s31], [sflag:$0x2] =	stream.linear.gather [hbm4b:s0+s5], $0x400, $0x38;
	[tilespmem:$0x10A80] =	vst v63  }
0x1a9: {  	s0 =	spop (v2sf);
	s31 =	simm.s32 $0xFC00  }
0x1aa: {  	[tilespmem:s31], [sflag:$0x2] =	stream.linear.gather [hbm4b:s0+s5], $0x400, $0x38;
	[tilespmem:$0x10A80] =	vst v63  }
0x1ab: {  	s0 =	spop (v2sf);
	s31 =	simm.s32 $0x8000  }
0x1ac: {  	[tilespmem:s31], [sflag:$0x2] =	stream.linear.gather [hbm4b:s0+s5], $0x400, $0x38;
	[tilespmem:$0x10A80] =	vst v63  }
0x1ad: {  	s0 =	spop (v2sf);
	s31 =	simm.s32 $0x10000  }
0x1ae: {  	[tilespmem:s31], [sflag:$0x2] =	stream.linear.gather [hbm4b:s0+s5], $0x400, $0x38;
	[tilespmem:$0x10A80] =	vst v63  }
0x1af: {  	_ =	swait.ge [sflag:s25], $0x400  }
0x1b0: {  	[sflag:s25] =	ssyncset.done $0x0  }
0x1b1: {  	[sflag:s25] =	ssyncadd.s32 $0xFFFFFC00  }
0x1b2: {  	_ =	swait.ge [sflag:s25], $0x400  }
0x1b3: {  	[sflag:s25] =	ssyncset.done $0x0  }
0x1b4: {  	[sflag:s25] =	ssyncadd.s32 $0xFFFFFC00  }
0x1b5: {  	_ =	swait.ge [sflag:s25], $0x400  }
0x1b6: {  	[sflag:s25] =	ssyncset.done $0x0  }
0x1b7: {  	[sflag:s25] =	ssyncadd.s32 $0xFFFFFC00  }
0x1b8: {  	_ =	swait.ge [sflag:s25], $0x400  }
0x1b9: {  	[sflag:s25] =	ssyncset.done $0x0  }
0x1ba: {  	[sflag:s25] =	ssyncadd.s32 $0xFFFFFC00  }
0x1bb: {  	_ =	swait.ge [sflag:s25], $0x400  }
0x1bc: {  	[sflag:s25] =	ssyncset.done $0x0  }
0x1bd: {  	[sflag:s25] =	ssyncadd.s32 $0xFFFFFC00  }
0x1be: {  	_ =	swait.ge [sflag:s25], $0x400  }
0x1bf: {  	[sflag:s25] =	ssyncset.done $0x0  }
0x1c0: {  	[sflag:s25] =	ssyncadd.s32 $0xFFFFFC00  }
0x1c1: {  	_ =	swait.ge [sflag:s25], $0x400  }
0x1c2: {  	[sflag:s25] =	ssyncset.done $0x0  }
0x1c3: {  	[sflag:s25] =	ssyncadd.s32 $0xFFFFFC00  }
0x1c4: {  	_ =	swait.ge [sflag:s25], $0x400  }
0x1c5: {  	[sflag:s25] =	ssyncset.done $0x0  }
0x1c6: {  	[sflag:s25] =	ssyncadd.s32 $0xFFFFFC00  }
0x1c7: {  	_ =	swait.ge [sflag:s25], $0x400  }
0x1c8: {  	[sflag:s25] =	ssyncset.done $0x0  }
0x1c9: {  	[sflag:s25] =	ssyncadd.s32 $0xFFFFFC00  }
0x1ca: {  	_ =	swait.ge [sflag:s25], $0x400  }
0x1cb: {  	[sflag:s25] =	ssyncset.done $0x0  }
0x1cc: {  	[sflag:s25] =	ssyncadd.s32 $0xFFFFFC00  }
0x1cd: {  	_ =	swait.ge [sflag:s25], $0x400  }
0x1ce: {  	[sflag:s25] =	ssyncset.done $0x0  }
0x1cf: {  	[sflag:s25] =	ssyncadd.s32 $0xFFFFFC00  }
0x1d0: {  	_ =	swait.ge [sflag:s25], $0x400  }
0x1d1: {  	[sflag:s25] =	ssyncset.done $0x0  }
0x1d2: {  	[sflag:s25] =	ssyncadd.s32 $0xFFFFFC00  }
0x1d3: {  	_ =	swait.ge [sflag:s25], $0x400  }
0x1d4: {  	[sflag:s25] =	ssyncset.done $0x0  }
0x1d5: {  	[sflag:s25] =	ssyncadd.s32 $0xFFFFFC00  }
0x1d6: {  	_ =	swait.ge [sflag:s25], $0x400  }
0x1d7: {  	[sflag:s25] =	ssyncset.done $0x0  }
0x1d8: {  	[sflag:s25] =	ssyncadd.s32 $0xFFFFFC00  }
0x1d9: {  	_ =	swait.ge [sflag:s25], $0x400  }
0x1da: {  	[sflag:s25] =	ssyncset.done $0x0  }
0x1db: {  	[sflag:s25] =	ssyncadd.s32 $0xFFFFFC00  }
0x1dc: {  	_ =	swait.ge [sflag:s25], $0x400  }
0x1dd: {  	[sflag:s25] =	ssyncset.done $0x0  }
0x1de: {  	[sflag:s25] =	ssyncadd.s32 $0xFFFFFC00  }
0x1df: {  	_ =	swait.ge [sflag:s25], $0x400  }
0x1e0: {  	[sflag:s25] =	ssyncset.done $0x0  }
0x1e1: {  	[sflag:s25] =	ssyncadd.s32 $0xFFFFFC00  }
0x1e2: {  	_ =	swait.ge [sflag:s25], $0x400  }
0x1e3: {  	[sflag:s25] =	ssyncset.done $0x0  }
0x1e4: {  	[sflag:s25] =	ssyncadd.s32 $0xFFFFFC00  }
0x1e5: {  	_ =	swait.ge [sflag:s25], $0x400  }
0x1e6: {  	[sflag:s25] =	ssyncset.done $0x0  }
0x1e7: {  	[sflag:s25] =	ssyncadd.s32 $0xFFFFFC00  }
0x1e8: {  	_ =	swait.ge [sflag:s25], $0x400  }
0x1e9: {  	[sflag:s25] =	ssyncset.done $0x0  }
0x1ea: {  	[sflag:s25] =	ssyncadd.s32 $0xFFFFFC00  }
0x1eb: {  	_ =	swait.ge [sflag:s25], $0x400  }
0x1ec: {  	[sflag:s25] =	ssyncset.done $0x0  }
0x1ed: {  	[sflag:s25] =	ssyncadd.s32 $0xFFFFFC00  }
0x1ee: {  	_ =	swait.ge [sflag:s25], $0x400  }
0x1ef: {  	[sflag:s25] =	ssyncset.done $0x0  }
0x1f0: {  	[sflag:s25] =	ssyncadd.s32 $0xFFFFFC00  }
0x1f1: {  	_ =	swait.ge [sflag:s25], $0x400  }
0x1f2: {  	[sflag:s25] =	ssyncset.done $0x0  }
0x1f3: {  	[sflag:s25] =	ssyncadd.s32 $0xFFFFFC00  }
0x1f4: {  	_ =	swait.ge [sflag:s25], $0x400  }
0x1f5: {  	[sflag:s25] =	ssyncset.done $0x0  }
0x1f6: {  	[sflag:s25] =	ssyncadd.s32 $0xFFFFFC00  }
0x1f7: {  	_ =	swait.ge [sflag:s25], $0x400  }
0x1f8: {  	[sflag:s25] =	ssyncset.done $0x0  }
0x1f9: {  	[sflag:s25] =	ssyncadd.s32 $0xFFFFFC00  }
0x1fa: {  	_ =	swait.ge [sflag:s25], $0x400  }
0x1fb: {  	[sflag:s25] =	ssyncset.done $0x0  }
0x1fc: {  	[sflag:s25] =	ssyncadd.s32 $0xFFFFFC00  }
0x1fd: {  	_ =	swait.ge [sflag:s25], $0x400  }
0x1fe: {  	[sflag:s25] =	ssyncset.done $0x0  }
0x1ff: {  	[sflag:s25] =	ssyncadd.s32 $0xFFFFFC00  }
0x200: {  	_ =	swait.ge [sflag:s25], $0x400  }
0x201: {  	[sflag:s25] =	ssyncset.done $0x0  }
0x202: {  	[sflag:s25] =	ssyncadd.s32 $0xFFFFFC00  }
0x203: {  	_ =	swait.ge [sflag:s25], $0x400  }
0x204: {  	[sflag:s25] =	ssyncset.done $0x0  }
0x205: {  	[sflag:s25] =	ssyncadd.s32 $0xFFFFFC00  }
0x206: {  	_ =	swait.ge [sflag:s25], $0x400  }
0x207: {  	[sflag:s25] =	ssyncset.done $0x0  }
0x208: {  	[sflag:s25] =	ssyncadd.s32 $0xFFFFFC00  }
0x209: {  	_ =	swait.ge [sflag:s25], $0x400  }
0x20a: {  	[sflag:s25] =	ssyncset.done $0x0  }
0x20b: {  	[sflag:s25] =	ssyncadd.s32 $0xFFFFFC00  }
0x20c: {  	_ =	swait.ge [sflag:s25], $0x400  }
0x20d: {  	[sflag:s25] =	ssyncset.done $0x0  }
0x20e: {  	s31 =	sand.u32 $0x1F0, s28;
	[sflag:s25] =	ssyncadd.s32 $0xFFFFFC00  }
0x20f: {  	v17 =	vld [tilespmem:s31+$0x0]  }
0x210: {  	v18 =	vld [tilespmem:s31+$0x200];
	_ =	sdelay $0x3  }
0x211: {  	v17 =	vand.u32 $0x7F, v17  }
0x212: {  	v18 =	vand.u32 $0x7F, v18;
	v19 =	vor.u32 v0, v17  }
0x213: {  	v20 =	vor.u32 v0, v18  }
0x214: {  	v21 =	vor.u32 v10, v17  }
0x215: {  	v22 =	vor.u32 v10, v18  }
0x216: {  	v23 =	vld [tilespmem:s31+$0x10880];
	v24 =	vor.u32 v11, v17  }
0x217: {  	v25 =	vor.u32 v11, v18;
	v19 =	vld.idx.msk [tilespmem:v19+s17+$0x0], $0xffff  }
0x218: {  	v26 =	vor.u32 v12, v17;
	v20 =	vld.idx.msk [tilespmem:v20+s18+$0x0], $0xffff  }
0x219: {  	v27 =	vor.u32 v12, v18;
	v21 =	vld.idx.msk [tilespmem:v21+s17+$0x0], $0xffff  }
0x21a: {  	v28 =	vor.u32 v13, v17;
	v22 =	vld.idx.msk [tilespmem:v22+s18+$0x0], $0xffff  }
0x21b: {  	v29 =	vor.u32 v13, v18;
	v24 =	vld.idx.msk [tilespmem:v24+s17+$0x0], $0xffff  }
0x21c: {  	v30 =	vor.u32 v14, v17;
	v25 =	vld.idx.msk [tilespmem:v25+s18+$0x0], $0xffff  }
0x21d: {  	v53 =	vor.u32 v14, v18;
	v52 =	vld.idx.msk [tilespmem:v26+s17+$0x0], $0xffff;
	v19 =	vmul.f32 v20, v19  }
0x21e: {  	v31 =	vor.u32 v15, v17;
	v27 =	vld.idx.msk [tilespmem:v27+s18+$0x0], $0xffff  }
0x21f: {  	v55 =	vor.u32 v15, v18;
	v54 =	vld.idx.msk [tilespmem:v28+s17+$0x0], $0xffff;
	v21 =	vmul.f32 v22, v21;
	v19 =	vadd.f32 v19, v23  }
0x220: {  	v17 =	vor.u32 v16, v17;
	v56 =	vld.idx.msk [tilespmem:v29+s18+$0x0], $0xffff  }
0x221: {  	v18 =	vor.u32 v16, v18;
	v58 =	vld.idx.msk [tilespmem:v30+s17+$0x0], $0xffff;
	v57 =	vmul.f32 v25, v24;
	v19 =	vadd.f32 v21, v19  }
0x222: {  	v59 =	vld.idx.msk [tilespmem:v53+s18+$0x0], $0xffff  }
0x223: {  	v60 =	vld.idx.msk [tilespmem:v31+s17+$0x0], $0xffff;
	v20 =	vmul.f32 v27, v52;
	v19 =	vadd.f32 v57, v19  }
0x224: {  	v23 =	vld.idx.msk [tilespmem:v55+s18+$0x0], $0xffff  }
0x225: {  	v17 =	vld.idx.msk [tilespmem:v17+s17+$0x0], $0xffff;
	v61 =	vmul.f32 v56, v54;
	v19 =	vadd.f32 v20, v19  }
0x226: {  	v18 =	vld.idx.msk [tilespmem:v18+s18+$0x0], $0xffff  }
0x227: {  	v62 =	vmul.f32 v59, v58;
	v19 =	vadd.f32 v61, v19;
	_ =	sdelay $0x1  }
0x228: {  	v63 =	vmul.f32 v23, v60;
	v19 =	vadd.f32 v62, v19  }
0x229: {  	p0 =	seq.s32 s30, $0x0  }
.Ltmp4:
0x22a: {  	v17 =	vmul.f32 v18, v17;
	v19 =	vadd.f32 v63, v19;
	(pc) =	sbr.rel @p0 .LBB2_7-.Ltmp4, $4  }
.Ltmp5:
0x22b: {  	_ = 	snop;
	(pc) =	sbr.rel @!p0 .LBB2_6-.Ltmp5, $4  }
0x22c: {  	v17 =	vadd.f32 v17, v19  }
0x22d: {  	_ = 	snop  }
0x22e: {  	[tilespmem:s31+$0x10880] =	vst v17  }
0x22f: {  	_ = 	snop  }
.LBB2_8:
0x230: {  	s0 =	simm.s32 $0x3  }
0x231: {  	_ =	swait.ge [sflag:s0], $0x200  }
0x232: {  	[sflag:s0] =	ssyncset.done $0x0  }
0x233: {  	[sflag:s0] =	ssyncadd.s32 $0xFFFFFE00  }
0x234: {  	_ =	swait.ge [sflag:s0], $0x200  }
0x235: {  	[sflag:s0] =	ssyncset.done $0x0  }
0x236: {  	[sflag:s0] =	ssyncadd.s32 $0xFFFFFE00  }
0x237: {  	s28 =	simm.s32 $0x0;
	s29 =	simm.s32 $0x40;
	v17 =	vld [tilespmem:$0x10800]  }
.LBB2_9:
0x238: {  	p0 =	sne.s32 s29, $0x7C0;
	v18 =	vld [tilespmem:s28+$0x10880];
	_ =	sdelay $0x1  }
0x239: {  	v19 =	vld [tilespmem:s28+$0x10400];
	_ =	sdelay $0x1  }
0x23a: {  	v20 =	vld [tilespmem:s28+$0x10600]  }
0x23b: {  	v18 =	vadd.f32 v18, v17;
	_ =	sdelay $0x1  }
.Ltmp6:
0x23c: {  	v18 =	vadd.f32 v19, v18;
	(pc) =	sbr.rel @p0 .LBB2_9-.Ltmp6, $3  }
0x23d: {  	_ = 	snop  }
0x23e: {  	v18 =	vadd.f32 v20, v18;
	_ =	sdelay $0x1  }
0x23f: {  	[tilespmem:s28+$0x10880] =	vst v18;
	s28 =	sshra.s32 s29, $0x2;
	s29 =	sadd.s32 $0x40, s29  }
0x240: {  	v18 =	vld [tilespmem:s28+$0x10880];
	_ =	sdelay $0x1  }
0x241: {  	v19 =	vld [tilespmem:s28+$0x10400];
	_ =	sdelay $0x1  }
0x242: {  	v20 =	vld [tilespmem:s28+$0x10600]  }
0x243: {  	v17 =	vadd.f32 v18, v17;
	_ =	sdelay $0x1  }
0x244: {  	v17 =	vadd.f32 v19, v17;
	_ =	sdelay $0x1  }
0x245: {  	v17 =	vadd.f32 v20, v17;
	_ =	sdelay $0x1  }
0x246: {  	s0 =	rddreg [dreg:$0xc];
	s30 =	simm.s32 $0x10880;
	[tilespmem:s28+$0x10880] =	vst v17  }
0x247: {  	[hbm4b:s0+s5] =	stream.linear.scatter [tilespmem:s30], [sflag:$0x4], $0x200, $0x38;
	[tilespmem:$0x10A80] =	vst v63  }
0x248: {  	_ =	swait.ge [sflag:s12], $0x200  }
0x249: {  	s26 =	sadd.s32 $0x1, s26;
	s31 =	rddreg [dreg:$0xd]  }
0x24a: {  	p0 =	sne.s32 s26, s31  }
.Ltmp7:
0x24b: {  	_ = 	snop;
	(pc) =	sbr.rel @p0 .LBB2_1-.Ltmp7, $3  }
0x24c: {  	_ =	sdelay $0x1  }
0x24d: {  	[sflag:s12] =	ssyncset.done $0x0  }
0x24e: {  	[sflag:s12] =	ssyncadd.s32 $0xFFFFFE00  }
0x24f: {  	_ =	sfence.sel $0x180000  }
0x250: {  	[bflag:$0x0] =	sbarrier.arrive $0xFFFF  }
0x251: {  	_ =	strace $0x90000047  }
0x252: {  	s0 =	stileid.u32;
	[bflag:$0x2] =	sbarrier.arrive $0xFFFF  }
0x253: {  	p0 =	sne.s32 s0, $0x0;
	s0 =	rddreg [dreg:$0x8]  }
0x254: {  	s0 =	sadd.s32 @!p0 $0x100000, s0  }
0x255: {  	[sflag:s0] =	ssyncadd.tile.s32 @!p0 $0x1;
	_ =	shalt  }
.Lfunc_end2:
_tile_overlayer_lowered:
.L_overlay_start_2:
0x256: {  	(tag) =	ssettag $0x2  }
0x257: {  	s0 =	rddreg [dreg:$0x0];
	s2 =	stileid.u32  }
0x258: {  	s1 =	rddreg [dreg:$0x1];
	p0 =	sne.s32 s2, $0x0  }
0x259: {  	s3 =	rddreg [dreg:$0x2];
	[bflag:$0x3] =	sbarrier.arrive $0xFFFF;
	s2 =	simm.s32 @!p0 $0x1C04  }
0x25a: {  	[timem:s3], [sflag:s2] =	dma.local @!p0 [hbm:s0], s1  }
0x25b: {  	s0 =	simm.s32 @!p0 $0x4  }
0x25c: {  	_ =	swait.ge @!p0 [sflag:s0], s1  }
0x25d: {  	s1 =	ssub.s32 @!p0 $0x0, s1;
	[sflag:s0] =	ssyncset.done @!p0 $0x0  }
0x25e: {  	[sflag:s0] =	ssyncadd.s32 @!p0 s1  }
0x25f: {  	[bflag:$0x3] =	sbarrier.arrive $0xFFFF  }
0x260: {  	_ =	shalt  }

</sc_bundles>
